<compile_context>
chip_gen: v7x
topology: tpu7x:2x2x1
jax: 0.10.2.dev20260603
libtpu: 0.0.44.dev20260713+nightly
codegen_flags: <defaults>
</compile_context>

<pallas_src>
import functools
import math

import jax
import jax.numpy as jnp
from jax import lax
from jax.experimental import pallas as pl
from jax.experimental.pallas import tpu as pltpu
from jax.experimental.pallas import tpu_sc as plsc

_Bb = 2
_Cc = 80
_LC = 5.0
_LN = 0.1
_BS = 32
_S = 128
_NT = 100
_CELL = 1.0 / _S
_NCHUNK = 7
_NPAD = _NCHUNK * 16

_NC = 2
_NS = 16
_L = 16


def _sigmoid(x):
    return 1.0 / (1.0 + jnp.exp(-x))


def _mesh():
    return plsc.VectorSubcoreMesh(core_axis_name="c", subcore_axis_name="s",
                                  num_cores=_NC, num_subcores=_NS)


_SC_PARAMS = pltpu.CompilerParams(needs_layout_passes=False,
                                  use_tc_tiling_on_sc=False)


def _cells_of(tgt_v, c):
    lanes = lax.iota(jnp.int32, _L)
    lane = lanes + c * _L
    lv = jnp.minimum(lane, _NT - 1)
    base = lv * 5
    cx = plsc.load_gather(tgt_v, [base + 1])
    cy = plsc.load_gather(tgt_v, [base + 2])
    col_f = cx * float(_S)
    row_f = cy * float(_S)
    cols_c = jnp.clip(col_f.astype(jnp.int32), 0, _S - 1)
    rows_c = jnp.clip(row_f.astype(jnp.int32), 0, _S - 1)
    valid = lane < _NT
    return lane, lv, col_f, row_f, cols_c, rows_c, valid


def _sc1_body(tgt, meta_out, box_out, tgt_v, mbuf_v, meta_v, box_v):
    b = lax.axis_index("s") * _NC + lax.axis_index("c")
    zf = jnp.zeros((_L,), jnp.float32)
    zi = jnp.zeros((_L,), jnp.int32)

    def _zero_m(i, _):
        meta_v[pl.ds(i * _L, _L)] = zi
        return 0
    lax.fori_loop(0, (_S * _S) // _L, _zero_m, 0)

    def _zero_b(i, _):
        box_v[pl.ds(i * _L, _L)] = zf
        return 0
    lax.fori_loop(0, (4 * _S * _S) // _L, _zero_b, 0)

    pltpu.sync_copy(tgt.at[b], tgt_v)

    def _pc(c, _):
        lane, lv, col_f, row_f, cols_c, rows_c, valid = _cells_of(tgt_v, c)
        base = lv * 5
        cls_i = plsc.load_gather(tgt_v, [base + 0]).astype(jnp.int32)
        cx = plsc.load_gather(tgt_v, [base + 1])
        cy = plsc.load_gather(tgt_v, [base + 2])
        w = plsc.load_gather(tgt_v, [base + 3])
        h = plsc.load_gather(tgt_v, [base + 4])
        mval = 1 | (cls_i << 1)
        mbuf_v[pl.ds(c * _L, _L)] = mval
        cell = rows_c * _S + cols_c
        plsc.store_scatter(meta_v, [cell], mval, mask=valid)
        plsc.store_scatter(box_v, [cell], cx, mask=valid)
        plsc.store_scatter(box_v, [cell + _S * _S], cy, mask=valid)
        plsc.store_scatter(box_v, [cell + 2 * _S * _S], w, mask=valid)
        plsc.store_scatter(box_v, [cell + 3 * _S * _S], h, mask=valid)
        return 0
    lax.fori_loop(0, _NCHUNK, _pc, 0)

    def _pnx(c, _):
        _, _, col_f, _, cols_c, rows_c, valid = _cells_of(tgt_v, c)
        frac = col_f - cols_c.astype(jnp.float32)
        dx = jnp.where(frac >= 0.5, 1, -1).astype(jnp.int32)
        nc = cols_c + dx
        ok = valid & (nc >= 0) & (nc < _S)
        mval = mbuf_v[pl.ds(c * _L, _L)]
        plsc.store_scatter(meta_v, [rows_c * _S + jnp.clip(nc, 0, _S - 1)], mval, mask=ok)
        return 0
    lax.fori_loop(0, _NCHUNK, _pnx, 0)

    def _pny(c, _):
        _, _, _, row_f, cols_c, rows_c, valid = _cells_of(tgt_v, c)
        frac = row_f - rows_c.astype(jnp.float32)
        dy = jnp.where(frac >= 0.5, 1, -1).astype(jnp.int32)
        nr = rows_c + dy
        ok = valid & (nr >= 0) & (nr < _S)
        mval = mbuf_v[pl.ds(c * _L, _L)]
        plsc.store_scatter(meta_v, [jnp.clip(nr, 0, _S - 1) * _S + cols_c], mval, mask=ok)
        return 0
    lax.fori_loop(0, _NCHUNK, _pny, 0)

    pltpu.sync_copy(meta_v, meta_out.at[b])
    pltpu.sync_copy(box_v, box_out.at[b])


def _sc1(tgt_pad):
    return pl.kernel(
        _sc1_body,
        out_type=(
            jax.ShapeDtypeStruct((_BS, _S * _S), jnp.int32),
            jax.ShapeDtypeStruct((_BS, 4 * _S * _S), jnp.float32),
        ),
        mesh=_mesh(),
        compiler_params=_SC_PARAMS,
        scratch_types=[
            pltpu.VMEM((512,), jnp.float32),
            pltpu.VMEM((_NPAD,), jnp.int32),
            pltpu.VMEM((_S * _S,), jnp.int32),
            pltpu.VMEM((4 * _S * _S,), jnp.float32),
        ],
    )(tgt_pad)


def _sc2_body(tgt, bjs_rows, meta_out, tgt_v, idx_v, rows_v, mbuf_v, meta_v, sem):
    b = lax.axis_index("s") * _NC + lax.axis_index("c")
    zi = jnp.zeros((_L,), jnp.int32)

    def _zero_m(i, _):
        meta_v[pl.ds(i * _L, _L)] = zi
        return 0
    lax.fori_loop(0, (_S * _S) // _L, _zero_m, 0)

    pltpu.sync_copy(tgt.at[b], tgt_v)

    def _p1(c, _):
        _, _, _, _, cols_c, rows_c, _ = _cells_of(tgt_v, c)
        g = b * (_S * _S) + rows_c * _S + cols_c
        idx_v[0, pl.ds(c * _L, _L)] = g >> 7
        return 0
    lax.fori_loop(0, _NCHUNK, _p1, 0)

    pltpu.async_copy(bjs_rows.at[idx_v.at[0]], rows_v, sem).wait()

    def _p2(c, _):
        lane, _, _, _, cols_c, rows_c, valid = _cells_of(tgt_v, c)
        g = b * (_S * _S) + rows_c * _S + cols_c
        bjs = plsc.load_gather(rows_v, [lane, g & 127])
        mval = 1 | (bjs << 1)
        mbuf_v[pl.ds(c * _L, _L)] = mval
        plsc.store_scatter(meta_v, [rows_c * _S + cols_c], mval, mask=valid)
        return 0
    lax.fori_loop(0, _NCHUNK, _p2, 0)

    def _pnx(c, _):
        _, _, col_f, _, cols_c, rows_c, valid = _cells_of(tgt_v, c)
        frac = col_f - cols_c.astype(jnp.float32)
        dx = jnp.where(frac >= 0.5, 1, -1).astype(jnp.int32)
        nc = cols_c + dx
        ok = valid & (nc >= 0) & (nc < _S)
        mval = mbuf_v[pl.ds(c * _L, _L)]
        plsc.store_scatter(meta_v, [rows_c * _S + jnp.clip(nc, 0, _S - 1)], mval, mask=ok)
        return 0
    lax.fori_loop(0, _NCHUNK, _pnx, 0)

    def _pny(c, _):
        _, _, _, row_f, cols_c, rows_c, valid = _cells_of(tgt_v, c)
        frac = row_f - rows_c.astype(jnp.float32)
        dy = jnp.where(frac >= 0.5, 1, -1).astype(jnp.int32)
        nr = rows_c + dy
        ok = valid & (nr >= 0) & (nr < _S)
        mval = mbuf_v[pl.ds(c * _L, _L)]
        plsc.store_scatter(meta_v, [jnp.clip(nr, 0, _S - 1) * _S + cols_c], mval, mask=ok)
        return 0
    lax.fori_loop(0, _NCHUNK, _pny, 0)

    pltpu.sync_copy(meta_v, meta_out.at[b])


def _sc2(tgt_pad, bjs_rows):
    return pl.kernel(
        _sc2_body,
        out_type=jax.ShapeDtypeStruct((_BS, _S * _S), jnp.int32),
        mesh=_mesh(),
        compiler_params=_SC_PARAMS,
        scratch_types=[
            pltpu.VMEM((512,), jnp.float32),
            pltpu.VMEM((1, _NPAD), jnp.int32),
            pltpu.VMEM((_NPAD, 128), jnp.int32),
            pltpu.VMEM((_NPAD,), jnp.int32),
            pltpu.VMEM((_S * _S,), jnp.int32),
            pltpu.SemaphoreType.DMA,
        ],
    )(tgt_pad, bjs_rows)


_RB = 128


def _softplus(v):
    return jnp.maximum(v, 0.0) + jnp.log1p(jnp.exp(-jnp.abs(v)))


def _focal(logits, t):
    bce = (jnp.maximum(logits, 0.0) - logits * t
           + jnp.log1p(jnp.exp(-jnp.abs(logits))))
    p_t = t * _sigmoid(logits) + (1.0 - t) * _sigmoid(-logits)
    a_t = t * 0.25 + (1.0 - t) * 0.75
    return a_t * (1.0 - p_t) ** 2 * bce


def _tc1_body(pred_ref, meta_ref, box_ref, bjs_ref, a0_ref, a1_ref,
              cls_ref, no_ref):
    rb = pl.program_id(1)
    x = pred_ref[0]
    meta = meta_ref[0]
    box = box_ref[0]

    xt = jnp.transpose(x.reshape(_RB * _S, 90), (1, 0)).reshape(90, _RB, _S)

    cid = meta >> 1

    cols_g = lax.broadcasted_iota(jnp.int32, (_RB, _S), 1).astype(jnp.float32)
    rows_g = (lax.broadcasted_iota(jnp.int32, (_RB, _S), 0)
              + rb * _RB).astype(jnp.float32)

    gax, gay, gw0, gh0 = (box[k] for k in range(4))
    center = gw0 > 0.0
    grx = jnp.where(center, gax * float(_S) - cols_g, 0.0)
    gry = jnp.where(center, gay * float(_S) - rows_g, 0.0)
    gx1 = gax - gw0 * 0.5
    gy1 = gay - gh0 * 0.5
    gx2 = gax + gw0 * 0.5
    gy2 = gay + gh0 * 0.5
    garea = jnp.clip(gx2 - gx1, 0.0, None) * jnp.clip(gy2 - gy1, 0.0, None)

    pdec = []
    ious = []
    for j in range(2):
        p_cx = jnp.clip((_sigmoid(xt[5 * j + 0]) + cols_g) * _CELL, 0.0, 1.0)
        p_cy = jnp.clip((_sigmoid(xt[5 * j + 1]) + rows_g) * _CELL, 0.0, 1.0)
        p_w = jnp.clip(jnp.exp(jnp.clip(xt[5 * j + 2], -10.0, 10.0)) * _CELL, 1e-6, 1.0)
        p_h = jnp.clip(jnp.exp(jnp.clip(xt[5 * j + 3], -10.0, 10.0)) * _CELL, 1e-6, 1.0)
        pdec.append((p_cx, p_cy, p_w, p_h))
        px1 = p_cx - p_w * 0.5
        py1 = p_cy - p_h * 0.5
        px2 = p_cx + p_w * 0.5
        py2 = p_cy + p_h * 0.5
        ix1 = jnp.maximum(px1, gx1)
        iy1 = jnp.maximum(py1, gy1)
        ix2 = jnp.minimum(px2, gx2)
        iy2 = jnp.minimum(py2, gy2)
        inter = jnp.clip(ix2 - ix1, 0.0, None) * jnp.clip(iy2 - iy1, 0.0, None)
        union = (jnp.clip(px2 - px1, 0.0, None) * jnp.clip(py2 - py1, 0.0, None)
                 + garea - inter)
        ious.append(inter / (union + 1e-6))

    bjs_ref[0] = (ious[1] > ious[0]).astype(jnp.int32)

    gd_cx = (grx + cols_g) * _CELL
    gd_cy = (gry + rows_g) * _CELL

    eps = 1e-6
    gw = jnp.clip(gw0, eps, None)
    gh = jnp.clip(gh0, eps, None)
    ggx1 = gd_cx - gw * 0.5
    ggy1 = gd_cy - gh * 0.5
    ggx2 = gd_cx + gw * 0.5
    ggy2 = gd_cy + gh * 0.5
    atan_g = lax.atan2(gw, gh + eps)
    area_g = (ggx2 - ggx1) * (ggy2 - ggy1)

    t = jnp.where(center, jnp.maximum(ious[0], ious[1]), 0.0)
    for j, out_ref in ((0, a0_ref), (1, a1_ref)):
        pd_cx, pd_cy, pd_w, pd_h = pdec[j]
        pw = jnp.clip(pd_w, eps, None)
        ph = jnp.clip(pd_h, eps, None)
        px1 = pd_cx - pw * 0.5
        py1 = pd_cy - ph * 0.5
        px2 = pd_cx + pw * 0.5
        py2 = pd_cy + ph * 0.5
        ix1 = jnp.maximum(px1, ggx1)
        iy1 = jnp.maximum(py1, ggy1)
        ix2 = jnp.minimum(px2, ggx2)
        iy2 = jnp.minimum(py2, ggy2)
        inter = jnp.clip(ix2 - ix1, 0.0, None) * jnp.clip(iy2 - iy1, 0.0, None)
        union = (px2 - px1) * (py2 - py1) + area_g - inter
        iou_val = inter / (union + eps)
        rho2 = (pd_cx - gd_cx) ** 2 + (pd_cy - gd_cy) ** 2
        ex1 = jnp.minimum(px1, ggx1)
        ey1 = jnp.minimum(py1, ggy1)
        ex2 = jnp.maximum(px2, ggx2)
        ey2 = jnp.maximum(py2, ggy2)
        c2 = (ex2 - ex1) ** 2 + (ey2 - ey1) ** 2 + eps
        v = (4.0 / math.pi ** 2) * (atan_g - lax.atan2(pw, ph + eps)) ** 2
        alpha = v / (1.0 - iou_val + v + eps)
        ciou = 1.0 - iou_val + rho2 / c2 + alpha * v
        ciou = jnp.nan_to_num(ciou, nan=0.0, posinf=10.0, neginf=0.0)
        out_ref[0] = _LC * ciou + _focal(xt[4 + 5 * j], t)

    no_ref[0] = (0.75 * _sigmoid(xt[4]) ** 2 * _softplus(xt[4])
                 + 0.75 * _sigmoid(xt[9]) ** 2 * _softplus(xt[9]))

    ch_iota = lax.broadcasted_iota(jnp.int32, (90, _RB, _S), 0)
    sel = ch_iota == (cid + 10)[None]
    contrib = _softplus(xt) - jnp.where(sel, xt, 0.0)
    cls_all = jnp.sum(contrib, axis=0)
    box10 = sum(_softplus(xt[k]) for k in range(10))
    cls_ref[0] = cls_all - box10


def _tc1(predictions, meta1, box6):
    grid = (_BS, _S // _RB)
    pf = jax.ShapeDtypeStruct((_BS, _S, _S), jnp.float32)
    blk = pl.BlockSpec((1, _RB, _S), lambda b, r: (b, r, 0))
    return pl.pallas_call(
        _tc1_body,
        grid=grid,
        in_specs=[
            pl.BlockSpec((1, _RB, _S, _Bb * 5 + _Cc), lambda b, r: (b, r, 0, 0)),
            blk,
            pl.BlockSpec((1, 4, _RB, _S), lambda b, r: (b, 0, r, 0)),
        ],
        out_specs=[blk] * 5,
        out_shape=[jax.ShapeDtypeStruct((_BS, _S, _S), jnp.int32),
                   pf, pf, pf, pf],
    )(predictions, meta1, box6)


_RB2 = 64


def _tc2_body(meta_ref, a0_ref, a1_ref, cls_ref, no_ref, out_ref):
    meta = meta_ref[0]
    obj = (meta & 1).astype(jnp.float32)
    resp = ((meta >> 1) & 1) == 1
    a = jnp.where(resp, a1_ref[0], a0_ref[0])
    partial = jnp.sum((a + cls_ref[0]) * obj
                      + _LN * no_ref[0] * (1.0 - obj))

    @pl.when((pl.program_id(0) == 0) & (pl.program_id(1) == 0))
    def _():
        out_ref[0, 0] = 0.0
    out_ref[0, 0] += partial


def _tc2(meta2, a0, a1, clsm, nom):
    grid = (_BS, _S // _RB2)
    blk = pl.BlockSpec((1, _RB2, _S), lambda b, r: (b, r, 0))
    return pl.pallas_call(
        _tc2_body,
        grid=grid,
        in_specs=[blk] * 5,
        out_specs=pl.BlockSpec(memory_space=pltpu.SMEM,
                               block_shape=(1, 1),
                               index_map=lambda b, r: (0, 0)),
        out_shape=jax.ShapeDtypeStruct((1, 1), jnp.float32),
    )(meta2, a0, a1, clsm, nom)


def kernel(predictions, targets):
    tgt_pad = jnp.zeros((_BS, 512), jnp.float32)
    tgt_pad = tgt_pad.at[:, : _NT * 5].set(targets.reshape(_BS, _NT * 5))
    meta1, box4 = _sc1(tgt_pad)
    bjs, a0, a1, clsm, nom = _tc1(
        predictions,
        meta1.reshape(_BS, _S, _S),
        box4.reshape(_BS, 4, _S, _S),
    )
    meta2 = _sc2(tgt_pad, bjs.reshape(_BS * _S, _S))
    acc = _tc2(meta2.reshape(_BS, _S, _S), a0, a1, clsm, nom)
    return acc[0, 0] / _BS

# --- scband reference (transcript-rebuilt; emitter-appended) ---
"""Pipeline reference for scband-custom-cnnloss-62775241999266 (READ-ONLY COPY).

The authoritative reference and input builder live on the scoring server;
editing this copy changes nothing except your own understanding.
"""

import math
import jax, jax.numpy as jnp
import numpy as np

Bb = 2
Cc = 80
LC = 5.0
LN = 0.1

def _iou(bp, bg):
    px1 = bp[..., 0] - bp[..., 2] / 2
    py1 = bp[..., 1] - bp[..., 3] / 2
    px2 = bp[..., 0] + bp[..., 2] / 2
    py2 = bp[..., 1] + bp[..., 3] / 2
    gx1 = bg[..., 0] - bg[..., 2] / 2
    gy1 = bg[..., 1] - bg[..., 3] / 2
    gx2 = bg[..., 0] + bg[..., 2] / 2
    gy2 = bg[..., 1] + bg[..., 3] / 2
    ix1 = jnp.maximum(px1, gx1); iy1 = jnp.maximum(py1, gy1)
    ix2 = jnp.minimum(px2, gx2); iy2 = jnp.minimum(py2, gy2)
    inter = jnp.clip(ix2 - ix1, 0) * jnp.clip(iy2 - iy1, 0)
    union = jnp.clip(px2 - px1, 0) * jnp.clip(py2 - py1, 0) + jnp.clip(gx2 - gx1, 0) * jnp.clip(gy2 - gy1, 0) - inter
    return inter / (union + 1e-6)

def _ciou(bp, bg):
    eps = 1e-6
    pw = jnp.clip(bp[..., 2], eps); ph = jnp.clip(bp[..., 3], eps)
    gw = jnp.clip(bg[..., 2], eps); gh = jnp.clip(bg[..., 3], eps)
    px1 = bp[..., 0] - pw / 2; py1 = bp[..., 1] - ph / 2
    px2 = bp[..., 0] + pw / 2; py2 = bp[..., 1] + ph / 2
    gx1 = bg[..., 0] - gw / 2; gy1 = bg[..., 1] - gh / 2
    gx2 = bg[..., 0] + gw / 2; gy2 = bg[..., 1] + gh / 2
    ix1 = jnp.maximum(px1, gx1); iy1 = jnp.maximum(py1, gy1)
    ix2 = jnp.minimum(px2, gx2); iy2 = jnp.minimum(py2, gy2)
    inter = jnp.clip(ix2 - ix1, 0) * jnp.clip(iy2 - iy1, 0)
    area_p = (px2 - px1) * (py2 - py1)
    area_g = (gx2 - gx1) * (gy2 - gy1)
    union = area_p + area_g - inter
    iou_val = inter / (union + eps)
    rho2 = (bp[..., 0] - bg[..., 0]) ** 2 + (bp[..., 1] - bg[..., 1]) ** 2
    ex1 = jnp.minimum(px1, gx1); ey1 = jnp.minimum(py1, gy1)
    ex2 = jnp.maximum(px2, gx2); ey2 = jnp.maximum(py2, gy2)
    c2 = (ex2 - ex1) ** 2 + (ey2 - ey1) ** 2 + eps
    v = 4.0 / math.pi ** 2 * (jnp.arctan(gw / (gh + eps)) - jnp.arctan(pw / (ph + eps))) ** 2
    alpha = jax.lax.stop_gradient(v / (1 - iou_val + v + eps))
    res = 1 - iou_val + rho2 / c2 + alpha * v
    return jnp.nan_to_num(res, nan=0.0, posinf=10.0, neginf=0.0)

def _focal(logits, t, gamma=2.0, alpha=0.25):
    bce = jnp.maximum(logits, 0) - logits * t + jnp.log1p(jnp.exp(-jnp.abs(logits)))
    p_t = t * jax.nn.sigmoid(logits) + (1 - t) * jax.nn.sigmoid(-logits)
    a_t = t * alpha + (1 - t) * (1 - alpha)
    return a_t * (1 - p_t) ** gamma * bce

def _forward(predictions, targets):
    bs, S = predictions.shape[0], predictions.shape[1]
    cell = 1.0 / S
    Nt = targets.shape[1]
    tf = targets.reshape(-1, 5)
    b_idx = jnp.repeat(jnp.arange(bs, dtype=jnp.int32), Nt)
    cls_ids = tf[:, 0].astype(jnp.int32)
    cx, cy, w, h = tf[:, 1], tf[:, 2], tf[:, 3], tf[:, 4]
    col_f = cx / cell; row_f = cy / cell
    cols_c = jnp.clip(col_f.astype(jnp.int32), 0, S - 1)
    rows_c = jnp.clip(row_f.astype(jnp.int32), 0, S - 1)
    cx_rel = col_f - cols_c.astype(jnp.float32)
    cy_rel = row_f - rows_c.astype(jnp.float32)
    pred_at = predictions[b_idx, rows_c, cols_c, :Bb * 5].reshape(-1, Bb, 5)
    p_cx = jnp.clip((jax.nn.sigmoid(pred_at[:, :, 0]) + cols_c[:, None].astype(jnp.float32)) * cell, 0.0, 1.0)
    p_cy = jnp.clip((jax.nn.sigmoid(pred_at[:, :, 1]) + rows_c[:, None].astype(jnp.float32)) * cell, 0.0, 1.0)
    p_w = jnp.clip(jnp.exp(jnp.clip(pred_at[:, :, 2], -10.0, 10.0)) * cell, 1e-6, 1.0)
    p_h = jnp.clip(jnp.exp(jnp.clip(pred_at[:, :, 3], -10.0, 10.0)) * cell, 1e-6, 1.0)
    pb = jnp.stack([p_cx, p_cy, p_w, p_h], axis=-1)
    gb = jnp.broadcast_to(jnp.stack([cx, cy, w, h], axis=1)[:, None, :], pb.shape)
    ious = _iou(pb, gb)
    best_js = jnp.argmax(ious, axis=1).astype(jnp.int32)
    best_iou_vals = jax.lax.stop_gradient(jnp.max(ious, axis=1))
    flat_center = b_idx * (S * S) + rows_c * S + cols_c
    G = bs * S * S
    obj_mask = jnp.zeros((G,), bool).at[flat_center].set(True)
    best_iou_gt = jnp.zeros((G,), jnp.float32).at[flat_center].set(best_iou_vals)
    resp_idx = jnp.zeros((G,), jnp.int32).at[flat_center].set(best_js)
    gt_box = jnp.zeros((G, 4), jnp.float32).at[flat_center].set(jnp.stack([cx_rel, cy_rel, w, h], axis=1))
    oh = jax.nn.one_hot(cls_ids, Cc, dtype=jnp.float32)
    gt_cls = jnp.zeros((G, Cc), jnp.float32).at[flat_center].set(oh)
    frac_x = col_f - cols_c.astype(jnp.float32)
    frac_y = row_f - rows_c.astype(jnp.float32)
    dx = jnp.where(frac_x >= 0.5, 1, -1).astype(jnp.int32)
    dy = jnp.where(frac_y >= 0.5, 1, -1).astype(jnp.int32)
    for nb_col, nb_row in [(cols_c + dx, rows_c), (cols_c, rows_c + dy)]:
        ok = (nb_col >= 0) & (nb_col < S) & (nb_row >= 0) & (nb_row < S)
        flat_nb = jnp.where(ok, b_idx * (S * S) + nb_row * S + nb_col, -1)
        obj_mask = obj_mask.at[flat_nb].set(True, mode='drop')
        resp_idx = resp_idx.at[flat_nb].set(best_js, mode='drop')
        gt_cls = gt_cls.at[flat_nb].set(oh, mode='drop')
    obj = obj_mask.reshape(bs, S, S).astype(jnp.float32)
    resp = resp_idx.reshape(bs, S, S)
    best_iou_gt = best_iou_gt.reshape(bs, S, S)
    gt_box = gt_box.reshape(bs, S, S, 4)
    gt_cls = gt_cls.reshape(bs, S, S, Cc)
    pba = predictions[..., :Bb * 5].reshape(bs, S, S, Bb, 5)
    pred_cls = predictions[..., Bb * 5:]
    idx = jnp.broadcast_to(resp[:, :, :, None, None], (bs, S, S, 1, 5))
    pr = jnp.take_along_axis(pba, idx, axis=3)[:, :, :, 0, :]
    cols_g = jnp.arange(S, dtype=jnp.float32)[None, None, :]
    rows_g = jnp.arange(S, dtype=jnp.float32)[None, :, None]
    pd = jnp.stack([
        jnp.clip((jax.nn.sigmoid(pr[..., 0]) + cols_g) * cell, 0.0, 1.0),
        jnp.clip((jax.nn.sigmoid(pr[..., 1]) + rows_g) * cell, 0.0, 1.0),
        jnp.clip(jnp.exp(jnp.clip(pr[..., 2], -10.0, 10.0)) * cell, 1e-6, 1.0),
        jnp.clip(jnp.exp(jnp.clip(pr[..., 3], -10.0, 10.0)) * cell, 1e-6, 1.0),
    ], axis=-1)
    gd = jnp.stack([
        (gt_box[..., 0] + cols_g) * cell,
        (gt_box[..., 1] + rows_g) * cell,
        gt_box[..., 2],
        gt_box[..., 3],
    ], axis=-1)
    loss_coord = LC * jnp.sum(_ciou(pd, gd) * obj) / bs
    loss_conf = jnp.sum(_focal(pr[..., 4], best_iou_gt) * obj) / bs
    loss_noobj = LN * jnp.sum(_focal(pba[..., 4], jnp.zeros_like(pba[..., 4])) * (1.0 - obj)[..., None]) / bs
    bce_cls = jnp.maximum(pred_cls, 0) - pred_cls * gt_cls + jnp.log1p(jnp.exp(-jnp.abs(pred_cls)))
    loss_cls = jnp.sum(bce_cls * obj[..., None]) / bs
    return loss_coord + loss_conf + loss_noobj + loss_cls

def setup_inputs(seed: int = 0):
    key = jax.random.key(seed)
    k1, k2, k3, k4 = jax.random.split(key, 4)
    bs, S, Nt = 32, 128, 100
    predictions = jax.random.normal(k1, (bs, S, S, Bb * 5 + Cc), dtype=jnp.float32)
    cls = jax.random.randint(k2, (bs, Nt, 1), 0, Cc).astype(jnp.float32)
    cxcy = jax.random.uniform(k3, (bs, Nt, 2), minval=0.05, maxval=0.95, dtype=jnp.float32)
    wh = jax.random.uniform(k4, (bs, Nt, 2), minval=0.02, maxval=0.3, dtype=jnp.float32)
    targets = jnp.concatenate([cls, cxcy, wh], axis=-1)
    return {"predictions": predictions, "targets": targets}

def reference(predictions, targets):
    return _forward(predictions, targets)

if __name__ == "__main__":
    import jax
    _d = setup_inputs()
    print(jax.jit(kernel)(*tuple(_d.values())))

</pallas_src>

<mosaic_0001>
#map = affine_map<(d0, d1) -> (0, 0)>
module attributes {stable_mosaic.version = 14 : i64} {
  func.func @_sc2_body(%arg0: i32, %arg1: i32, %arg2: memref<32x512xf32, #tpu.memory_space<hbm>>, %arg3: memref<4096x128xi32, #tpu.memory_space<hbm>>, %arg4: memref<32x16384xi32, #tpu.memory_space<hbm>>, %arg5: memref<512xf32, #tpu.memory_space<vmem>>, %arg6: memref<1x112xi32, #tpu.memory_space<vmem>>, %arg7: memref<112x128xi32, #tpu.memory_space<vmem>>, %arg8: memref<112xi32, #tpu.memory_space<vmem>>, %arg9: memref<16384xi32, #tpu.memory_space<vmem>>, %arg10: memref<!tpu.dma_semaphore, #tpu.memory_space<semaphore_mem>>) attributes {dimension_semantics = [#tpu.dimension_semantics<core_parallel>, #tpu.dimension_semantics<subcore_parallel>], iteration_bounds = array<i64: 2, 16>, scalar_prefetch = 0 : i64, scratch_operands = 6 : i64, tpu.core_type = #tpu.core_type<sc_vector_subcore>, window_params = [{transform_indices = #map}, {transform_indices = #map}, {transform_indices = #map}]} {
    %mul3A = arith.constant 2 : i32
    %mul3A_0 = arith.muli %arg1, %mul3A : i32
    %add3A = arith.addi %mul3A_0, %arg0 : i32
    %broadcast_in_dim3A = arith.constant 0 : i32
    %broadcast_in_dim3A_1 = vector.broadcast %broadcast_in_dim3A : i32 to vector<16xi32>
    %scan3A = arith.constant 0 : i32
    %scan3A_2 = arith.constant 0 : i32
    %scan3A_3 = arith.constant 1024 : i32
    %scan3A_4 = arith.addi %scan3A_2, %scan3A_3 : i32
    %scan3A_5 = arith.constant 1 : i32
    %scan3A_6 = scf.for %scan3A_48 = %scan3A_2 to %scan3A_4 step %scan3A_5 iter_args(%scan3A_49 = %scan3A) -> (i32)  : i32 {
      %mul3A_50 = arith.constant 16 : i32
      %mul3A_51 = arith.muli %scan3A_48, %mul3A_50 : i32
      %swap3A = arith.index_cast %mul3A_51 : i32 to index
      %swap3A_52 = tpu.vector_load %arg9[%swap3A] {strides = array<i32>} : memref<16384xi32, #tpu.memory_space<vmem>>, vector<16xi32>,
      tpu.vector_store %arg9[%swap3A], %broadcast_in_dim3A_1 {strides = array<i32>} : memref<16384xi32, #tpu.memory_space<vmem>>, vector<16xi32>,
      %scan3A_53 = arith.constant 0 : i32
      scf.yield %scan3A_53 : i32
    }
    %scan3A_7 = arith.constant 1024 : i32
    "tpu.region"() ({
      %run_scoped3A = tpu.sem_alloc : memref<!tpu.dma_semaphore, #tpu.memory_space<semaphore_mem>>
      %dma_start3A_48 = arith.constant 0 : i32
      %dma_start3A_49 = tpu.memref_slice %arg2[%add3A, %dma_start3A_48] : memref<32x512xf32, #tpu.memory_space<hbm>> -> memref<1x512xf32, #tpu.memory_space<hbm>>
      %dma_start3A_50 = tpu.memref_squeeze %dma_start3A_49 : memref<1x512xf32, #tpu.memory_space<hbm>> -> memref<512xf32, #tpu.memory_space<hbm>>
      %dma_start3A_51 = arith.constant 0 : i32
      %dma_start3A_52 = tpu.memref_slice %arg2[%add3A, %dma_start3A_51] : memref<32x512xf32, #tpu.memory_space<hbm>> -> memref<1x512xf32, #tpu.memory_space<hbm>>
      %dma_start3A_53 = tpu.memref_squeeze %dma_start3A_52 : memref<1x512xf32, #tpu.memory_space<hbm>> -> memref<512xf32, #tpu.memory_space<hbm>>
      tpu.enqueue_dma source(%dma_start3A_53 : memref<512xf32, #tpu.memory_space<hbm>>) target(%arg5 : memref<512xf32, #tpu.memory_space<vmem>>) target_semaphore(%run_scoped3A : memref<!tpu.dma_semaphore, #tpu.memory_space<semaphore_mem>>)
      %dma_wait3A_54 = arith.constant 0 : i32
      %dma_wait3A_55 = tpu.memref_slice %arg2[%add3A, %dma_wait3A_54] : memref<32x512xf32, #tpu.memory_space<hbm>> -> memref<1x512xf32, #tpu.memory_space<hbm>>
      %dma_wait3A_56 = tpu.memref_squeeze %dma_wait3A_55 : memref<1x512xf32, #tpu.memory_space<hbm>> -> memref<512xf32, #tpu.memory_space<hbm>>
      %dma_wait3A_57 = arith.constant 0 : i32
      %dma_wait3A_58 = tpu.memref_slice %arg2[%add3A, %dma_wait3A_57] : memref<32x512xf32, #tpu.memory_space<hbm>> -> memref<1x512xf32, #tpu.memory_space<hbm>>
      %dma_wait3A_59 = tpu.memref_squeeze %dma_wait3A_58 : memref<1x512xf32, #tpu.memory_space<hbm>> -> memref<512xf32, #tpu.memory_space<hbm>>
      tpu.wait_dma2 semaphore(%run_scoped3A : memref<!tpu.dma_semaphore, #tpu.memory_space<semaphore_mem>>) src(%dma_wait3A_59 : memref<512xf32, #tpu.memory_space<hbm>>) dst(%arg5 : memref<512xf32, #tpu.memory_space<vmem>>)
      tpu.yield
    }) : () -> ()
    %scan3A_8 = arith.constant 0 : i32
    %scan3A_9 = arith.constant 0 : i32
    %scan3A_10 = arith.constant 7 : i32
    %scan3A_11 = arith.addi %scan3A_9, %scan3A_10 : i32
    %scan3A_12 = arith.constant 1 : i32
    %scan3A_13 = scf.for %scan3A_48 = %scan3A_9 to %scan3A_11 step %scan3A_12 iter_args(%scan3A_49 = %scan3A_8) -> (i32)  : i32 {
      %iota3A = tpu.iota {dimensions = array<i32: 0>} : vector<16xi32>
      %mul3A_50 = arith.constant 16 : i32
      %mul3A_51 = arith.muli %scan3A_48, %mul3A_50 : i32
      %add3A_52 = vector.broadcast %mul3A_51 : i32 to vector<16xi32>
      %add3A_53 = arith.addi %iota3A, %add3A_52 : vector<16xi32>
      %min3A = arith.constant 99 : i32
      %min3A_54 = vector.broadcast %min3A : i32 to vector<16xi32>
      %min3A_55 = arith.minsi %add3A_53, %min3A_54 : vector<16xi32>
      %mul3A_56 = arith.constant 5 : i32
      %mul3A_57 = vector.broadcast %mul3A_56 : i32 to vector<16xi32>
      %mul3A_58 = arith.muli %min3A_55, %mul3A_57 : vector<16xi32>
      %add3A_59 = arith.constant 1 : i32
      %add3A_60 = vector.broadcast %add3A_59 : i32 to vector<16xi32>
      %add3A_61 = arith.addi %mul3A_58, %add3A_60 : vector<16xi32>
      %gather3A = tpu.vector_load_idx %arg5[%add3A_61] : memref<512xf32, #tpu.memory_space<vmem>>[vector<16xi32>], vector<16xf32>,
      %add3A_62 = arith.constant 2 : i32
      %add3A_63 = vector.broadcast %add3A_62 : i32 to vector<16xi32>
      %add3A_64 = arith.addi %mul3A_58, %add3A_63 : vector<16xi32>
      %gather3A_65 = tpu.vector_load_idx %arg5[%add3A_64] : memref<512xf32, #tpu.memory_space<vmem>>[vector<16xi32>], vector<16xf32>,
      %mul3A_66 = arith.constant 1.280000e+02 : f32
      %mul3A_67 = vector.broadcast %mul3A_66 : f32 to vector<16xf32>
      %mul3A_68 = arith.mulf %gather3A, %mul3A_67 : vector<16xf32>
      %mul3A_69 = arith.constant 1.280000e+02 : f32
      %mul3A_70 = vector.broadcast %mul3A_69 : f32 to vector<16xf32>
      %mul3A_71 = arith.mulf %gather3A_65, %mul3A_70 : vector<16xf32>
      %convert_element_type3A = arith.fptosi %mul3A_68 : vector<16xf32> to vector<16xi32>
      %jit3A = arith.constant 0 : i32
      %jit3A_72 = arith.constant 127 : i32
      %max3A = vector.broadcast %jit3A : i32 to vector<16xi32>
      %max3A_73 = arith.maxsi %max3A, %convert_element_type3A : vector<16xi32>
      %min3A_74 = vector.broadcast %jit3A_72 : i32 to vector<16xi32>
      %min3A_75 = arith.minsi %min3A_74, %max3A_73 : vector<16xi32>
      %convert_element_type3A_76 = arith.fptosi %mul3A_71 : vector<16xf32> to vector<16xi32>
      %jit3A_77 = arith.constant 0 : i32
      %jit3A_78 = arith.constant 127 : i32
      %max3A_79 = vector.broadcast %jit3A_77 : i32 to vector<16xi32>
      %max3A_80 = arith.maxsi %max3A_79, %convert_element_type3A_76 : vector<16xi32>
      %min3A_81 = vector.broadcast %jit3A_78 : i32 to vector<16xi32>
      %min3A_82 = arith.minsi %min3A_81, %max3A_80 : vector<16xi32>
      %lt3A = arith.constant 100 : i32
      %lt3A_83 = vector.broadcast %lt3A : i32 to vector<16xi32>
      %lt3A_84 = arith.cmpi slt, %add3A_53, %lt3A_83 : vector<16xi32>
      %mul3A_85 = arith.constant 16384 : i32
      %mul3A_86 = arith.muli %add3A, %mul3A_85 : i32
      %mul3A_87 = arith.constant 128 : i32
      %mul3A_88 = vector.broadcast %mul3A_87 : i32 to vector<16xi32>
      %mul3A_89 = arith.muli %min3A_82, %mul3A_88 : vector<16xi32>
      %add3A_90 = vector.broadcast %mul3A_86 : i32 to vector<16xi32>
      %add3A_91 = arith.addi %add3A_90, %mul3A_89 : vector<16xi32>
      %add3A_92 = arith.addi %add3A_91, %min3A_75 : vector<16xi32>
      %shift_right_arithmetic3A = arith.constant 7 : i32
      %shift_right_arithmetic3A_93 = vector.broadcast %shift_right_arithmetic3A : i32 to vector<16xi32>
      %shift_right_arithmetic3A_94 = arith.shrsi %add3A_92, %shift_right_arithmetic3A_93 : vector<16xi32>
      %mul3A_95 = arith.constant 16 : i32
      %mul3A_96 = arith.muli %scan3A_48, %mul3A_95 : i32
      %swap3A = arith.constant 0 : i32
      %swap3A_97 = arith.index_cast %swap3A : i32 to index
      %swap3A_98 = arith.index_cast %mul3A_96 : i32 to index
      %swap3A_99 = tpu.vector_load %arg6[%swap3A_97, %swap3A_98] {strides = array<i32>} : memref<1x112xi32, #tpu.memory_space<vmem>>, vector<16xi32>,
      tpu.vector_store %arg6[%swap3A_97, %swap3A_98], %shift_right_arithmetic3A_94 {strides = array<i32>} : memref<1x112xi32, #tpu.memory_space<vmem>>, vector<16xi32>,
      %scan3A_100 = arith.constant 0 : i32
      scf.yield %scan3A_100 : i32
    }
    %scan3A_14 = arith.constant 7 : i32
    %dma_start3A = arith.constant 0 : i32
    %dma_start3A_15 = arith.constant 0 : i32
    %dma_start3A_16 = tpu.memref_slice %arg6[%dma_start3A, %dma_start3A_15] : memref<1x112xi32, #tpu.memory_space<vmem>> -> memref<1x112xi32, #tpu.memory_space<vmem>>
    %dma_start3A_17 = tpu.memref_squeeze %dma_start3A_16 : memref<1x112xi32, #tpu.memory_space<vmem>> -> memref<112xi32, #tpu.memory_space<vmem>>
    %dma_start3A_18 = arith.constant 0 : i32
    %dma_start3A_19 = arith.constant 0 : i32
    %dma_start3A_20 = tpu.memref_slice %arg3[%dma_start3A_18, %dma_start3A_19] : memref<4096x128xi32, #tpu.memory_space<hbm>> -> memref<4096x128xi32, #tpu.memory_space<hbm>>
    tpu.enqueue_indirect_dma source(%dma_start3A_20 : memref<4096x128xi32, #tpu.memory_space<hbm>>) target(%arg7 : memref<112x128xi32, #tpu.memory_space<vmem>>) offsets(%dma_start3A_17 : memref<112xi32, #tpu.memory_space<vmem>>) semaphore(%arg10 : memref<!tpu.dma_semaphore, #tpu.memory_space<semaphore_mem>>)
    %dma_wait3A = arith.constant 0 : i32
    %dma_wait3A_21 = arith.constant 0 : i32
    %dma_wait3A_22 = tpu.memref_slice %arg6[%dma_wait3A, %dma_wait3A_21] : memref<1x112xi32, #tpu.memory_space<vmem>> -> memref<1x112xi32, #tpu.memory_space<vmem>>
    %dma_wait3A_23 = tpu.memref_squeeze %dma_wait3A_22 : memref<1x112xi32, #tpu.memory_space<vmem>> -> memref<112xi32, #tpu.memory_space<vmem>>
    %dma_wait3A_24 = arith.constant 0 : i32
    %dma_wait3A_25 = arith.constant 0 : i32
    %dma_wait3A_26 = tpu.memref_slice %arg3[%dma_wait3A_24, %dma_wait3A_25] : memref<4096x128xi32, #tpu.memory_space<hbm>> -> memref<4096x128xi32, #tpu.memory_space<hbm>>
    tpu.wait_indirect_dma semaphore(%arg10 : memref<!tpu.dma_semaphore, #tpu.memory_space<semaphore_mem>>) src(%dma_wait3A_26 : memref<4096x128xi32, #tpu.memory_space<hbm>>) dst(%arg7 : memref<112x128xi32, #tpu.memory_space<vmem>>)
    %scan3A_27 = arith.constant 0 : i32
    %scan3A_28 = arith.constant 0 : i32
    %scan3A_29 = arith.constant 7 : i32
    %scan3A_30 = arith.addi %scan3A_28, %scan3A_29 : i32
    %scan3A_31 = arith.constant 1 : i32
    %scan3A_32 = scf.for %scan3A_48 = %scan3A_28 to %scan3A_30 step %scan3A_31 iter_args(%scan3A_49 = %scan3A_27) -> (i32)  : i32 {
      %iota3A = tpu.iota {dimensions = array<i32: 0>} : vector<16xi32>
      %mul3A_50 = arith.constant 16 : i32
      %mul3A_51 = arith.muli %scan3A_48, %mul3A_50 : i32
      %add3A_52 = vector.broadcast %mul3A_51 : i32 to vector<16xi32>
      %add3A_53 = arith.addi %iota3A, %add3A_52 : vector<16xi32>
      %min3A = arith.constant 99 : i32
      %min3A_54 = vector.broadcast %min3A : i32 to vector<16xi32>
      %min3A_55 = arith.minsi %add3A_53, %min3A_54 : vector<16xi32>
      %mul3A_56 = arith.constant 5 : i32
      %mul3A_57 = vector.broadcast %mul3A_56 : i32 to vector<16xi32>
      %mul3A_58 = arith.muli %min3A_55, %mul3A_57 : vector<16xi32>
      %add3A_59 = arith.constant 1 : i32
      %add3A_60 = vector.broadcast %add3A_59 : i32 to vector<16xi32>
      %add3A_61 = arith.addi %mul3A_58, %add3A_60 : vector<16xi32>
      %gather3A = tpu.vector_load_idx %arg5[%add3A_61] : memref<512xf32, #tpu.memory_space<vmem>>[vector<16xi32>], vector<16xf32>,
      %add3A_62 = arith.constant 2 : i32
      %add3A_63 = vector.broadcast %add3A_62 : i32 to vector<16xi32>
      %add3A_64 = arith.addi %mul3A_58, %add3A_63 : vector<16xi32>
      %gather3A_65 = tpu.vector_load_idx %arg5[%add3A_64] : memref<512xf32, #tpu.memory_space<vmem>>[vector<16xi32>], vector<16xf32>,
      %mul3A_66 = arith.constant 1.280000e+02 : f32
      %mul3A_67 = vector.broadcast %mul3A_66 : f32 to vector<16xf32>
      %mul3A_68 = arith.mulf %gather3A, %mul3A_67 : vector<16xf32>
      %mul3A_69 = arith.constant 1.280000e+02 : f32
      %mul3A_70 = vector.broadcast %mul3A_69 : f32 to vector<16xf32>
      %mul3A_71 = arith.mulf %gather3A_65, %mul3A_70 : vector<16xf32>
      %convert_element_type3A = arith.fptosi %mul3A_68 : vector<16xf32> to vector<16xi32>
      %jit3A = arith.constant 0 : i32
      %jit3A_72 = arith.constant 127 : i32
      %max3A = vector.broadcast %jit3A : i32 to vector<16xi32>
      %max3A_73 = arith.maxsi %max3A, %convert_element_type3A : vector<16xi32>
      %min3A_74 = vector.broadcast %jit3A_72 : i32 to vector<16xi32>
      %min3A_75 = arith.minsi %min3A_74, %max3A_73 : vector<16xi32>
      %convert_element_type3A_76 = arith.fptosi %mul3A_71 : vector<16xf32> to vector<16xi32>
      %jit3A_77 = arith.constant 0 : i32
      %jit3A_78 = arith.constant 127 : i32
      %max3A_79 = vector.broadcast %jit3A_77 : i32 to vector<16xi32>
      %max3A_80 = arith.maxsi %max3A_79, %convert_element_type3A_76 : vector<16xi32>
      %min3A_81 = vector.broadcast %jit3A_78 : i32 to vector<16xi32>
      %min3A_82 = arith.minsi %min3A_81, %max3A_80 : vector<16xi32>
      %lt3A = arith.constant 100 : i32
      %lt3A_83 = vector.broadcast %lt3A : i32 to vector<16xi32>
      %lt3A_84 = arith.cmpi slt, %add3A_53, %lt3A_83 : vector<16xi32>
      %mul3A_85 = arith.constant 16384 : i32
      %mul3A_86 = arith.muli %add3A, %mul3A_85 : i32
      %mul3A_87 = arith.constant 128 : i32
      %mul3A_88 = vector.broadcast %mul3A_87 : i32 to vector<16xi32>
      %mul3A_89 = arith.muli %min3A_82, %mul3A_88 : vector<16xi32>
      %add3A_90 = vector.broadcast %mul3A_86 : i32 to vector<16xi32>
      %add3A_91 = arith.addi %add3A_90, %mul3A_89 : vector<16xi32>
      %add3A_92 = arith.addi %add3A_91, %min3A_75 : vector<16xi32>
      %and3A = arith.constant 127 : i32
      %and3A_93 = vector.broadcast %and3A : i32 to vector<16xi32>
      %and3A_94 = arith.andi %add3A_92, %and3A_93 : vector<16xi32>
      %gather3A_95 = tpu.vector_load_idx %arg7[%add3A_53, %and3A_94] : memref<112x128xi32, #tpu.memory_space<vmem>>[vector<16xi32>, vector<16xi32>], vector<16xi32>,
      %shift_left3A = arith.constant 1 : i32
      %shift_left3A_96 = vector.broadcast %shift_left3A : i32 to vector<16xi32>
      %shift_left3A_97 = arith.shli %gather3A_95, %shift_left3A_96 : vector<16xi32>
      %or3A = arith.constant 1 : i32
      %or3A_98 = vector.broadcast %or3A : i32 to vector<16xi32>
      %or3A_99 = arith.ori %or3A_98, %shift_left3A_97 : vector<16xi32>
      %mul3A_100 = arith.constant 16 : i32
      %mul3A_101 = arith.muli %scan3A_48, %mul3A_100 : i32
      %swap3A = arith.index_cast %mul3A_101 : i32 to index
      %swap3A_102 = tpu.vector_load %arg8[%swap3A] {strides = array<i32>} : memref<112xi32, #tpu.memory_space<vmem>>, vector<16xi32>,
      tpu.vector_store %arg8[%swap3A], %or3A_99 {strides = array<i32>} : memref<112xi32, #tpu.memory_space<vmem>>, vector<16xi32>,
      %mul3A_103 = arith.constant 128 : i32
      %mul3A_104 = vector.broadcast %mul3A_103 : i32 to vector<16xi32>
      %mul3A_105 = arith.muli %min3A_82, %mul3A_104 : vector<16xi32>
      %add3A_106 = arith.addi %mul3A_105, %min3A_75 : vector<16xi32>
      tpu.vector_store_idx %arg9[%add3A_106], %or3A_99 masked %lt3A_84 : memref<16384xi32, #tpu.memory_space<vmem>>[vector<16xi32>], vector<16xi32>, vector<16xi1>
      %scan3A_107 = arith.constant 0 : i32
      scf.yield %scan3A_107 : i32
    }
    %scan3A_33 = arith.constant 7 : i32
    %scan3A_34 = arith.constant 0 : i32
    %scan3A_35 = arith.constant 0 : i32
    %scan3A_36 = arith.constant 7 : i32
    %scan3A_37 = arith.addi %scan3A_35, %scan3A_36 : i32
    %scan3A_38 = arith.constant 1 : i32
    %scan3A_39 = scf.for %scan3A_48 = %scan3A_35 to %scan3A_37 step %scan3A_38 iter_args(%scan3A_49 = %scan3A_34) -> (i32)  : i32 {
      %iota3A = tpu.iota {dimensions = array<i32: 0>} : vector<16xi32>
      %mul3A_50 = arith.constant 16 : i32
      %mul3A_51 = arith.muli %scan3A_48, %mul3A_50 : i32
      %add3A_52 = vector.broadcast %mul3A_51 : i32 to vector<16xi32>
      %add3A_53 = arith.addi %iota3A, %add3A_52 : vector<16xi32>
      %min3A = arith.constant 99 : i32
      %min3A_54 = vector.broadcast %min3A : i32 to vector<16xi32>
      %min3A_55 = arith.minsi %add3A_53, %min3A_54 : vector<16xi32>
      %mul3A_56 = arith.constant 5 : i32
      %mul3A_57 = vector.broadcast %mul3A_56 : i32 to vector<16xi32>
      %mul3A_58 = arith.muli %min3A_55, %mul3A_57 : vector<16xi32>
      %add3A_59 = arith.constant 1 : i32
      %add3A_60 = vector.broadcast %add3A_59 : i32 to vector<16xi32>
      %add3A_61 = arith.addi %mul3A_58, %add3A_60 : vector<16xi32>
      %gather3A = tpu.vector_load_idx %arg5[%add3A_61] : memref<512xf32, #tpu.memory_space<vmem>>[vector<16xi32>], vector<16xf32>,
      %add3A_62 = arith.constant 2 : i32
      %add3A_63 = vector.broadcast %add3A_62 : i32 to vector<16xi32>
      %add3A_64 = arith.addi %mul3A_58, %add3A_63 : vector<16xi32>
      %gather3A_65 = tpu.vector_load_idx %arg5[%add3A_64] : memref<512xf32, #tpu.memory_space<vmem>>[vector<16xi32>], vector<16xf32>,
      %mul3A_66 = arith.constant 1.280000e+02 : f32
      %mul3A_67 = vector.broadcast %mul3A_66 : f32 to vector<16xf32>
      %mul3A_68 = arith.mulf %gather3A, %mul3A_67 : vector<16xf32>
      %mul3A_69 = arith.constant 1.280000e+02 : f32
      %mul3A_70 = vector.broadcast %mul3A_69 : f32 to vector<16xf32>
      %mul3A_71 = arith.mulf %gather3A_65, %mul3A_70 : vector<16xf32>
      %convert_element_type3A = arith.fptosi %mul3A_68 : vector<16xf32> to vector<16xi32>
      %jit3A = arith.constant 0 : i32
      %jit3A_72 = arith.constant 127 : i32
      %max3A = vector.broadcast %jit3A : i32 to vector<16xi32>
      %max3A_73 = arith.maxsi %max3A, %convert_element_type3A : vector<16xi32>
      %min3A_74 = vector.broadcast %jit3A_72 : i32 to vector<16xi32>
      %min3A_75 = arith.minsi %min3A_74, %max3A_73 : vector<16xi32>
      %convert_element_type3A_76 = arith.fptosi %mul3A_71 : vector<16xf32> to vector<16xi32>
      %jit3A_77 = arith.constant 0 : i32
      %jit3A_78 = arith.constant 127 : i32
      %max3A_79 = vector.broadcast %jit3A_77 : i32 to vector<16xi32>
      %max3A_80 = arith.maxsi %max3A_79, %convert_element_type3A_76 : vector<16xi32>
      %min3A_81 = vector.broadcast %jit3A_78 : i32 to vector<16xi32>
      %min3A_82 = arith.minsi %min3A_81, %max3A_80 : vector<16xi32>
      %lt3A = arith.constant 100 : i32
      %lt3A_83 = vector.broadcast %lt3A : i32 to vector<16xi32>
      %lt3A_84 = arith.cmpi slt, %add3A_53, %lt3A_83 : vector<16xi32>
      %convert_element_type3A_85 = arith.sitofp %min3A_75 : vector<16xi32> to vector<16xf32>
      %sub3A = arith.subf %mul3A_68, %convert_element_type3A_85 : vector<16xf32>
      %ge3A = arith.constant 5.000000e-01 : f32
      %ge3A_86 = vector.broadcast %ge3A : f32 to vector<16xf32>
      %ge3A_87 = arith.cmpf oge, %sub3A, %ge3A_86 : vector<16xf32>
      %jit3A_88 = arith.constant 1 : i32
      %jit3A_89 = arith.constant -1 : i32
      %broadcast_in_dim3A_90 = vector.broadcast %jit3A_88 : i32 to vector<16xi32>
      %broadcast_in_dim3A_91 = vector.broadcast %jit3A_89 : i32 to vector<16xi32>
      %select_n3A = arith.select %ge3A_87, %broadcast_in_dim3A_90, %broadcast_in_dim3A_91 : vector<16xi1>, vector<16xi32>
      %add3A_92 = arith.addi %min3A_75, %select_n3A : vector<16xi32>
      %ge3A_93 = arith.constant 0 : i32
      %ge3A_94 = vector.broadcast %ge3A_93 : i32 to vector<16xi32>
      %ge3A_95 = arith.cmpi sge, %add3A_92, %ge3A_94 : vector<16xi32>
      %and3A = arith.andi %lt3A_84, %ge3A_95 : vector<16xi1>
      %lt3A_96 = arith.constant 128 : i32
      %lt3A_97 = vector.broadcast %lt3A_96 : i32 to vector<16xi32>
      %lt3A_98 = arith.cmpi slt, %add3A_92, %lt3A_97 : vector<16xi32>
      %and3A_99 = arith.andi %and3A, %lt3A_98 : vector<16xi1>
      %mul3A_100 = arith.constant 16 : i32
      %mul3A_101 = arith.muli %scan3A_48, %mul3A_100 : i32
      %get3A = arith.index_cast %mul3A_101 : i32 to index
      %get3A_102 = tpu.vector_load %arg8[%get3A] {strides = array<i32>} : memref<112xi32, #tpu.memory_space<vmem>>, vector<16xi32>,
      %mul3A_103 = arith.constant 128 : i32
      %mul3A_104 = vector.broadcast %mul3A_103 : i32 to vector<16xi32>
      %mul3A_105 = arith.muli %min3A_82, %mul3A_104 : vector<16xi32>
      %jit3A_106 = arith.constant 0 : i32
      %jit3A_107 = arith.constant 127 : i32
      %max3A_108 = vector.broadcast %jit3A_106 : i32 to vector<16xi32>
      %max3A_109 = arith.maxsi %max3A_108, %add3A_92 : vector<16xi32>
      %min3A_110 = vector.broadcast %jit3A_107 : i32 to vector<16xi32>
      %min3A_111 = arith.minsi %min3A_110, %max3A_109 : vector<16xi32>
      %add3A_112 = arith.addi %mul3A_105, %min3A_111 : vector<16xi32>
      tpu.vector_store_idx %arg9[%add3A_112], %get3A_102 masked %and3A_99 : memref<16384xi32, #tpu.memory_space<vmem>>[vector<16xi32>], vector<16xi32>, vector<16xi1>
      %scan3A_113 = arith.constant 0 : i32
      scf.yield %scan3A_113 : i32
    }
    %scan3A_40 = arith.constant 7 : i32
    %scan3A_41 = arith.constant 0 : i32
    %scan3A_42 = arith.constant 0 : i32
    %scan3A_43 = arith.constant 7 : i32
    %scan3A_44 = arith.addi %scan3A_42, %scan3A_43 : i32
    %scan3A_45 = arith.constant 1 : i32
    %scan3A_46 = scf.for %scan3A_48 = %scan3A_42 to %scan3A_44 step %scan3A_45 iter_args(%scan3A_49 = %scan3A_41) -> (i32)  : i32 {
      %iota3A = tpu.iota {dimensions = array<i32: 0>} : vector<16xi32>
      %mul3A_50 = arith.constant 16 : i32
      %mul3A_51 = arith.muli %scan3A_48, %mul3A_50 : i32
      %add3A_52 = vector.broadcast %mul3A_51 : i32 to vector<16xi32>
      %add3A_53 = arith.addi %iota3A, %add3A_52 : vector<16xi32>
      %min3A = arith.constant 99 : i32
      %min3A_54 = vector.broadcast %min3A : i32 to vector<16xi32>
      %min3A_55 = arith.minsi %add3A_53, %min3A_54 : vector<16xi32>
      %mul3A_56 = arith.constant 5 : i32
      %mul3A_57 = vector.broadcast %mul3A_56 : i32 to vector<16xi32>
      %mul3A_58 = arith.muli %min3A_55, %mul3A_57 : vector<16xi32>
      %add3A_59 = arith.constant 1 : i32
      %add3A_60 = vector.broadcast %add3A_59 : i32 to vector<16xi32>
      %add3A_61 = arith.addi %mul3A_58, %add3A_60 : vector<16xi32>
      %gather3A = tpu.vector_load_idx %arg5[%add3A_61] : memref<512xf32, #tpu.memory_space<vmem>>[vector<16xi32>], vector<16xf32>,
      %add3A_62 = arith.constant 2 : i32
      %add3A_63 = vector.broadcast %add3A_62 : i32 to vector<16xi32>
      %add3A_64 = arith.addi %mul3A_58, %add3A_63 : vector<16xi32>
      %gather3A_65 = tpu.vector_load_idx %arg5[%add3A_64] : memref<512xf32, #tpu.memory_space<vmem>>[vector<16xi32>], vector<16xf32>,
      %mul3A_66 = arith.constant 1.280000e+02 : f32
      %mul3A_67 = vector.broadcast %mul3A_66 : f32 to vector<16xf32>
      %mul3A_68 = arith.mulf %gather3A, %mul3A_67 : vector<16xf32>
      %mul3A_69 = arith.constant 1.280000e+02 : f32
      %mul3A_70 = vector.broadcast %mul3A_69 : f32 to vector<16xf32>
      %mul3A_71 = arith.mulf %gather3A_65, %mul3A_70 : vector<16xf32>
      %convert_element_type3A = arith.fptosi %mul3A_68 : vector<16xf32> to vector<16xi32>
      %jit3A = arith.constant 0 : i32
      %jit3A_72 = arith.constant 127 : i32
      %max3A = vector.broadcast %jit3A : i32 to vector<16xi32>
      %max3A_73 = arith.maxsi %max3A, %convert_element_type3A : vector<16xi32>
      %min3A_74 = vector.broadcast %jit3A_72 : i32 to vector<16xi32>
      %min3A_75 = arith.minsi %min3A_74, %max3A_73 : vector<16xi32>
      %convert_element_type3A_76 = arith.fptosi %mul3A_71 : vector<16xf32> to vector<16xi32>
      %jit3A_77 = arith.constant 0 : i32
      %jit3A_78 = arith.constant 127 : i32
      %max3A_79 = vector.broadcast %jit3A_77 : i32 to vector<16xi32>
      %max3A_80 = arith.maxsi %max3A_79, %convert_element_type3A_76 : vector<16xi32>
      %min3A_81 = vector.broadcast %jit3A_78 : i32 to vector<16xi32>
      %min3A_82 = arith.minsi %min3A_81, %max3A_80 : vector<16xi32>
      %lt3A = arith.constant 100 : i32
      %lt3A_83 = vector.broadcast %lt3A : i32 to vector<16xi32>
      %lt3A_84 = arith.cmpi slt, %add3A_53, %lt3A_83 : vector<16xi32>
      %convert_element_type3A_85 = arith.sitofp %min3A_82 : vector<16xi32> to vector<16xf32>
      %sub3A = arith.subf %mul3A_71, %convert_element_type3A_85 : vector<16xf32>
      %ge3A = arith.constant 5.000000e-01 : f32
      %ge3A_86 = vector.broadcast %ge3A : f32 to vector<16xf32>
      %ge3A_87 = arith.cmpf oge, %sub3A, %ge3A_86 : vector<16xf32>
      %jit3A_88 = arith.constant 1 : i32
      %jit3A_89 = arith.constant -1 : i32
      %broadcast_in_dim3A_90 = vector.broadcast %jit3A_88 : i32 to vector<16xi32>
      %broadcast_in_dim3A_91 = vector.broadcast %jit3A_89 : i32 to vector<16xi32>
      %select_n3A = arith.select %ge3A_87, %broadcast_in_dim3A_90, %broadcast_in_dim3A_91 : vector<16xi1>, vector<16xi32>
      %add3A_92 = arith.addi %min3A_82, %select_n3A : vector<16xi32>
      %ge3A_93 = arith.constant 0 : i32
      %ge3A_94 = vector.broadcast %ge3A_93 : i32 to vector<16xi32>
      %ge3A_95 = arith.cmpi sge, %add3A_92, %ge3A_94 : vector<16xi32>
      %and3A = arith.andi %lt3A_84, %ge3A_95 : vector<16xi1>
      %lt3A_96 = arith.constant 128 : i32
      %lt3A_97 = vector.broadcast %lt3A_96 : i32 to vector<16xi32>
      %lt3A_98 = arith.cmpi slt, %add3A_92, %lt3A_97 : vector<16xi32>
      %and3A_99 = arith.andi %and3A, %lt3A_98 : vector<16xi1>
      %mul3A_100 = arith.constant 16 : i32
      %mul3A_101 = arith.muli %scan3A_48, %mul3A_100 : i32
      %get3A = arith.index_cast %mul3A_101 : i32 to index
      %get3A_102 = tpu.vector_load %arg8[%get3A] {strides = array<i32>} : memref<112xi32, #tpu.memory_space<vmem>>, vector<16xi32>,
      %jit3A_103 = arith.constant 0 : i32
      %jit3A_104 = arith.constant 127 : i32
      %max3A_105 = vector.broadcast %jit3A_103 : i32 to vector<16xi32>
      %max3A_106 = arith.maxsi %max3A_105, %add3A_92 : vector<16xi32>
      %min3A_107 = vector.broadcast %jit3A_104 : i32 to vector<16xi32>
      %min3A_108 = arith.minsi %min3A_107, %max3A_106 : vector<16xi32>
      %mul3A_109 = arith.constant 128 : i32
      %mul3A_110 = vector.broadcast %mul3A_109 : i32 to vector<16xi32>
      %mul3A_111 = arith.muli %min3A_108, %mul3A_110 : vector<16xi32>
      %add3A_112 = arith.addi %mul3A_111, %min3A_75 : vector<16xi32>
      tpu.vector_store_idx %arg9[%add3A_112], %get3A_102 masked %and3A_99 : memref<16384xi32, #tpu.memory_space<vmem>>[vector<16xi32>], vector<16xi32>, vector<16xi1>
      %scan3A_113 = arith.constant 0 : i32
      scf.yield %scan3A_113 : i32
    }
    %scan3A_47 = arith.constant 7 : i32
    "tpu.region"() ({
      %run_scoped3A = tpu.sem_alloc : memref<!tpu.dma_semaphore, #tpu.memory_space<semaphore_mem>>
      %dma_start3A_48 = arith.constant 0 : i32
      %dma_start3A_49 = tpu.memref_slice %arg4[%add3A, %dma_start3A_48] : memref<32x16384xi32, #tpu.memory_space<hbm>> -> memref<1x16384xi32, #tpu.memory_space<hbm>>
      %dma_start3A_50 = tpu.memref_squeeze %dma_start3A_49 : memref<1x16384xi32, #tpu.memory_space<hbm>> -> memref<16384xi32, #tpu.memory_space<hbm>>
      %dma_start3A_51 = arith.constant 0 : i32
      %dma_start3A_52 = tpu.memref_slice %arg4[%add3A, %dma_start3A_51] : memref<32x16384xi32, #tpu.memory_space<hbm>> -> memref<1x16384xi32, #tpu.memory_space<hbm>>
      %dma_start3A_53 = tpu.memref_squeeze %dma_start3A_52 : memref<1x16384xi32, #tpu.memory_space<hbm>> -> memref<16384xi32, #tpu.memory_space<hbm>>
      tpu.enqueue_dma source(%arg9 : memref<16384xi32, #tpu.memory_space<vmem>>) target(%dma_start3A_53 : memref<16384xi32, #tpu.memory_space<hbm>>) target_semaphore(%run_scoped3A : memref<!tpu.dma_semaphore, #tpu.memory_space<semaphore_mem>>)
      %dma_wait3A_54 = arith.constant 0 : i32
      %dma_wait3A_55 = tpu.memref_slice %arg4[%add3A, %dma_wait3A_54] : memref<32x16384xi32, #tpu.memory_space<hbm>> -> memref<1x16384xi32, #tpu.memory_space<hbm>>
      %dma_wait3A_56 = tpu.memref_squeeze %dma_wait3A_55 : memref<1x16384xi32, #tpu.memory_space<hbm>> -> memref<16384xi32, #tpu.memory_space<hbm>>
      %dma_wait3A_57 = arith.constant 0 : i32
      %dma_wait3A_58 = tpu.memref_slice %arg4[%add3A, %dma_wait3A_57] : memref<32x16384xi32, #tpu.memory_space<hbm>> -> memref<1x16384xi32, #tpu.memory_space<hbm>>
      %dma_wait3A_59 = tpu.memref_squeeze %dma_wait3A_58 : memref<1x16384xi32, #tpu.memory_space<hbm>> -> memref<16384xi32, #tpu.memory_space<hbm>>
      tpu.wait_dma2 semaphore(%run_scoped3A : memref<!tpu.dma_semaphore, #tpu.memory_space<semaphore_mem>>) src(%arg9 : memref<16384xi32, #tpu.memory_space<vmem>>) dst(%dma_wait3A_59 : memref<16384xi32, #tpu.memory_space<hbm>>)
      tpu.yield
    }) : () -> ()
    return
  }
}

#map = affine_map<(d0, d1) -> (0, 0)>
module attributes {stable_mosaic.version = 14 : i64} {
  func.func @_sc1_body(%arg0: i32, %arg1: i32, %arg2: memref<32x512xf32, #tpu.memory_space<hbm>>, %arg3: memref<32x16384xi32, #tpu.memory_space<hbm>>, %arg4: memref<32x65536xf32, #tpu.memory_space<hbm>>, %arg5: memref<512xf32, #tpu.memory_space<vmem>>, %arg6: memref<112xi32, #tpu.memory_space<vmem>>, %arg7: memref<16384xi32, #tpu.memory_space<vmem>>, %arg8: memref<65536xf32, #tpu.memory_space<vmem>>) attributes {dimension_semantics = [#tpu.dimension_semantics<core_parallel>, #tpu.dimension_semantics<subcore_parallel>], iteration_bounds = array<i64: 2, 16>, scalar_prefetch = 0 : i64, scratch_operands = 4 : i64, tpu.core_type = #tpu.core_type<sc_vector_subcore>, window_params = [{transform_indices = #map}, {transform_indices = #map}, {transform_indices = #map}]} {
    %mul3A = arith.constant 2 : i32
    %mul3A_0 = arith.muli %arg1, %mul3A : i32
    %add3A = arith.addi %mul3A_0, %arg0 : i32
    %broadcast_in_dim3A = arith.constant 0.000000e+00 : f32
    %broadcast_in_dim3A_1 = vector.broadcast %broadcast_in_dim3A : f32 to vector<16xf32>
    %broadcast_in_dim3A_2 = arith.constant 0 : i32
    %broadcast_in_dim3A_3 = vector.broadcast %broadcast_in_dim3A_2 : i32 to vector<16xi32>
    %scan3A = arith.constant 0 : i32
    %scan3A_4 = arith.constant 0 : i32
    %scan3A_5 = arith.constant 1024 : i32
    %scan3A_6 = arith.addi %scan3A_4, %scan3A_5 : i32
    %scan3A_7 = arith.constant 1 : i32
    %scan3A_8 = scf.for %scan3A_38 = %scan3A_4 to %scan3A_6 step %scan3A_7 iter_args(%scan3A_39 = %scan3A) -> (i32)  : i32 {
      %mul3A_40 = arith.constant 16 : i32
      %mul3A_41 = arith.muli %scan3A_38, %mul3A_40 : i32
      %swap3A = arith.index_cast %mul3A_41 : i32 to index
      %swap3A_42 = tpu.vector_load %arg7[%swap3A] {strides = array<i32>} : memref<16384xi32, #tpu.memory_space<vmem>>, vector<16xi32>,
      tpu.vector_store %arg7[%swap3A], %broadcast_in_dim3A_3 {strides = array<i32>} : memref<16384xi32, #tpu.memory_space<vmem>>, vector<16xi32>,
      %scan3A_43 = arith.constant 0 : i32
      scf.yield %scan3A_43 : i32
    }
    %scan3A_9 = arith.constant 1024 : i32
    %scan3A_10 = arith.constant 0 : i32
    %scan3A_11 = arith.constant 0 : i32
    %scan3A_12 = arith.constant 4096 : i32
    %scan3A_13 = arith.addi %scan3A_11, %scan3A_12 : i32
    %scan3A_14 = arith.constant 1 : i32
    %scan3A_15 = scf.for %scan3A_38 = %scan3A_11 to %scan3A_13 step %scan3A_14 iter_args(%scan3A_39 = %scan3A_10) -> (i32)  : i32 {
      %mul3A_40 = arith.constant 16 : i32
      %mul3A_41 = arith.muli %scan3A_38, %mul3A_40 : i32
      %swap3A = arith.index_cast %mul3A_41 : i32 to index
      %swap3A_42 = tpu.vector_load %arg8[%swap3A] {strides = array<i32>} : memref<65536xf32, #tpu.memory_space<vmem>>, vector<16xf32>,
      tpu.vector_store %arg8[%swap3A], %broadcast_in_dim3A_1 {strides = array<i32>} : memref<65536xf32, #tpu.memory_space<vmem>>, vector<16xf32>,
      %scan3A_43 = arith.constant 0 : i32
      scf.yield %scan3A_43 : i32
    }
    %scan3A_16 = arith.constant 4096 : i32
    "tpu.region"() ({
      %run_scoped3A = tpu.sem_alloc : memref<!tpu.dma_semaphore, #tpu.memory_space<semaphore_mem>>
      %dma_start3A = arith.constant 0 : i32
      %dma_start3A_38 = tpu.memref_slice %arg2[%add3A, %dma_start3A] : memref<32x512xf32, #tpu.memory_space<hbm>> -> memref<1x512xf32, #tpu.memory_space<hbm>>
      %dma_start3A_39 = tpu.memref_squeeze %dma_start3A_38 : memref<1x512xf32, #tpu.memory_space<hbm>> -> memref<512xf32, #tpu.memory_space<hbm>>
      %dma_start3A_40 = arith.constant 0 : i32
      %dma_start3A_41 = tpu.memref_slice %arg2[%add3A, %dma_start3A_40] : memref<32x512xf32, #tpu.memory_space<hbm>> -> memref<1x512xf32, #tpu.memory_space<hbm>>
      %dma_start3A_42 = tpu.memref_squeeze %dma_start3A_41 : memref<1x512xf32, #tpu.memory_space<hbm>> -> memref<512xf32, #tpu.memory_space<hbm>>
      tpu.enqueue_dma source(%dma_start3A_42 : memref<512xf32, #tpu.memory_space<hbm>>) target(%arg5 : memref<512xf32, #tpu.memory_space<vmem>>) target_semaphore(%run_scoped3A : memref<!tpu.dma_semaphore, #tpu.memory_space<semaphore_mem>>)
      %dma_wait3A = arith.constant 0 : i32
      %dma_wait3A_43 = tpu.memref_slice %arg2[%add3A, %dma_wait3A] : memref<32x512xf32, #tpu.memory_space<hbm>> -> memref<1x512xf32, #tpu.memory_space<hbm>>
      %dma_wait3A_44 = tpu.memref_squeeze %dma_wait3A_43 : memref<1x512xf32, #tpu.memory_space<hbm>> -> memref<512xf32, #tpu.memory_space<hbm>>
      %dma_wait3A_45 = arith.constant 0 : i32
      %dma_wait3A_46 = tpu.memref_slice %arg2[%add3A, %dma_wait3A_45] : memref<32x512xf32, #tpu.memory_space<hbm>> -> memref<1x512xf32, #tpu.memory_space<hbm>>
      %dma_wait3A_47 = tpu.memref_squeeze %dma_wait3A_46 : memref<1x512xf32, #tpu.memory_space<hbm>> -> memref<512xf32, #tpu.memory_space<hbm>>
      tpu.wait_dma2 semaphore(%run_scoped3A : memref<!tpu.dma_semaphore, #tpu.memory_space<semaphore_mem>>) src(%dma_wait3A_47 : memref<512xf32, #tpu.memory_space<hbm>>) dst(%arg5 : memref<512xf32, #tpu.memory_space<vmem>>)
      tpu.yield
    }) : () -> ()
    %scan3A_17 = arith.constant 0 : i32
    %scan3A_18 = arith.constant 0 : i32
    %scan3A_19 = arith.constant 7 : i32
    %scan3A_20 = arith.addi %scan3A_18, %scan3A_19 : i32
    %scan3A_21 = arith.constant 1 : i32
    %scan3A_22 = scf.for %scan3A_38 = %scan3A_18 to %scan3A_20 step %scan3A_21 iter_args(%scan3A_39 = %scan3A_17) -> (i32)  : i32 {
      %iota3A = tpu.iota {dimensions = array<i32: 0>} : vector<16xi32>
      %mul3A_40 = arith.constant 16 : i32
      %mul3A_41 = arith.muli %scan3A_38, %mul3A_40 : i32
      %add3A_42 = vector.broadcast %mul3A_41 : i32 to vector<16xi32>
      %add3A_43 = arith.addi %iota3A, %add3A_42 : vector<16xi32>
      %min3A = arith.constant 99 : i32
      %min3A_44 = vector.broadcast %min3A : i32 to vector<16xi32>
      %min3A_45 = arith.minsi %add3A_43, %min3A_44 : vector<16xi32>
      %mul3A_46 = arith.constant 5 : i32
      %mul3A_47 = vector.broadcast %mul3A_46 : i32 to vector<16xi32>
      %mul3A_48 = arith.muli %min3A_45, %mul3A_47 : vector<16xi32>
      %add3A_49 = arith.constant 1 : i32
      %add3A_50 = vector.broadcast %add3A_49 : i32 to vector<16xi32>
      %add3A_51 = arith.addi %mul3A_48, %add3A_50 : vector<16xi32>
      %gather3A = tpu.vector_load_idx %arg5[%add3A_51] : memref<512xf32, #tpu.memory_space<vmem>>[vector<16xi32>], vector<16xf32>,
      %add3A_52 = arith.constant 2 : i32
      %add3A_53 = vector.broadcast %add3A_52 : i32 to vector<16xi32>
      %add3A_54 = arith.addi %mul3A_48, %add3A_53 : vector<16xi32>
      %gather3A_55 = tpu.vector_load_idx %arg5[%add3A_54] : memref<512xf32, #tpu.memory_space<vmem>>[vector<16xi32>], vector<16xf32>,
      %mul3A_56 = arith.constant 1.280000e+02 : f32
      %mul3A_57 = vector.broadcast %mul3A_56 : f32 to vector<16xf32>
      %mul3A_58 = arith.mulf %gather3A, %mul3A_57 : vector<16xf32>
      %mul3A_59 = arith.constant 1.280000e+02 : f32
      %mul3A_60 = vector.broadcast %mul3A_59 : f32 to vector<16xf32>
      %mul3A_61 = arith.mulf %gather3A_55, %mul3A_60 : vector<16xf32>
      %convert_element_type3A = arith.fptosi %mul3A_58 : vector<16xf32> to vector<16xi32>
      %jit3A = arith.constant 0 : i32
      %jit3A_62 = arith.constant 127 : i32
      %max3A = vector.broadcast %jit3A : i32 to vector<16xi32>
      %max3A_63 = arith.maxsi %max3A, %convert_element_type3A : vector<16xi32>
      %min3A_64 = vector.broadcast %jit3A_62 : i32 to vector<16xi32>
      %min3A_65 = arith.minsi %min3A_64, %max3A_63 : vector<16xi32>
      %convert_element_type3A_66 = arith.fptosi %mul3A_61 : vector<16xf32> to vector<16xi32>
      %jit3A_67 = arith.constant 0 : i32
      %jit3A_68 = arith.constant 127 : i32
      %max3A_69 = vector.broadcast %jit3A_67 : i32 to vector<16xi32>
      %max3A_70 = arith.maxsi %max3A_69, %convert_element_type3A_66 : vector<16xi32>
      %min3A_71 = vector.broadcast %jit3A_68 : i32 to vector<16xi32>
      %min3A_72 = arith.minsi %min3A_71, %max3A_70 : vector<16xi32>
      %lt3A = arith.constant 100 : i32
      %lt3A_73 = vector.broadcast %lt3A : i32 to vector<16xi32>
      %lt3A_74 = arith.cmpi slt, %add3A_43, %lt3A_73 : vector<16xi32>
      %mul3A_75 = arith.constant 5 : i32
      %mul3A_76 = vector.broadcast %mul3A_75 : i32 to vector<16xi32>
      %mul3A_77 = arith.muli %min3A_45, %mul3A_76 : vector<16xi32>
      %add3A_78 = arith.constant 0 : i32
      %add3A_79 = vector.broadcast %add3A_78 : i32 to vector<16xi32>
      %add3A_80 = arith.addi %mul3A_77, %add3A_79 : vector<16xi32>
      %gather3A_81 = tpu.vector_load_idx %arg5[%add3A_80] : memref<512xf32, #tpu.memory_space<vmem>>[vector<16xi32>], vector<16xf32>,
      %convert_element_type3A_82 = arith.fptosi %gather3A_81 : vector<16xf32> to vector<16xi32>
      %add3A_83 = arith.constant 1 : i32
      %add3A_84 = vector.broadcast %add3A_83 : i32 to vector<16xi32>
      %add3A_85 = arith.addi %mul3A_77, %add3A_84 : vector<16xi32>
      %gather3A_86 = tpu.vector_load_idx %arg5[%add3A_85] : memref<512xf32, #tpu.memory_space<vmem>>[vector<16xi32>], vector<16xf32>,
      %add3A_87 = arith.constant 2 : i32
      %add3A_88 = vector.broadcast %add3A_87 : i32 to vector<16xi32>
      %add3A_89 = arith.addi %mul3A_77, %add3A_88 : vector<16xi32>
      %gather3A_90 = tpu.vector_load_idx %arg5[%add3A_89] : memref<512xf32, #tpu.memory_space<vmem>>[vector<16xi32>], vector<16xf32>,
      %add3A_91 = arith.constant 3 : i32
      %add3A_92 = vector.broadcast %add3A_91 : i32 to vector<16xi32>
      %add3A_93 = arith.addi %mul3A_77, %add3A_92 : vector<16xi32>
      %gather3A_94 = tpu.vector_load_idx %arg5[%add3A_93] : memref<512xf32, #tpu.memory_space<vmem>>[vector<16xi32>], vector<16xf32>,
      %add3A_95 = arith.constant 4 : i32
      %add3A_96 = vector.broadcast %add3A_95 : i32 to vector<16xi32>
      %add3A_97 = arith.addi %mul3A_77, %add3A_96 : vector<16xi32>
      %gather3A_98 = tpu.vector_load_idx %arg5[%add3A_97] : memref<512xf32, #tpu.memory_space<vmem>>[vector<16xi32>], vector<16xf32>,
      %shift_left3A = arith.constant 1 : i32
      %shift_left3A_99 = vector.broadcast %shift_left3A : i32 to vector<16xi32>
      %shift_left3A_100 = arith.shli %convert_element_type3A_82, %shift_left3A_99 : vector<16xi32>
      %or3A = arith.constant 1 : i32
      %or3A_101 = vector.broadcast %or3A : i32 to vector<16xi32>
      %or3A_102 = arith.ori %or3A_101, %shift_left3A_100 : vector<16xi32>
      %mul3A_103 = arith.constant 16 : i32
      %mul3A_104 = arith.muli %scan3A_38, %mul3A_103 : i32
      %swap3A = arith.index_cast %mul3A_104 : i32 to index
      %swap3A_105 = tpu.vector_load %arg6[%swap3A] {strides = array<i32>} : memref<112xi32, #tpu.memory_space<vmem>>, vector<16xi32>,
      tpu.vector_store %arg6[%swap3A], %or3A_102 {strides = array<i32>} : memref<112xi32, #tpu.memory_space<vmem>>, vector<16xi32>,
      %mul3A_106 = arith.constant 128 : i32
      %mul3A_107 = vector.broadcast %mul3A_106 : i32 to vector<16xi32>
      %mul3A_108 = arith.muli %min3A_72, %mul3A_107 : vector<16xi32>
      %add3A_109 = arith.addi %mul3A_108, %min3A_65 : vector<16xi32>
      tpu.vector_store_idx %arg7[%add3A_109], %or3A_102 masked %lt3A_74 : memref<16384xi32, #tpu.memory_space<vmem>>[vector<16xi32>], vector<16xi32>, vector<16xi1>
      tpu.vector_store_idx %arg8[%add3A_109], %gather3A_86 masked %lt3A_74 : memref<65536xf32, #tpu.memory_space<vmem>>[vector<16xi32>], vector<16xf32>, vector<16xi1>
      %add3A_110 = arith.constant 16384 : i32
      %add3A_111 = vector.broadcast %add3A_110 : i32 to vector<16xi32>
      %add3A_112 = arith.addi %add3A_109, %add3A_111 : vector<16xi32>
      tpu.vector_store_idx %arg8[%add3A_112], %gather3A_90 masked %lt3A_74 : memref<65536xf32, #tpu.memory_space<vmem>>[vector<16xi32>], vector<16xf32>, vector<16xi1>
      %add3A_113 = arith.constant 32768 : i32
      %add3A_114 = vector.broadcast %add3A_113 : i32 to vector<16xi32>
      %add3A_115 = arith.addi %add3A_109, %add3A_114 : vector<16xi32>
      tpu.vector_store_idx %arg8[%add3A_115], %gather3A_94 masked %lt3A_74 : memref<65536xf32, #tpu.memory_space<vmem>>[vector<16xi32>], vector<16xf32>, vector<16xi1>
      %add3A_116 = arith.constant 49152 : i32
      %add3A_117 = vector.broadcast %add3A_116 : i32 to vector<16xi32>
      %add3A_118 = arith.addi %add3A_109, %add3A_117 : vector<16xi32>
      tpu.vector_store_idx %arg8[%add3A_118], %gather3A_98 masked %lt3A_74 : memref<65536xf32, #tpu.memory_space<vmem>>[vector<16xi32>], vector<16xf32>, vector<16xi1>
      %scan3A_119 = arith.constant 0 : i32
      scf.yield %scan3A_119 : i32
    }
    %scan3A_23 = arith.constant 7 : i32
    %scan3A_24 = arith.constant 0 : i32
    %scan3A_25 = arith.constant 0 : i32
    %scan3A_26 = arith.constant 7 : i32
    %scan3A_27 = arith.addi %scan3A_25, %scan3A_26 : i32
    %scan3A_28 = arith.constant 1 : i32
    %scan3A_29 = scf.for %scan3A_38 = %scan3A_25 to %scan3A_27 step %scan3A_28 iter_args(%scan3A_39 = %scan3A_24) -> (i32)  : i32 {
      %iota3A = tpu.iota {dimensions = array<i32: 0>} : vector<16xi32>
      %mul3A_40 = arith.constant 16 : i32
      %mul3A_41 = arith.muli %scan3A_38, %mul3A_40 : i32
      %add3A_42 = vector.broadcast %mul3A_41 : i32 to vector<16xi32>
      %add3A_43 = arith.addi %iota3A, %add3A_42 : vector<16xi32>
      %min3A = arith.constant 99 : i32
      %min3A_44 = vector.broadcast %min3A : i32 to vector<16xi32>
      %min3A_45 = arith.minsi %add3A_43, %min3A_44 : vector<16xi32>
      %mul3A_46 = arith.constant 5 : i32
      %mul3A_47 = vector.broadcast %mul3A_46 : i32 to vector<16xi32>
      %mul3A_48 = arith.muli %min3A_45, %mul3A_47 : vector<16xi32>
      %add3A_49 = arith.constant 1 : i32
      %add3A_50 = vector.broadcast %add3A_49 : i32 to vector<16xi32>
      %add3A_51 = arith.addi %mul3A_48, %add3A_50 : vector<16xi32>
      %gather3A = tpu.vector_load_idx %arg5[%add3A_51] : memref<512xf32, #tpu.memory_space<vmem>>[vector<16xi32>], vector<16xf32>,
      %add3A_52 = arith.constant 2 : i32
      %add3A_53 = vector.broadcast %add3A_52 : i32 to vector<16xi32>
      %add3A_54 = arith.addi %mul3A_48, %add3A_53 : vector<16xi32>
      %gather3A_55 = tpu.vector_load_idx %arg5[%add3A_54] : memref<512xf32, #tpu.memory_space<vmem>>[vector<16xi32>], vector<16xf32>,
      %mul3A_56 = arith.constant 1.280000e+02 : f32
      %mul3A_57 = vector.broadcast %mul3A_56 : f32 to vector<16xf32>
      %mul3A_58 = arith.mulf %gather3A, %mul3A_57 : vector<16xf32>
      %mul3A_59 = arith.constant 1.280000e+02 : f32
      %mul3A_60 = vector.broadcast %mul3A_59 : f32 to vector<16xf32>
      %mul3A_61 = arith.mulf %gather3A_55, %mul3A_60 : vector<16xf32>
      %convert_element_type3A = arith.fptosi %mul3A_58 : vector<16xf32> to vector<16xi32>
      %jit3A = arith.constant 0 : i32
      %jit3A_62 = arith.constant 127 : i32
      %max3A = vector.broadcast %jit3A : i32 to vector<16xi32>
      %max3A_63 = arith.maxsi %max3A, %convert_element_type3A : vector<16xi32>
      %min3A_64 = vector.broadcast %jit3A_62 : i32 to vector<16xi32>
      %min3A_65 = arith.minsi %min3A_64, %max3A_63 : vector<16xi32>
      %convert_element_type3A_66 = arith.fptosi %mul3A_61 : vector<16xf32> to vector<16xi32>
      %jit3A_67 = arith.constant 0 : i32
      %jit3A_68 = arith.constant 127 : i32
      %max3A_69 = vector.broadcast %jit3A_67 : i32 to vector<16xi32>
      %max3A_70 = arith.maxsi %max3A_69, %convert_element_type3A_66 : vector<16xi32>
      %min3A_71 = vector.broadcast %jit3A_68 : i32 to vector<16xi32>
      %min3A_72 = arith.minsi %min3A_71, %max3A_70 : vector<16xi32>
      %lt3A = arith.constant 100 : i32
      %lt3A_73 = vector.broadcast %lt3A : i32 to vector<16xi32>
      %lt3A_74 = arith.cmpi slt, %add3A_43, %lt3A_73 : vector<16xi32>
      %convert_element_type3A_75 = arith.sitofp %min3A_65 : vector<16xi32> to vector<16xf32>
      %sub3A = arith.subf %mul3A_58, %convert_element_type3A_75 : vector<16xf32>
      %ge3A = arith.constant 5.000000e-01 : f32
      %ge3A_76 = vector.broadcast %ge3A : f32 to vector<16xf32>
      %ge3A_77 = arith.cmpf oge, %sub3A, %ge3A_76 : vector<16xf32>
      %jit3A_78 = arith.constant 1 : i32
      %jit3A_79 = arith.constant -1 : i32
      %broadcast_in_dim3A_80 = vector.broadcast %jit3A_78 : i32 to vector<16xi32>
      %broadcast_in_dim3A_81 = vector.broadcast %jit3A_79 : i32 to vector<16xi32>
      %select_n3A = arith.select %ge3A_77, %broadcast_in_dim3A_80, %broadcast_in_dim3A_81 : vector<16xi1>, vector<16xi32>
      %add3A_82 = arith.addi %min3A_65, %select_n3A : vector<16xi32>
      %ge3A_83 = arith.constant 0 : i32
      %ge3A_84 = vector.broadcast %ge3A_83 : i32 to vector<16xi32>
      %ge3A_85 = arith.cmpi sge, %add3A_82, %ge3A_84 : vector<16xi32>
      %and3A = arith.andi %lt3A_74, %ge3A_85 : vector<16xi1>
      %lt3A_86 = arith.constant 128 : i32
      %lt3A_87 = vector.broadcast %lt3A_86 : i32 to vector<16xi32>
      %lt3A_88 = arith.cmpi slt, %add3A_82, %lt3A_87 : vector<16xi32>
      %and3A_89 = arith.andi %and3A, %lt3A_88 : vector<16xi1>
      %mul3A_90 = arith.constant 16 : i32
      %mul3A_91 = arith.muli %scan3A_38, %mul3A_90 : i32
      %get3A = arith.index_cast %mul3A_91 : i32 to index
      %get3A_92 = tpu.vector_load %arg6[%get3A] {strides = array<i32>} : memref<112xi32, #tpu.memory_space<vmem>>, vector<16xi32>,
      %mul3A_93 = arith.constant 128 : i32
      %mul3A_94 = vector.broadcast %mul3A_93 : i32 to vector<16xi32>
      %mul3A_95 = arith.muli %min3A_72, %mul3A_94 : vector<16xi32>
      %jit3A_96 = arith.constant 0 : i32
      %jit3A_97 = arith.constant 127 : i32
      %max3A_98 = vector.broadcast %jit3A_96 : i32 to vector<16xi32>
      %max3A_99 = arith.maxsi %max3A_98, %add3A_82 : vector<16xi32>
      %min3A_100 = vector.broadcast %jit3A_97 : i32 to vector<16xi32>
      %min3A_101 = arith.minsi %min3A_100, %max3A_99 : vector<16xi32>
      %add3A_102 = arith.addi %mul3A_95, %min3A_101 : vector<16xi32>
      tpu.vector_store_idx %arg7[%add3A_102], %get3A_92 masked %and3A_89 : memref<16384xi32, #tpu.memory_space<vmem>>[vector<16xi32>], vector<16xi32>, vector<16xi1>
      %scan3A_103 = arith.constant 0 : i32
      scf.yield %scan3A_103 : i32
    }
    %scan3A_30 = arith.constant 7 : i32
    %scan3A_31 = arith.constant 0 : i32
    %scan3A_32 = arith.constant 0 : i32
    %scan3A_33 = arith.constant 7 : i32
    %scan3A_34 = arith.addi %scan3A_32, %scan3A_33 : i32
    %scan3A_35 = arith.constant 1 : i32
    %scan3A_36 = scf.for %scan3A_38 = %scan3A_32 to %scan3A_34 step %scan3A_35 iter_args(%scan3A_39 = %scan3A_31) -> (i32)  : i32 {
      %iota3A = tpu.iota {dimensions = array<i32: 0>} : vector<16xi32>
      %mul3A_40 = arith.constant 16 : i32
      %mul3A_41 = arith.muli %scan3A_38, %mul3A_40 : i32
      %add3A_42 = vector.broadcast %mul3A_41 : i32 to vector<16xi32>
      %add3A_43 = arith.addi %iota3A, %add3A_42 : vector<16xi32>
      %min3A = arith.constant 99 : i32
      %min3A_44 = vector.broadcast %min3A : i32 to vector<16xi32>
      %min3A_45 = arith.minsi %add3A_43, %min3A_44 : vector<16xi32>
      %mul3A_46 = arith.constant 5 : i32
      %mul3A_47 = vector.broadcast %mul3A_46 : i32 to vector<16xi32>
      %mul3A_48 = arith.muli %min3A_45, %mul3A_47 : vector<16xi32>
      %add3A_49 = arith.constant 1 : i32
      %add3A_50 = vector.broadcast %add3A_49 : i32 to vector<16xi32>
      %add3A_51 = arith.addi %mul3A_48, %add3A_50 : vector<16xi32>
      %gather3A = tpu.vector_load_idx %arg5[%add3A_51] : memref<512xf32, #tpu.memory_space<vmem>>[vector<16xi32>], vector<16xf32>,
      %add3A_52 = arith.constant 2 : i32
      %add3A_53 = vector.broadcast %add3A_52 : i32 to vector<16xi32>
      %add3A_54 = arith.addi %mul3A_48, %add3A_53 : vector<16xi32>
      %gather3A_55 = tpu.vector_load_idx %arg5[%add3A_54] : memref<512xf32, #tpu.memory_space<vmem>>[vector<16xi32>], vector<16xf32>,
      %mul3A_56 = arith.constant 1.280000e+02 : f32
      %mul3A_57 = vector.broadcast %mul3A_56 : f32 to vector<16xf32>
      %mul3A_58 = arith.mulf %gather3A, %mul3A_57 : vector<16xf32>
      %mul3A_59 = arith.constant 1.280000e+02 : f32
      %mul3A_60 = vector.broadcast %mul3A_59 : f32 to vector<16xf32>
      %mul3A_61 = arith.mulf %gather3A_55, %mul3A_60 : vector<16xf32>
      %convert_element_type3A = arith.fptosi %mul3A_58 : vector<16xf32> to vector<16xi32>
      %jit3A = arith.constant 0 : i32
      %jit3A_62 = arith.constant 127 : i32
      %max3A = vector.broadcast %jit3A : i32 to vector<16xi32>
      %max3A_63 = arith.maxsi %max3A, %convert_element_type3A : vector<16xi32>
      %min3A_64 = vector.broadcast %jit3A_62 : i32 to vector<16xi32>
      %min3A_65 = arith.minsi %min3A_64, %max3A_63 : vector<16xi32>
      %convert_element_type3A_66 = arith.fptosi %mul3A_61 : vector<16xf32> to vector<16xi32>
      %jit3A_67 = arith.constant 0 : i32
      %jit3A_68 = arith.constant 127 : i32
      %max3A_69 = vector.broadcast %jit3A_67 : i32 to vector<16xi32>
      %max3A_70 = arith.maxsi %max3A_69, %convert_element_type3A_66 : vector<16xi32>
      %min3A_71 = vector.broadcast %jit3A_68 : i32 to vector<16xi32>
      %min3A_72 = arith.minsi %min3A_71, %max3A_70 : vector<16xi32>
      %lt3A = arith.constant 100 : i32
      %lt3A_73 = vector.broadcast %lt3A : i32 to vector<16xi32>
      %lt3A_74 = arith.cmpi slt, %add3A_43, %lt3A_73 : vector<16xi32>
      %convert_element_type3A_75 = arith.sitofp %min3A_72 : vector<16xi32> to vector<16xf32>
      %sub3A = arith.subf %mul3A_61, %convert_element_type3A_75 : vector<16xf32>
      %ge3A = arith.constant 5.000000e-01 : f32
      %ge3A_76 = vector.broadcast %ge3A : f32 to vector<16xf32>
      %ge3A_77 = arith.cmpf oge, %sub3A, %ge3A_76 : vector<16xf32>
      %jit3A_78 = arith.constant 1 : i32
      %jit3A_79 = arith.constant -1 : i32
      %broadcast_in_dim3A_80 = vector.broadcast %jit3A_78 : i32 to vector<16xi32>
      %broadcast_in_dim3A_81 = vector.broadcast %jit3A_79 : i32 to vector<16xi32>
      %select_n3A = arith.select %ge3A_77, %broadcast_in_dim3A_80, %broadcast_in_dim3A_81 : vector<16xi1>, vector<16xi32>
      %add3A_82 = arith.addi %min3A_72, %select_n3A : vector<16xi32>
      %ge3A_83 = arith.constant 0 : i32
      %ge3A_84 = vector.broadcast %ge3A_83 : i32 to vector<16xi32>
      %ge3A_85 = arith.cmpi sge, %add3A_82, %ge3A_84 : vector<16xi32>
      %and3A = arith.andi %lt3A_74, %ge3A_85 : vector<16xi1>
      %lt3A_86 = arith.constant 128 : i32
      %lt3A_87 = vector.broadcast %lt3A_86 : i32 to vector<16xi32>
      %lt3A_88 = arith.cmpi slt, %add3A_82, %lt3A_87 : vector<16xi32>
      %and3A_89 = arith.andi %and3A, %lt3A_88 : vector<16xi1>
      %mul3A_90 = arith.constant 16 : i32
      %mul3A_91 = arith.muli %scan3A_38, %mul3A_90 : i32
      %get3A = arith.index_cast %mul3A_91 : i32 to index
      %get3A_92 = tpu.vector_load %arg6[%get3A] {strides = array<i32>} : memref<112xi32, #tpu.memory_space<vmem>>, vector<16xi32>,
      %jit3A_93 = arith.constant 0 : i32
      %jit3A_94 = arith.constant 127 : i32
      %max3A_95 = vector.broadcast %jit3A_93 : i32 to vector<16xi32>
      %max3A_96 = arith.maxsi %max3A_95, %add3A_82 : vector<16xi32>
      %min3A_97 = vector.broadcast %jit3A_94 : i32 to vector<16xi32>
      %min3A_98 = arith.minsi %min3A_97, %max3A_96 : vector<16xi32>
      %mul3A_99 = arith.constant 128 : i32
      %mul3A_100 = vector.broadcast %mul3A_99 : i32 to vector<16xi32>
      %mul3A_101 = arith.muli %min3A_98, %mul3A_100 : vector<16xi32>
      %add3A_102 = arith.addi %mul3A_101, %min3A_65 : vector<16xi32>
      tpu.vector_store_idx %arg7[%add3A_102], %get3A_92 masked %and3A_89 : memref<16384xi32, #tpu.memory_space<vmem>>[vector<16xi32>], vector<16xi32>, vector<16xi1>
      %scan3A_103 = arith.constant 0 : i32
      scf.yield %scan3A_103 : i32
    }
    %scan3A_37 = arith.constant 7 : i32
    "tpu.region"() ({
      %run_scoped3A = tpu.sem_alloc : memref<!tpu.dma_semaphore, #tpu.memory_space<semaphore_mem>>
      %dma_start3A = arith.constant 0 : i32
      %dma_start3A_38 = tpu.memref_slice %arg3[%add3A, %dma_start3A] : memref<32x16384xi32, #tpu.memory_space<hbm>> -> memref<1x16384xi32, #tpu.memory_space<hbm>>
      %dma_start3A_39 = tpu.memref_squeeze %dma_start3A_38 : memref<1x16384xi32, #tpu.memory_space<hbm>> -> memref<16384xi32, #tpu.memory_space<hbm>>
      %dma_start3A_40 = arith.constant 0 : i32
      %dma_start3A_41 = tpu.memref_slice %arg3[%add3A, %dma_start3A_40] : memref<32x16384xi32, #tpu.memory_space<hbm>> -> memref<1x16384xi32, #tpu.memory_space<hbm>>
      %dma_start3A_42 = tpu.memref_squeeze %dma_start3A_41 : memref<1x16384xi32, #tpu.memory_space<hbm>> -> memref<16384xi32, #tpu.memory_space<hbm>>
      tpu.enqueue_dma source(%arg7 : memref<16384xi32, #tpu.memory_space<vmem>>) target(%dma_start3A_42 : memref<16384xi32, #tpu.memory_space<hbm>>) target_semaphore(%run_scoped3A : memref<!tpu.dma_semaphore, #tpu.memory_space<semaphore_mem>>)
      %dma_wait3A = arith.constant 0 : i32
      %dma_wait3A_43 = tpu.memref_slice %arg3[%add3A, %dma_wait3A] : memref<32x16384xi32, #tpu.memory_space<hbm>> -> memref<1x16384xi32, #tpu.memory_space<hbm>>
      %dma_wait3A_44 = tpu.memref_squeeze %dma_wait3A_43 : memref<1x16384xi32, #tpu.memory_space<hbm>> -> memref<16384xi32, #tpu.memory_space<hbm>>
      %dma_wait3A_45 = arith.constant 0 : i32
      %dma_wait3A_46 = tpu.memref_slice %arg3[%add3A, %dma_wait3A_45] : memref<32x16384xi32, #tpu.memory_space<hbm>> -> memref<1x16384xi32, #tpu.memory_space<hbm>>
      %dma_wait3A_47 = tpu.memref_squeeze %dma_wait3A_46 : memref<1x16384xi32, #tpu.memory_space<hbm>> -> memref<16384xi32, #tpu.memory_space<hbm>>
      tpu.wait_dma2 semaphore(%run_scoped3A : memref<!tpu.dma_semaphore, #tpu.memory_space<semaphore_mem>>) src(%arg7 : memref<16384xi32, #tpu.memory_space<vmem>>) dst(%dma_wait3A_47 : memref<16384xi32, #tpu.memory_space<hbm>>)
      tpu.yield
    }) : () -> ()
    "tpu.region"() ({
      %run_scoped3A = tpu.sem_alloc : memref<!tpu.dma_semaphore, #tpu.memory_space<semaphore_mem>>
      %dma_start3A = arith.constant 0 : i32
      %dma_start3A_38 = tpu.memref_slice %arg4[%add3A, %dma_start3A] : memref<32x65536xf32, #tpu.memory_space<hbm>> -> memref<1x65536xf32, #tpu.memory_space<hbm>>
      %dma_start3A_39 = tpu.memref_squeeze %dma_start3A_38 : memref<1x65536xf32, #tpu.memory_space<hbm>> -> memref<65536xf32, #tpu.memory_space<hbm>>
      %dma_start3A_40 = arith.constant 0 : i32
      %dma_start3A_41 = tpu.memref_slice %arg4[%add3A, %dma_start3A_40] : memref<32x65536xf32, #tpu.memory_space<hbm>> -> memref<1x65536xf32, #tpu.memory_space<hbm>>
      %dma_start3A_42 = tpu.memref_squeeze %dma_start3A_41 : memref<1x65536xf32, #tpu.memory_space<hbm>> -> memref<65536xf32, #tpu.memory_space<hbm>>
      tpu.enqueue_dma source(%arg8 : memref<65536xf32, #tpu.memory_space<vmem>>) target(%dma_start3A_42 : memref<65536xf32, #tpu.memory_space<hbm>>) target_semaphore(%run_scoped3A : memref<!tpu.dma_semaphore, #tpu.memory_space<semaphore_mem>>)
      %dma_wait3A = arith.constant 0 : i32
      %dma_wait3A_43 = tpu.memref_slice %arg4[%add3A, %dma_wait3A] : memref<32x65536xf32, #tpu.memory_space<hbm>> -> memref<1x65536xf32, #tpu.memory_space<hbm>>
      %dma_wait3A_44 = tpu.memref_squeeze %dma_wait3A_43 : memref<1x65536xf32, #tpu.memory_space<hbm>> -> memref<65536xf32, #tpu.memory_space<hbm>>
      %dma_wait3A_45 = arith.constant 0 : i32
      %dma_wait3A_46 = tpu.memref_slice %arg4[%add3A, %dma_wait3A_45] : memref<32x65536xf32, #tpu.memory_space<hbm>> -> memref<1x65536xf32, #tpu.memory_space<hbm>>
      %dma_wait3A_47 = tpu.memref_squeeze %dma_wait3A_46 : memref<1x65536xf32, #tpu.memory_space<hbm>> -> memref<65536xf32, #tpu.memory_space<hbm>>
      tpu.wait_dma2 semaphore(%run_scoped3A : memref<!tpu.dma_semaphore, #tpu.memory_space<semaphore_mem>>) src(%arg8 : memref<65536xf32, #tpu.memory_space<vmem>>) dst(%dma_wait3A_47 : memref<65536xf32, #tpu.memory_space<hbm>>)
      tpu.yield
    }) : () -> ()
    return
  }
}

module attributes {stable_mosaic.version = 14 : i64} {
  func.func @_tc2_body(%arg0: i32, %arg1: i32, %arg2: memref<1x64x128xi32, #tpu.memory_space<vmem>>, %arg3: memref<1x64x128xf32, #tpu.memory_space<vmem>>, %arg4: memref<1x64x128xf32, #tpu.memory_space<vmem>>, %arg5: memref<1x64x128xf32, #tpu.memory_space<vmem>>, %arg6: memref<1x64x128xf32, #tpu.memory_space<vmem>>, %arg7: memref<1x1xf32, #tpu.memory_space<smem>>) attributes {dimension_semantics = [#tpu.dimension_semantics<arbitrary>, #tpu.dimension_semantics<arbitrary>], iteration_bounds = array<i64: 32, 2>, scalar_prefetch = 0 : i64, scratch_operands = 0 : i64, tpu.core_type = #tpu.core_type<tc>, window_params = [{transform_indices = @transform_0, window_bounds = array<i64: 1, 64, 128>}, {transform_indices = @transform_1, window_bounds = array<i64: 1, 64, 128>}, {transform_indices = @transform_2, window_bounds = array<i64: 1, 64, 128>}, {transform_indices = @transform_3, window_bounds = array<i64: 1, 64, 128>}, {transform_indices = @transform_4, window_bounds = array<i64: 1, 64, 128>}, {transform_indices = @transform_5, window_bounds = array<i64: 1, 1>}]} {
    %get3A = arith.constant 0 : index
    %get3A_0 = arith.constant 0 : index
    %get3A_1 = arith.constant 0 : index
    %get3A_2 = vector.load %arg2[%get3A, %get3A_0, %get3A_1] : memref<1x64x128xi32, #tpu.memory_space<vmem>>, vector<1x64x128xi32>
    %get3A_3 = vector.shape_cast %get3A_2 : vector<1x64x128xi32> to vector<64x128xi32>
    %and3A = arith.constant 1 : i32
    %and3A_4 = vector.broadcast %and3A : i32 to vector<64x128xi32>
    %and3A_5 = arith.andi %get3A_3, %and3A_4 : vector<64x128xi32>
    %convert_element_type3A = arith.sitofp %and3A_5 : vector<64x128xi32> to vector<64x128xf32>
    %shift_right_arithmetic3A = arith.constant 1 : i32
    %shift_right_arithmetic3A_6 = vector.broadcast %shift_right_arithmetic3A : i32 to vector<64x128xi32>
    %shift_right_arithmetic3A_7 = arith.shrsi %get3A_3, %shift_right_arithmetic3A_6 : vector<64x128xi32>
    %and3A_8 = arith.constant 1 : i32
    %and3A_9 = vector.broadcast %and3A_8 : i32 to vector<64x128xi32>
    %and3A_10 = arith.andi %shift_right_arithmetic3A_7, %and3A_9 : vector<64x128xi32>
    %eq3A = arith.constant 1 : i32
    %eq3A_11 = vector.broadcast %eq3A : i32 to vector<64x128xi32>
    %eq3A_12 = arith.cmpi eq, %and3A_10, %eq3A_11 : vector<64x128xi32>
    %get3A_13 = arith.constant 0 : index
    %get3A_14 = arith.constant 0 : index
    %get3A_15 = arith.constant 0 : index
    %get3A_16 = vector.load %arg4[%get3A_13, %get3A_14, %get3A_15] : memref<1x64x128xf32, #tpu.memory_space<vmem>>, vector<1x64x128xf32>
    %get3A_17 = vector.shape_cast %get3A_16 : vector<1x64x128xf32> to vector<64x128xf32>
    %get3A_18 = arith.constant 0 : index
    %get3A_19 = arith.constant 0 : index
    %get3A_20 = arith.constant 0 : index
    %get3A_21 = vector.load %arg3[%get3A_18, %get3A_19, %get3A_20] : memref<1x64x128xf32, #tpu.memory_space<vmem>>, vector<1x64x128xf32>
    %get3A_22 = vector.shape_cast %get3A_21 : vector<1x64x128xf32> to vector<64x128xf32>
    %select_n3A = arith.select %eq3A_12, %get3A_17, %get3A_22 : vector<64x128xi1>, vector<64x128xf32>
    %get3A_23 = arith.constant 0 : index
    %get3A_24 = arith.constant 0 : index
    %get3A_25 = arith.constant 0 : index
    %get3A_26 = vector.load %arg5[%get3A_23, %get3A_24, %get3A_25] : memref<1x64x128xf32, #tpu.memory_space<vmem>>, vector<1x64x128xf32>
    %get3A_27 = vector.shape_cast %get3A_26 : vector<1x64x128xf32> to vector<64x128xf32>
    %add3A = arith.addf %select_n3A, %get3A_27 : vector<64x128xf32>
    %mul3A = arith.mulf %add3A, %convert_element_type3A : vector<64x128xf32>
    %get3A_28 = arith.constant 0 : index
    %get3A_29 = arith.constant 0 : index
    %get3A_30 = arith.constant 0 : index
    %get3A_31 = vector.load %arg6[%get3A_28, %get3A_29, %get3A_30] : memref<1x64x128xf32, #tpu.memory_space<vmem>>, vector<1x64x128xf32>
    %get3A_32 = vector.shape_cast %get3A_31 : vector<1x64x128xf32> to vector<64x128xf32>
    %mul3A_33 = arith.constant 1.000000e-01 : f32
    %mul3A_34 = vector.broadcast %mul3A_33 : f32 to vector<64x128xf32>
    %mul3A_35 = arith.mulf %mul3A_34, %get3A_32 : vector<64x128xf32>
    %sub3A = arith.constant 1.000000e+00 : f32
    %sub3A_36 = vector.broadcast %sub3A : f32 to vector<64x128xf32>
    %sub3A_37 = arith.subf %sub3A_36, %convert_element_type3A : vector<64x128xf32>
    %mul3A_38 = arith.mulf %mul3A_35, %sub3A_37 : vector<64x128xf32>
    %add3A_39 = arith.addf %mul3A, %mul3A_38 : vector<64x128xf32>
    %reduce_sum3A = vector.shape_cast %add3A_39 : vector<64x128xf32> to vector<1x64x128xf32>
    %reduce_sum3A_40 = arith.constant dense<0.000000e+00> : vector<1xf32>
    %reduce_sum3A_41 = vector.multi_reduction <add>, %reduce_sum3A, %reduce_sum3A_40 [1, 2] : vector<1x64x128xf32> to vector<1xf32>
    %reduce_sum3A_42 = vector.shape_cast %reduce_sum3A_41 : vector<1xf32> to vector<1x1x1xf32>
    %reduce_sum3A_43 = vector.extract %reduce_sum3A_42[0, 0, 0] : f32 from vector<1x1x1xf32>
    %eq3A_44 = arith.constant 0 : i32
    %eq3A_45 = arith.cmpi eq, %arg0, %eq3A_44 : i32
    %eq3A_46 = arith.constant 0 : i32
    %eq3A_47 = arith.cmpi eq, %arg1, %eq3A_46 : i32
    %and3A_48 = arith.andi %eq3A_45, %eq3A_47 : i1
    %convert_element_type3A_49 = arith.extui %and3A_48 : i1 to i32
    %cond3A = arith.constant 0 : i32
    %cond3A_50 = arith.cmpi ne, %convert_element_type3A_49, %cond3A : i32
    scf.if %cond3A_50 {
      %swap3A_57 = arith.constant 0.000000e+00 : f32
      %swap3A_58 = arith.constant 0 : index
      %swap3A_59 = arith.constant 0 : index
      %swap3A_60 = memref.load %arg7[%swap3A_58, %swap3A_59] : memref<1x1xf32, #tpu.memory_space<smem>>
      memref.store %swap3A_57, %arg7[%swap3A_58, %swap3A_59] : memref<1x1xf32, #tpu.memory_space<smem>>
    } else {
    }
    %get3A_51 = arith.constant 0 : index
    %get3A_52 = arith.constant 0 : index
    %get3A_53 = memref.load %arg7[%get3A_51, %get3A_52] : memref<1x1xf32, #tpu.memory_space<smem>>
    %add3A_54 = arith.addf %get3A_53, %reduce_sum3A_43 : f32
    %swap3A = arith.constant 0 : index
    %swap3A_55 = arith.constant 0 : index
    %swap3A_56 = memref.load %arg7[%swap3A, %swap3A_55] : memref<1x1xf32, #tpu.memory_space<smem>>
    memref.store %add3A_54, %arg7[%swap3A, %swap3A_55] : memref<1x1xf32, #tpu.memory_space<smem>>
    return
  }
  func.func @transform_0(%arg0: i32, %arg1: i32) -> (i32, i32, i32) {
    %c0_i32 = arith.constant 0 : i32
    %c0_i32_0 = arith.constant 0 : i32
    return %arg0, %arg1, %c0_i32 : i32, i32, i32
  }
  func.func @transform_1(%arg0: i32, %arg1: i32) -> (i32, i32, i32) {
    %c0_i32 = arith.constant 0 : i32
    %c0_i32_0 = arith.constant 0 : i32
    return %arg0, %arg1, %c0_i32 : i32, i32, i32
  }
  func.func @transform_2(%arg0: i32, %arg1: i32) -> (i32, i32, i32) {
    %c0_i32 = arith.constant 0 : i32
    %c0_i32_0 = arith.constant 0 : i32
    return %arg0, %arg1, %c0_i32 : i32, i32, i32
  }
  func.func @transform_3(%arg0: i32, %arg1: i32) -> (i32, i32, i32) {
    %c0_i32 = arith.constant 0 : i32
    %c0_i32_0 = arith.constant 0 : i32
    return %arg0, %arg1, %c0_i32 : i32, i32, i32
  }
  func.func @transform_4(%arg0: i32, %arg1: i32) -> (i32, i32, i32) {
    %c0_i32 = arith.constant 0 : i32
    %c0_i32_0 = arith.constant 0 : i32
    return %arg0, %arg1, %c0_i32 : i32, i32, i32
  }
  func.func @transform_5(%arg0: i32, %arg1: i32) -> (i32, i32) {
    %c0_i32 = arith.constant 0 : i32
    %c0_i32_0 = arith.constant 0 : i32
    %c0_i32_1 = arith.constant 0 : i32
    return %c0_i32, %c0_i32_0 : i32, i32
  }
}

module attributes {stable_mosaic.version = 14 : i64} {
  func.func @_tc1_body(%arg0: i32, %arg1: i32, %arg2: memref<1x128x128x90xf32, #tpu.memory_space<vmem>>, %arg3: memref<1x128x128xi32, #tpu.memory_space<vmem>>, %arg4: memref<1x4x128x128xf32, #tpu.memory_space<vmem>>, %arg5: memref<1x128x128xi32, #tpu.memory_space<vmem>>, %arg6: memref<1x128x128xf32, #tpu.memory_space<vmem>>, %arg7: memref<1x128x128xf32, #tpu.memory_space<vmem>>, %arg8: memref<1x128x128xf32, #tpu.memory_space<vmem>>, %arg9: memref<1x128x128xf32, #tpu.memory_space<vmem>>) attributes {dimension_semantics = [#tpu.dimension_semantics<arbitrary>, #tpu.dimension_semantics<arbitrary>], iteration_bounds = array<i64: 32, 1>, scalar_prefetch = 0 : i64, scratch_operands = 0 : i64, tpu.core_type = #tpu.core_type<tc>, window_params = [{transform_indices = @transform_0, window_bounds = array<i64: 1, 128, 128, 90>}, {transform_indices = @transform_1, window_bounds = array<i64: 1, 128, 128>}, {transform_indices = @transform_2, window_bounds = array<i64: 1, 4, 128, 128>}, {transform_indices = @transform_3, window_bounds = array<i64: 1, 128, 128>}, {transform_indices = @transform_4, window_bounds = array<i64: 1, 128, 128>}, {transform_indices = @transform_5, window_bounds = array<i64: 1, 128, 128>}, {transform_indices = @transform_6, window_bounds = array<i64: 1, 128, 128>}, {transform_indices = @transform_7, window_bounds = array<i64: 1, 128, 128>}]} {
    %get3A = arith.constant 0 : index
    %get3A_0 = arith.constant 0 : index
    %get3A_1 = arith.constant 0 : index
    %get3A_2 = arith.constant 0 : index
    %get3A_3 = vector.load %arg2[%get3A, %get3A_0, %get3A_1, %get3A_2] : memref<1x128x128x90xf32, #tpu.memory_space<vmem>>, vector<1x128x128x90xf32>
    %get3A_4 = vector.shape_cast %get3A_3 : vector<1x128x128x90xf32> to vector<128x128x90xf32>
    %get3A_5 = arith.constant 0 : index
    %get3A_6 = arith.constant 0 : index
    %get3A_7 = arith.constant 0 : index
    %get3A_8 = vector.load %arg3[%get3A_5, %get3A_6, %get3A_7] : memref<1x128x128xi32, #tpu.memory_space<vmem>>, vector<1x128x128xi32>
    %get3A_9 = vector.shape_cast %get3A_8 : vector<1x128x128xi32> to vector<128x128xi32>
    %get3A_10 = arith.constant 0 : index
    %get3A_11 = arith.constant 0 : index
    %get3A_12 = arith.constant 0 : index
    %get3A_13 = arith.constant 0 : index
    %get3A_14 = vector.load %arg4[%get3A_10, %get3A_11, %get3A_12, %get3A_13] : memref<1x4x128x128xf32, #tpu.memory_space<vmem>>, vector<1x4x128x128xf32>
    %get3A_15 = vector.shape_cast %get3A_14 : vector<1x4x128x128xf32> to vector<4x128x128xf32>
    %reshape3A = vector.shape_cast %get3A_4 : vector<128x128x90xf32> to vector<16384x90xf32>
    %transpose3A = tpu.transpose %reshape3A, [1, 0] : vector<16384x90xf32> -> vector<90x16384xf32>
    %reshape3A_16 = vector.shape_cast %transpose3A : vector<90x16384xf32> to vector<90x128x128xf32>
    %shift_right_arithmetic3A = arith.constant 1 : i32
    %shift_right_arithmetic3A_17 = vector.broadcast %shift_right_arithmetic3A : i32 to vector<128x128xi32>
    %shift_right_arithmetic3A_18 = arith.shrsi %get3A_9, %shift_right_arithmetic3A_17 : vector<128x128xi32>
    %iota3A = tpu.iota {dimensions = array<i32: 1>} : vector<128x128xi32>
    %convert_element_type3A = arith.sitofp %iota3A : vector<128x128xi32> to vector<128x128xf32>
    %iota3A_19 = tpu.iota {dimensions = array<i32: 0>} : vector<128x128xi32>
    %mul3A = arith.constant 128 : i32
    %mul3A_20 = arith.muli %arg1, %mul3A : i32
    %add3A = vector.broadcast %mul3A_20 : i32 to vector<128x128xi32>
    %add3A_21 = arith.addi %iota3A_19, %add3A : vector<128x128xi32>
    %convert_element_type3A_22 = arith.sitofp %add3A_21 : vector<128x128xi32> to vector<128x128xf32>
    %slice3A = vector.extract_strided_slice %get3A_15 {offsets = [0, 0, 0], sizes = [1, 128, 128], strides = [1, 1, 1]} : vector<4x128x128xf32> to vector<1x128x128xf32>
    %squeeze3A = vector.shape_cast %slice3A : vector<1x128x128xf32> to vector<128x128xf32>
    %slice3A_23 = vector.extract_strided_slice %get3A_15 {offsets = [1, 0, 0], sizes = [1, 128, 128], strides = [1, 1, 1]} : vector<4x128x128xf32> to vector<1x128x128xf32>
    %squeeze3A_24 = vector.shape_cast %slice3A_23 : vector<1x128x128xf32> to vector<128x128xf32>
    %slice3A_25 = vector.extract_strided_slice %get3A_15 {offsets = [2, 0, 0], sizes = [1, 128, 128], strides = [1, 1, 1]} : vector<4x128x128xf32> to vector<1x128x128xf32>
    %squeeze3A_26 = vector.shape_cast %slice3A_25 : vector<1x128x128xf32> to vector<128x128xf32>
    %slice3A_27 = vector.extract_strided_slice %get3A_15 {offsets = [3, 0, 0], sizes = [1, 128, 128], strides = [1, 1, 1]} : vector<4x128x128xf32> to vector<1x128x128xf32>
    %squeeze3A_28 = vector.shape_cast %slice3A_27 : vector<1x128x128xf32> to vector<128x128xf32>
    %gt3A = arith.constant 0.000000e+00 : f32
    %gt3A_29 = vector.broadcast %gt3A : f32 to vector<128x128xf32>
    %gt3A_30 = arith.cmpf ogt, %squeeze3A_26, %gt3A_29 : vector<128x128xf32>
    %mul3A_31 = arith.constant 1.280000e+02 : f32
    %mul3A_32 = vector.broadcast %mul3A_31 : f32 to vector<128x128xf32>
    %mul3A_33 = arith.mulf %squeeze3A, %mul3A_32 : vector<128x128xf32>
    %sub3A = arith.subf %mul3A_33, %convert_element_type3A : vector<128x128xf32>
    %jit3A = arith.constant 0.000000e+00 : f32
    %broadcast_in_dim3A = vector.broadcast %jit3A : f32 to vector<128x128xf32>
    %select_n3A = arith.select %gt3A_30, %sub3A, %broadcast_in_dim3A : vector<128x128xi1>, vector<128x128xf32>
    %mul3A_34 = arith.constant 1.280000e+02 : f32
    %mul3A_35 = vector.broadcast %mul3A_34 : f32 to vector<128x128xf32>
    %mul3A_36 = arith.mulf %squeeze3A_24, %mul3A_35 : vector<128x128xf32>
    %sub3A_37 = arith.subf %mul3A_36, %convert_element_type3A_22 : vector<128x128xf32>
    %jit3A_38 = arith.constant 0.000000e+00 : f32
    %broadcast_in_dim3A_39 = vector.broadcast %jit3A_38 : f32 to vector<128x128xf32>
    %select_n3A_40 = arith.select %gt3A_30, %sub3A_37, %broadcast_in_dim3A_39 : vector<128x128xi1>, vector<128x128xf32>
    %mul3A_41 = arith.constant 5.000000e-01 : f32
    %mul3A_42 = vector.broadcast %mul3A_41 : f32 to vector<128x128xf32>
    %mul3A_43 = arith.mulf %squeeze3A_26, %mul3A_42 : vector<128x128xf32>
    %sub3A_44 = arith.subf %squeeze3A, %mul3A_43 : vector<128x128xf32>
    %mul3A_45 = arith.constant 5.000000e-01 : f32
    %mul3A_46 = vector.broadcast %mul3A_45 : f32 to vector<128x128xf32>
    %mul3A_47 = arith.mulf %squeeze3A_28, %mul3A_46 : vector<128x128xf32>
    %sub3A_48 = arith.subf %squeeze3A_24, %mul3A_47 : vector<128x128xf32>
    %mul3A_49 = arith.constant 5.000000e-01 : f32
    %mul3A_50 = vector.broadcast %mul3A_49 : f32 to vector<128x128xf32>
    %mul3A_51 = arith.mulf %squeeze3A_26, %mul3A_50 : vector<128x128xf32>
    %add3A_52 = arith.addf %squeeze3A, %mul3A_51 : vector<128x128xf32>
    %mul3A_53 = arith.constant 5.000000e-01 : f32
    %mul3A_54 = vector.broadcast %mul3A_53 : f32 to vector<128x128xf32>
    %mul3A_55 = arith.mulf %squeeze3A_28, %mul3A_54 : vector<128x128xf32>
    %add3A_56 = arith.addf %squeeze3A_24, %mul3A_55 : vector<128x128xf32>
    %sub3A_57 = arith.subf %add3A_52, %sub3A_44 : vector<128x128xf32>
    %jit3A_58 = arith.constant 0.000000e+00 : f32
    %max3A = vector.broadcast %jit3A_58 : f32 to vector<128x128xf32>
    %max3A_59 = arith.maximumf %max3A, %sub3A_57 : vector<128x128xf32>
    %sub3A_60 = arith.subf %add3A_56, %sub3A_48 : vector<128x128xf32>
    %jit3A_61 = arith.constant 0.000000e+00 : f32
    %max3A_62 = vector.broadcast %jit3A_61 : f32 to vector<128x128xf32>
    %max3A_63 = arith.maximumf %max3A_62, %sub3A_60 : vector<128x128xf32>
    %mul3A_64 = arith.mulf %max3A_59, %max3A_63 : vector<128x128xf32>
    %slice3A_65 = vector.extract_strided_slice %reshape3A_16 {offsets = [0, 0, 0], sizes = [1, 128, 128], strides = [1, 1, 1]} : vector<90x128x128xf32> to vector<1x128x128xf32>
    %squeeze3A_66 = vector.shape_cast %slice3A_65 : vector<1x128x128xf32> to vector<128x128xf32>
    %neg3A = arith.constant 0.000000e+00 : f32
    %neg3A_67 = vector.broadcast %neg3A : f32 to vector<128x128xf32>
    %neg3A_68 = arith.subf %neg3A_67, %squeeze3A_66 : vector<128x128xf32>
    %exp3A = math.exp %neg3A_68 : vector<128x128xf32>
    %add3A_69 = arith.constant 1.000000e+00 : f32
    %add3A_70 = vector.broadcast %add3A_69 : f32 to vector<128x128xf32>
    %add3A_71 = arith.addf %add3A_70, %exp3A : vector<128x128xf32>
    %div3A = arith.constant 1.000000e+00 : f32
    %div3A_72 = vector.broadcast %div3A : f32 to vector<128x128xf32>
    %div3A_73 = arith.divf %div3A_72, %add3A_71 : vector<128x128xf32>
    %add3A_74 = arith.addf %div3A_73, %convert_element_type3A : vector<128x128xf32>
    %mul3A_75 = arith.constant 7.812500e-03 : f32
    %mul3A_76 = vector.broadcast %mul3A_75 : f32 to vector<128x128xf32>
    %mul3A_77 = arith.mulf %add3A_74, %mul3A_76 : vector<128x128xf32>
    %jit3A_78 = arith.constant 0.000000e+00 : f32
    %jit3A_79 = arith.constant 1.000000e+00 : f32
    %max3A_80 = vector.broadcast %jit3A_78 : f32 to vector<128x128xf32>
    %max3A_81 = arith.maximumf %max3A_80, %mul3A_77 : vector<128x128xf32>
    %min3A = vector.broadcast %jit3A_79 : f32 to vector<128x128xf32>
    %min3A_82 = arith.minimumf %min3A, %max3A_81 : vector<128x128xf32>
    %slice3A_83 = vector.extract_strided_slice %reshape3A_16 {offsets = [1, 0, 0], sizes = [1, 128, 128], strides = [1, 1, 1]} : vector<90x128x128xf32> to vector<1x128x128xf32>
    %squeeze3A_84 = vector.shape_cast %slice3A_83 : vector<1x128x128xf32> to vector<128x128xf32>
    %neg3A_85 = arith.constant 0.000000e+00 : f32
    %neg3A_86 = vector.broadcast %neg3A_85 : f32 to vector<128x128xf32>
    %neg3A_87 = arith.subf %neg3A_86, %squeeze3A_84 : vector<128x128xf32>
    %exp3A_88 = math.exp %neg3A_87 : vector<128x128xf32>
    %add3A_89 = arith.constant 1.000000e+00 : f32
    %add3A_90 = vector.broadcast %add3A_89 : f32 to vector<128x128xf32>
    %add3A_91 = arith.addf %add3A_90, %exp3A_88 : vector<128x128xf32>
    %div3A_92 = arith.constant 1.000000e+00 : f32
    %div3A_93 = vector.broadcast %div3A_92 : f32 to vector<128x128xf32>
    %div3A_94 = arith.divf %div3A_93, %add3A_91 : vector<128x128xf32>
    %add3A_95 = arith.addf %div3A_94, %convert_element_type3A_22 : vector<128x128xf32>
    %mul3A_96 = arith.constant 7.812500e-03 : f32
    %mul3A_97 = vector.broadcast %mul3A_96 : f32 to vector<128x128xf32>
    %mul3A_98 = arith.mulf %add3A_95, %mul3A_97 : vector<128x128xf32>
    %jit3A_99 = arith.constant 0.000000e+00 : f32
    %jit3A_100 = arith.constant 1.000000e+00 : f32
    %max3A_101 = vector.broadcast %jit3A_99 : f32 to vector<128x128xf32>
    %max3A_102 = arith.maximumf %max3A_101, %mul3A_98 : vector<128x128xf32>
    %min3A_103 = vector.broadcast %jit3A_100 : f32 to vector<128x128xf32>
    %min3A_104 = arith.minimumf %min3A_103, %max3A_102 : vector<128x128xf32>
    %slice3A_105 = vector.extract_strided_slice %reshape3A_16 {offsets = [2, 0, 0], sizes = [1, 128, 128], strides = [1, 1, 1]} : vector<90x128x128xf32> to vector<1x128x128xf32>
    %squeeze3A_106 = vector.shape_cast %slice3A_105 : vector<1x128x128xf32> to vector<128x128xf32>
    %jit3A_107 = arith.constant -1.000000e+01 : f32
    %jit3A_108 = arith.constant 1.000000e+01 : f32
    %max3A_109 = vector.broadcast %jit3A_107 : f32 to vector<128x128xf32>
    %max3A_110 = arith.maximumf %max3A_109, %squeeze3A_106 : vector<128x128xf32>
    %min3A_111 = vector.broadcast %jit3A_108 : f32 to vector<128x128xf32>
    %min3A_112 = arith.minimumf %min3A_111, %max3A_110 : vector<128x128xf32>
    %exp3A_113 = math.exp %min3A_112 : vector<128x128xf32>
    %mul3A_114 = arith.constant 7.812500e-03 : f32
    %mul3A_115 = vector.broadcast %mul3A_114 : f32 to vector<128x128xf32>
    %mul3A_116 = arith.mulf %exp3A_113, %mul3A_115 : vector<128x128xf32>
    %jit3A_117 = arith.constant 9.99999997E-7 : f32
    %jit3A_118 = arith.constant 1.000000e+00 : f32
    %max3A_119 = vector.broadcast %jit3A_117 : f32 to vector<128x128xf32>
    %max3A_120 = arith.maximumf %max3A_119, %mul3A_116 : vector<128x128xf32>
    %min3A_121 = vector.broadcast %jit3A_118 : f32 to vector<128x128xf32>
    %min3A_122 = arith.minimumf %min3A_121, %max3A_120 : vector<128x128xf32>
    %slice3A_123 = vector.extract_strided_slice %reshape3A_16 {offsets = [3, 0, 0], sizes = [1, 128, 128], strides = [1, 1, 1]} : vector<90x128x128xf32> to vector<1x128x128xf32>
    %squeeze3A_124 = vector.shape_cast %slice3A_123 : vector<1x128x128xf32> to vector<128x128xf32>
    %jit3A_125 = arith.constant -1.000000e+01 : f32
    %jit3A_126 = arith.constant 1.000000e+01 : f32
    %max3A_127 = vector.broadcast %jit3A_125 : f32 to vector<128x128xf32>
    %max3A_128 = arith.maximumf %max3A_127, %squeeze3A_124 : vector<128x128xf32>
    %min3A_129 = vector.broadcast %jit3A_126 : f32 to vector<128x128xf32>
    %min3A_130 = arith.minimumf %min3A_129, %max3A_128 : vector<128x128xf32>
    %exp3A_131 = math.exp %min3A_130 : vector<128x128xf32>
    %mul3A_132 = arith.constant 7.812500e-03 : f32
    %mul3A_133 = vector.broadcast %mul3A_132 : f32 to vector<128x128xf32>
    %mul3A_134 = arith.mulf %exp3A_131, %mul3A_133 : vector<128x128xf32>
    %jit3A_135 = arith.constant 9.99999997E-7 : f32
    %jit3A_136 = arith.constant 1.000000e+00 : f32
    %max3A_137 = vector.broadcast %jit3A_135 : f32 to vector<128x128xf32>
    %max3A_138 = arith.maximumf %max3A_137, %mul3A_134 : vector<128x128xf32>
    %min3A_139 = vector.broadcast %jit3A_136 : f32 to vector<128x128xf32>
    %min3A_140 = arith.minimumf %min3A_139, %max3A_138 : vector<128x128xf32>
    %mul3A_141 = arith.constant 5.000000e-01 : f32
    %mul3A_142 = vector.broadcast %mul3A_141 : f32 to vector<128x128xf32>
    %mul3A_143 = arith.mulf %min3A_122, %mul3A_142 : vector<128x128xf32>
    %sub3A_144 = arith.subf %min3A_82, %mul3A_143 : vector<128x128xf32>
    %mul3A_145 = arith.constant 5.000000e-01 : f32
    %mul3A_146 = vector.broadcast %mul3A_145 : f32 to vector<128x128xf32>
    %mul3A_147 = arith.mulf %min3A_140, %mul3A_146 : vector<128x128xf32>
    %sub3A_148 = arith.subf %min3A_104, %mul3A_147 : vector<128x128xf32>
    %mul3A_149 = arith.constant 5.000000e-01 : f32
    %mul3A_150 = vector.broadcast %mul3A_149 : f32 to vector<128x128xf32>
    %mul3A_151 = arith.mulf %min3A_122, %mul3A_150 : vector<128x128xf32>
    %add3A_152 = arith.addf %min3A_82, %mul3A_151 : vector<128x128xf32>
    %mul3A_153 = arith.constant 5.000000e-01 : f32
    %mul3A_154 = vector.broadcast %mul3A_153 : f32 to vector<128x128xf32>
    %mul3A_155 = arith.mulf %min3A_140, %mul3A_154 : vector<128x128xf32>
    %add3A_156 = arith.addf %min3A_104, %mul3A_155 : vector<128x128xf32>
    %max3A_157 = arith.maximumf %sub3A_144, %sub3A_44 : vector<128x128xf32>
    %max3A_158 = arith.maximumf %sub3A_148, %sub3A_48 : vector<128x128xf32>
    %min3A_159 = arith.minimumf %add3A_152, %add3A_52 : vector<128x128xf32>
    %min3A_160 = arith.minimumf %add3A_156, %add3A_56 : vector<128x128xf32>
    %sub3A_161 = arith.subf %min3A_159, %max3A_157 : vector<128x128xf32>
    %jit3A_162 = arith.constant 0.000000e+00 : f32
    %max3A_163 = vector.broadcast %jit3A_162 : f32 to vector<128x128xf32>
    %max3A_164 = arith.maximumf %max3A_163, %sub3A_161 : vector<128x128xf32>
    %sub3A_165 = arith.subf %min3A_160, %max3A_158 : vector<128x128xf32>
    %jit3A_166 = arith.constant 0.000000e+00 : f32
    %max3A_167 = vector.broadcast %jit3A_166 : f32 to vector<128x128xf32>
    %max3A_168 = arith.maximumf %max3A_167, %sub3A_165 : vector<128x128xf32>
    %mul3A_169 = arith.mulf %max3A_164, %max3A_168 : vector<128x128xf32>
    %sub3A_170 = arith.subf %add3A_152, %sub3A_144 : vector<128x128xf32>
    %jit3A_171 = arith.constant 0.000000e+00 : f32
    %max3A_172 = vector.broadcast %jit3A_171 : f32 to vector<128x128xf32>
    %max3A_173 = arith.maximumf %max3A_172, %sub3A_170 : vector<128x128xf32>
    %sub3A_174 = arith.subf %add3A_156, %sub3A_148 : vector<128x128xf32>
    %jit3A_175 = arith.constant 0.000000e+00 : f32
    %max3A_176 = vector.broadcast %jit3A_175 : f32 to vector<128x128xf32>
    %max3A_177 = arith.maximumf %max3A_176, %sub3A_174 : vector<128x128xf32>
    %mul3A_178 = arith.mulf %max3A_173, %max3A_177 : vector<128x128xf32>
    %add3A_179 = arith.addf %mul3A_178, %mul3A_64 : vector<128x128xf32>
    %sub3A_180 = arith.subf %add3A_179, %mul3A_169 : vector<128x128xf32>
    %add3A_181 = arith.constant 9.99999997E-7 : f32
    %add3A_182 = vector.broadcast %add3A_181 : f32 to vector<128x128xf32>
    %add3A_183 = arith.addf %sub3A_180, %add3A_182 : vector<128x128xf32>
    %div3A_184 = arith.divf %mul3A_169, %add3A_183 : vector<128x128xf32>
    %slice3A_185 = vector.extract_strided_slice %reshape3A_16 {offsets = [5, 0, 0], sizes = [1, 128, 128], strides = [1, 1, 1]} : vector<90x128x128xf32> to vector<1x128x128xf32>
    %squeeze3A_186 = vector.shape_cast %slice3A_185 : vector<1x128x128xf32> to vector<128x128xf32>
    %neg3A_187 = arith.constant 0.000000e+00 : f32
    %neg3A_188 = vector.broadcast %neg3A_187 : f32 to vector<128x128xf32>
    %neg3A_189 = arith.subf %neg3A_188, %squeeze3A_186 : vector<128x128xf32>
    %exp3A_190 = math.exp %neg3A_189 : vector<128x128xf32>
    %add3A_191 = arith.constant 1.000000e+00 : f32
    %add3A_192 = vector.broadcast %add3A_191 : f32 to vector<128x128xf32>
    %add3A_193 = arith.addf %add3A_192, %exp3A_190 : vector<128x128xf32>
    %div3A_194 = arith.constant 1.000000e+00 : f32
    %div3A_195 = vector.broadcast %div3A_194 : f32 to vector<128x128xf32>
    %div3A_196 = arith.divf %div3A_195, %add3A_193 : vector<128x128xf32>
    %add3A_197 = arith.addf %div3A_196, %convert_element_type3A : vector<128x128xf32>
    %mul3A_198 = arith.constant 7.812500e-03 : f32
    %mul3A_199 = vector.broadcast %mul3A_198 : f32 to vector<128x128xf32>
    %mul3A_200 = arith.mulf %add3A_197, %mul3A_199 : vector<128x128xf32>
    %jit3A_201 = arith.constant 0.000000e+00 : f32
    %jit3A_202 = arith.constant 1.000000e+00 : f32
    %max3A_203 = vector.broadcast %jit3A_201 : f32 to vector<128x128xf32>
    %max3A_204 = arith.maximumf %max3A_203, %mul3A_200 : vector<128x128xf32>
    %min3A_205 = vector.broadcast %jit3A_202 : f32 to vector<128x128xf32>
    %min3A_206 = arith.minimumf %min3A_205, %max3A_204 : vector<128x128xf32>
    %slice3A_207 = vector.extract_strided_slice %reshape3A_16 {offsets = [6, 0, 0], sizes = [1, 128, 128], strides = [1, 1, 1]} : vector<90x128x128xf32> to vector<1x128x128xf32>
    %squeeze3A_208 = vector.shape_cast %slice3A_207 : vector<1x128x128xf32> to vector<128x128xf32>
    %neg3A_209 = arith.constant 0.000000e+00 : f32
    %neg3A_210 = vector.broadcast %neg3A_209 : f32 to vector<128x128xf32>
    %neg3A_211 = arith.subf %neg3A_210, %squeeze3A_208 : vector<128x128xf32>
    %exp3A_212 = math.exp %neg3A_211 : vector<128x128xf32>
    %add3A_213 = arith.constant 1.000000e+00 : f32
    %add3A_214 = vector.broadcast %add3A_213 : f32 to vector<128x128xf32>
    %add3A_215 = arith.addf %add3A_214, %exp3A_212 : vector<128x128xf32>
    %div3A_216 = arith.constant 1.000000e+00 : f32
    %div3A_217 = vector.broadcast %div3A_216 : f32 to vector<128x128xf32>
    %div3A_218 = arith.divf %div3A_217, %add3A_215 : vector<128x128xf32>
    %add3A_219 = arith.addf %div3A_218, %convert_element_type3A_22 : vector<128x128xf32>
    %mul3A_220 = arith.constant 7.812500e-03 : f32
    %mul3A_221 = vector.broadcast %mul3A_220 : f32 to vector<128x128xf32>
    %mul3A_222 = arith.mulf %add3A_219, %mul3A_221 : vector<128x128xf32>
    %jit3A_223 = arith.constant 0.000000e+00 : f32
    %jit3A_224 = arith.constant 1.000000e+00 : f32
    %max3A_225 = vector.broadcast %jit3A_223 : f32 to vector<128x128xf32>
    %max3A_226 = arith.maximumf %max3A_225, %mul3A_222 : vector<128x128xf32>
    %min3A_227 = vector.broadcast %jit3A_224 : f32 to vector<128x128xf32>
    %min3A_228 = arith.minimumf %min3A_227, %max3A_226 : vector<128x128xf32>
    %slice3A_229 = vector.extract_strided_slice %reshape3A_16 {offsets = [7, 0, 0], sizes = [1, 128, 128], strides = [1, 1, 1]} : vector<90x128x128xf32> to vector<1x128x128xf32>
    %squeeze3A_230 = vector.shape_cast %slice3A_229 : vector<1x128x128xf32> to vector<128x128xf32>
    %jit3A_231 = arith.constant -1.000000e+01 : f32
    %jit3A_232 = arith.constant 1.000000e+01 : f32
    %max3A_233 = vector.broadcast %jit3A_231 : f32 to vector<128x128xf32>
    %max3A_234 = arith.maximumf %max3A_233, %squeeze3A_230 : vector<128x128xf32>
    %min3A_235 = vector.broadcast %jit3A_232 : f32 to vector<128x128xf32>
    %min3A_236 = arith.minimumf %min3A_235, %max3A_234 : vector<128x128xf32>
    %exp3A_237 = math.exp %min3A_236 : vector<128x128xf32>
    %mul3A_238 = arith.constant 7.812500e-03 : f32
    %mul3A_239 = vector.broadcast %mul3A_238 : f32 to vector<128x128xf32>
    %mul3A_240 = arith.mulf %exp3A_237, %mul3A_239 : vector<128x128xf32>
    %jit3A_241 = arith.constant 9.99999997E-7 : f32
    %jit3A_242 = arith.constant 1.000000e+00 : f32
    %max3A_243 = vector.broadcast %jit3A_241 : f32 to vector<128x128xf32>
    %max3A_244 = arith.maximumf %max3A_243, %mul3A_240 : vector<128x128xf32>
    %min3A_245 = vector.broadcast %jit3A_242 : f32 to vector<128x128xf32>
    %min3A_246 = arith.minimumf %min3A_245, %max3A_244 : vector<128x128xf32>
    %slice3A_247 = vector.extract_strided_slice %reshape3A_16 {offsets = [8, 0, 0], sizes = [1, 128, 128], strides = [1, 1, 1]} : vector<90x128x128xf32> to vector<1x128x128xf32>
    %squeeze3A_248 = vector.shape_cast %slice3A_247 : vector<1x128x128xf32> to vector<128x128xf32>
    %jit3A_249 = arith.constant -1.000000e+01 : f32
    %jit3A_250 = arith.constant 1.000000e+01 : f32
    %max3A_251 = vector.broadcast %jit3A_249 : f32 to vector<128x128xf32>
    %max3A_252 = arith.maximumf %max3A_251, %squeeze3A_248 : vector<128x128xf32>
    %min3A_253 = vector.broadcast %jit3A_250 : f32 to vector<128x128xf32>
    %min3A_254 = arith.minimumf %min3A_253, %max3A_252 : vector<128x128xf32>
    %exp3A_255 = math.exp %min3A_254 : vector<128x128xf32>
    %mul3A_256 = arith.constant 7.812500e-03 : f32
    %mul3A_257 = vector.broadcast %mul3A_256 : f32 to vector<128x128xf32>
    %mul3A_258 = arith.mulf %exp3A_255, %mul3A_257 : vector<128x128xf32>
    %jit3A_259 = arith.constant 9.99999997E-7 : f32
    %jit3A_260 = arith.constant 1.000000e+00 : f32
    %max3A_261 = vector.broadcast %jit3A_259 : f32 to vector<128x128xf32>
    %max3A_262 = arith.maximumf %max3A_261, %mul3A_258 : vector<128x128xf32>
    %min3A_263 = vector.broadcast %jit3A_260 : f32 to vector<128x128xf32>
    %min3A_264 = arith.minimumf %min3A_263, %max3A_262 : vector<128x128xf32>
    %mul3A_265 = arith.constant 5.000000e-01 : f32
    %mul3A_266 = vector.broadcast %mul3A_265 : f32 to vector<128x128xf32>
    %mul3A_267 = arith.mulf %min3A_246, %mul3A_266 : vector<128x128xf32>
    %sub3A_268 = arith.subf %min3A_206, %mul3A_267 : vector<128x128xf32>
    %mul3A_269 = arith.constant 5.000000e-01 : f32
    %mul3A_270 = vector.broadcast %mul3A_269 : f32 to vector<128x128xf32>
    %mul3A_271 = arith.mulf %min3A_264, %mul3A_270 : vector<128x128xf32>
    %sub3A_272 = arith.subf %min3A_228, %mul3A_271 : vector<128x128xf32>
    %mul3A_273 = arith.constant 5.000000e-01 : f32
    %mul3A_274 = vector.broadcast %mul3A_273 : f32 to vector<128x128xf32>
    %mul3A_275 = arith.mulf %min3A_246, %mul3A_274 : vector<128x128xf32>
    %add3A_276 = arith.addf %min3A_206, %mul3A_275 : vector<128x128xf32>
    %mul3A_277 = arith.constant 5.000000e-01 : f32
    %mul3A_278 = vector.broadcast %mul3A_277 : f32 to vector<128x128xf32>
    %mul3A_279 = arith.mulf %min3A_264, %mul3A_278 : vector<128x128xf32>
    %add3A_280 = arith.addf %min3A_228, %mul3A_279 : vector<128x128xf32>
    %max3A_281 = arith.maximumf %sub3A_268, %sub3A_44 : vector<128x128xf32>
    %max3A_282 = arith.maximumf %sub3A_272, %sub3A_48 : vector<128x128xf32>
    %min3A_283 = arith.minimumf %add3A_276, %add3A_52 : vector<128x128xf32>
    %min3A_284 = arith.minimumf %add3A_280, %add3A_56 : vector<128x128xf32>
    %sub3A_285 = arith.subf %min3A_283, %max3A_281 : vector<128x128xf32>
    %jit3A_286 = arith.constant 0.000000e+00 : f32
    %max3A_287 = vector.broadcast %jit3A_286 : f32 to vector<128x128xf32>
    %max3A_288 = arith.maximumf %max3A_287, %sub3A_285 : vector<128x128xf32>
    %sub3A_289 = arith.subf %min3A_284, %max3A_282 : vector<128x128xf32>
    %jit3A_290 = arith.constant 0.000000e+00 : f32
    %max3A_291 = vector.broadcast %jit3A_290 : f32 to vector<128x128xf32>
    %max3A_292 = arith.maximumf %max3A_291, %sub3A_289 : vector<128x128xf32>
    %mul3A_293 = arith.mulf %max3A_288, %max3A_292 : vector<128x128xf32>
    %sub3A_294 = arith.subf %add3A_276, %sub3A_268 : vector<128x128xf32>
    %jit3A_295 = arith.constant 0.000000e+00 : f32
    %max3A_296 = vector.broadcast %jit3A_295 : f32 to vector<128x128xf32>
    %max3A_297 = arith.maximumf %max3A_296, %sub3A_294 : vector<128x128xf32>
    %sub3A_298 = arith.subf %add3A_280, %sub3A_272 : vector<128x128xf32>
    %jit3A_299 = arith.constant 0.000000e+00 : f32
    %max3A_300 = vector.broadcast %jit3A_299 : f32 to vector<128x128xf32>
    %max3A_301 = arith.maximumf %max3A_300, %sub3A_298 : vector<128x128xf32>
    %mul3A_302 = arith.mulf %max3A_297, %max3A_301 : vector<128x128xf32>
    %add3A_303 = arith.addf %mul3A_302, %mul3A_64 : vector<128x128xf32>
    %sub3A_304 = arith.subf %add3A_303, %mul3A_293 : vector<128x128xf32>
    %add3A_305 = arith.constant 9.99999997E-7 : f32
    %add3A_306 = vector.broadcast %add3A_305 : f32 to vector<128x128xf32>
    %add3A_307 = arith.addf %sub3A_304, %add3A_306 : vector<128x128xf32>
    %div3A_308 = arith.divf %mul3A_293, %add3A_307 : vector<128x128xf32>
    %gt3A_309 = arith.cmpf ogt, %div3A_308, %div3A_184 : vector<128x128xf32>
    %convert_element_type3A_310 = arith.extui %gt3A_309 : vector<128x128xi1> to vector<128x128xi32>
    %swap3A = arith.constant 0 : index
    %swap3A_311 = arith.constant 0 : index
    %swap3A_312 = arith.constant 0 : index
    %swap3A_313 = vector.load %arg5[%swap3A, %swap3A_311, %swap3A_312] : memref<1x128x128xi32, #tpu.memory_space<vmem>>, vector<1x128x128xi32>
    %swap3A_314 = vector.shape_cast %swap3A_313 : vector<1x128x128xi32> to vector<128x128xi32>
    %swap3A_315 = vector.shape_cast %convert_element_type3A_310 : vector<128x128xi32> to vector<1x128x128xi32>
    tpu.vector_store %arg5[%swap3A, %swap3A_311, %swap3A_312], %swap3A_315 {strides = array<i32>} : memref<1x128x128xi32, #tpu.memory_space<vmem>>, vector<1x128x128xi32>,
    %add3A_316 = arith.addf %select_n3A, %convert_element_type3A : vector<128x128xf32>
    %mul3A_317 = arith.constant 7.812500e-03 : f32
    %mul3A_318 = vector.broadcast %mul3A_317 : f32 to vector<128x128xf32>
    %mul3A_319 = arith.mulf %add3A_316, %mul3A_318 : vector<128x128xf32>
    %add3A_320 = arith.addf %select_n3A_40, %convert_element_type3A_22 : vector<128x128xf32>
    %mul3A_321 = arith.constant 7.812500e-03 : f32
    %mul3A_322 = vector.broadcast %mul3A_321 : f32 to vector<128x128xf32>
    %mul3A_323 = arith.mulf %add3A_320, %mul3A_322 : vector<128x128xf32>
    %jit3A_324 = arith.constant 9.99999997E-7 : f32
    %max3A_325 = vector.broadcast %jit3A_324 : f32 to vector<128x128xf32>
    %max3A_326 = arith.maximumf %max3A_325, %squeeze3A_26 : vector<128x128xf32>
    %jit3A_327 = arith.constant 9.99999997E-7 : f32
    %max3A_328 = vector.broadcast %jit3A_327 : f32 to vector<128x128xf32>
    %max3A_329 = arith.maximumf %max3A_328, %squeeze3A_28 : vector<128x128xf32>
    %mul3A_330 = arith.constant 5.000000e-01 : f32
    %mul3A_331 = vector.broadcast %mul3A_330 : f32 to vector<128x128xf32>
    %mul3A_332 = arith.mulf %max3A_326, %mul3A_331 : vector<128x128xf32>
    %sub3A_333 = arith.subf %mul3A_319, %mul3A_332 : vector<128x128xf32>
    %mul3A_334 = arith.constant 5.000000e-01 : f32
    %mul3A_335 = vector.broadcast %mul3A_334 : f32 to vector<128x128xf32>
    %mul3A_336 = arith.mulf %max3A_329, %mul3A_335 : vector<128x128xf32>
    %sub3A_337 = arith.subf %mul3A_323, %mul3A_336 : vector<128x128xf32>
    %mul3A_338 = arith.constant 5.000000e-01 : f32
    %mul3A_339 = vector.broadcast %mul3A_338 : f32 to vector<128x128xf32>
    %mul3A_340 = arith.mulf %max3A_326, %mul3A_339 : vector<128x128xf32>
    %add3A_341 = arith.addf %mul3A_319, %mul3A_340 : vector<128x128xf32>
    %mul3A_342 = arith.constant 5.000000e-01 : f32
    %mul3A_343 = vector.broadcast %mul3A_342 : f32 to vector<128x128xf32>
    %mul3A_344 = arith.mulf %max3A_329, %mul3A_343 : vector<128x128xf32>
    %add3A_345 = arith.addf %mul3A_323, %mul3A_344 : vector<128x128xf32>
    %add3A_346 = arith.constant 9.99999997E-7 : f32
    %add3A_347 = vector.broadcast %add3A_346 : f32 to vector<128x128xf32>
    %add3A_348 = arith.addf %max3A_329, %add3A_347 : vector<128x128xf32>
    %atan23A = math.atan2 %max3A_326, %add3A_348 : vector<128x128xf32>
    %sub3A_349 = arith.subf %add3A_341, %sub3A_333 : vector<128x128xf32>
    %sub3A_350 = arith.subf %add3A_345, %sub3A_337 : vector<128x128xf32>
    %mul3A_351 = arith.mulf %sub3A_349, %sub3A_350 : vector<128x128xf32>
    %max3A_352 = arith.maximumf %div3A_184, %div3A_308 : vector<128x128xf32>
    %jit3A_353 = arith.constant 0.000000e+00 : f32
    %broadcast_in_dim3A_354 = vector.broadcast %jit3A_353 : f32 to vector<128x128xf32>
    %select_n3A_355 = arith.select %gt3A_30, %max3A_352, %broadcast_in_dim3A_354 : vector<128x128xi1>, vector<128x128xf32>
    %jit3A_356 = arith.constant 9.99999997E-7 : f32
    %max3A_357 = vector.broadcast %jit3A_356 : f32 to vector<128x128xf32>
    %max3A_358 = arith.maximumf %max3A_357, %min3A_122 : vector<128x128xf32>
    %jit3A_359 = arith.constant 9.99999997E-7 : f32
    %max3A_360 = vector.broadcast %jit3A_359 : f32 to vector<128x128xf32>
    %max3A_361 = arith.maximumf %max3A_360, %min3A_140 : vector<128x128xf32>
    %mul3A_362 = arith.constant 5.000000e-01 : f32
    %mul3A_363 = vector.broadcast %mul3A_362 : f32 to vector<128x128xf32>
    %mul3A_364 = arith.mulf %max3A_358, %mul3A_363 : vector<128x128xf32>
    %sub3A_365 = arith.subf %min3A_82, %mul3A_364 : vector<128x128xf32>
    %mul3A_366 = arith.constant 5.000000e-01 : f32
    %mul3A_367 = vector.broadcast %mul3A_366 : f32 to vector<128x128xf32>
    %mul3A_368 = arith.mulf %max3A_361, %mul3A_367 : vector<128x128xf32>
    %sub3A_369 = arith.subf %min3A_104, %mul3A_368 : vector<128x128xf32>
    %mul3A_370 = arith.constant 5.000000e-01 : f32
    %mul3A_371 = vector.broadcast %mul3A_370 : f32 to vector<128x128xf32>
    %mul3A_372 = arith.mulf %max3A_358, %mul3A_371 : vector<128x128xf32>
    %add3A_373 = arith.addf %min3A_82, %mul3A_372 : vector<128x128xf32>
    %mul3A_374 = arith.constant 5.000000e-01 : f32
    %mul3A_375 = vector.broadcast %mul3A_374 : f32 to vector<128x128xf32>
    %mul3A_376 = arith.mulf %max3A_361, %mul3A_375 : vector<128x128xf32>
    %add3A_377 = arith.addf %min3A_104, %mul3A_376 : vector<128x128xf32>
    %max3A_378 = arith.maximumf %sub3A_365, %sub3A_333 : vector<128x128xf32>
    %max3A_379 = arith.maximumf %sub3A_369, %sub3A_337 : vector<128x128xf32>
    %min3A_380 = arith.minimumf %add3A_373, %add3A_341 : vector<128x128xf32>
    %min3A_381 = arith.minimumf %add3A_377, %add3A_345 : vector<128x128xf32>
    %sub3A_382 = arith.subf %min3A_380, %max3A_378 : vector<128x128xf32>
    %jit3A_383 = arith.constant 0.000000e+00 : f32
    %max3A_384 = vector.broadcast %jit3A_383 : f32 to vector<128x128xf32>
    %max3A_385 = arith.maximumf %max3A_384, %sub3A_382 : vector<128x128xf32>
    %sub3A_386 = arith.subf %min3A_381, %max3A_379 : vector<128x128xf32>
    %jit3A_387 = arith.constant 0.000000e+00 : f32
    %max3A_388 = vector.broadcast %jit3A_387 : f32 to vector<128x128xf32>
    %max3A_389 = arith.maximumf %max3A_388, %sub3A_386 : vector<128x128xf32>
    %mul3A_390 = arith.mulf %max3A_385, %max3A_389 : vector<128x128xf32>
    %sub3A_391 = arith.subf %add3A_373, %sub3A_365 : vector<128x128xf32>
    %sub3A_392 = arith.subf %add3A_377, %sub3A_369 : vector<128x128xf32>
    %mul3A_393 = arith.mulf %sub3A_391, %sub3A_392 : vector<128x128xf32>
    %add3A_394 = arith.addf %mul3A_393, %mul3A_351 : vector<128x128xf32>
    %sub3A_395 = arith.subf %add3A_394, %mul3A_390 : vector<128x128xf32>
    %add3A_396 = arith.constant 9.99999997E-7 : f32
    %add3A_397 = vector.broadcast %add3A_396 : f32 to vector<128x128xf32>
    %add3A_398 = arith.addf %sub3A_395, %add3A_397 : vector<128x128xf32>
    %div3A_399 = arith.divf %mul3A_390, %add3A_398 : vector<128x128xf32>
    %sub3A_400 = arith.subf %min3A_82, %mul3A_319 : vector<128x128xf32>
    %integer_pow3A = arith.mulf %sub3A_400, %sub3A_400 : vector<128x128xf32>
    %sub3A_401 = arith.subf %min3A_104, %mul3A_323 : vector<128x128xf32>
    %integer_pow3A_402 = arith.mulf %sub3A_401, %sub3A_401 : vector<128x128xf32>
    %add3A_403 = arith.addf %integer_pow3A, %integer_pow3A_402 : vector<128x128xf32>
    %min3A_404 = arith.minimumf %sub3A_365, %sub3A_333 : vector<128x128xf32>
    %min3A_405 = arith.minimumf %sub3A_369, %sub3A_337 : vector<128x128xf32>
    %max3A_406 = arith.maximumf %add3A_373, %add3A_341 : vector<128x128xf32>
    %max3A_407 = arith.maximumf %add3A_377, %add3A_345 : vector<128x128xf32>
    %sub3A_408 = arith.subf %max3A_406, %min3A_404 : vector<128x128xf32>
    %integer_pow3A_409 = arith.mulf %sub3A_408, %sub3A_408 : vector<128x128xf32>
    %sub3A_410 = arith.subf %max3A_407, %min3A_405 : vector<128x128xf32>
    %integer_pow3A_411 = arith.mulf %sub3A_410, %sub3A_410 : vector<128x128xf32>
    %add3A_412 = arith.addf %integer_pow3A_409, %integer_pow3A_411 : vector<128x128xf32>
    %add3A_413 = arith.constant 9.99999997E-7 : f32
    %add3A_414 = vector.broadcast %add3A_413 : f32 to vector<128x128xf32>
    %add3A_415 = arith.addf %add3A_412, %add3A_414 : vector<128x128xf32>
    %add3A_416 = arith.constant 9.99999997E-7 : f32
    %add3A_417 = vector.broadcast %add3A_416 : f32 to vector<128x128xf32>
    %add3A_418 = arith.addf %max3A_361, %add3A_417 : vector<128x128xf32>
    %atan23A_419 = math.atan2 %max3A_358, %add3A_418 : vector<128x128xf32>
    %sub3A_420 = arith.subf %atan23A, %atan23A_419 : vector<128x128xf32>
    %integer_pow3A_421 = arith.mulf %sub3A_420, %sub3A_420 : vector<128x128xf32>
    %mul3A_422 = arith.constant 0.405284733 : f32
    %mul3A_423 = vector.broadcast %mul3A_422 : f32 to vector<128x128xf32>
    %mul3A_424 = arith.mulf %mul3A_423, %integer_pow3A_421 : vector<128x128xf32>
    %sub3A_425 = arith.constant 1.000000e+00 : f32
    %sub3A_426 = vector.broadcast %sub3A_425 : f32 to vector<128x128xf32>
    %sub3A_427 = arith.subf %sub3A_426, %div3A_399 : vector<128x128xf32>
    %add3A_428 = arith.addf %sub3A_427, %mul3A_424 : vector<128x128xf32>
    %add3A_429 = arith.constant 9.99999997E-7 : f32
    %add3A_430 = vector.broadcast %add3A_429 : f32 to vector<128x128xf32>
    %add3A_431 = arith.addf %add3A_428, %add3A_430 : vector<128x128xf32>
    %div3A_432 = arith.divf %mul3A_424, %add3A_431 : vector<128x128xf32>
    %sub3A_433 = arith.constant 1.000000e+00 : f32
    %sub3A_434 = vector.broadcast %sub3A_433 : f32 to vector<128x128xf32>
    %sub3A_435 = arith.subf %sub3A_434, %div3A_399 : vector<128x128xf32>
    %div3A_436 = arith.divf %add3A_403, %add3A_415 : vector<128x128xf32>
    %add3A_437 = arith.addf %sub3A_435, %div3A_436 : vector<128x128xf32>
    %mul3A_438 = arith.mulf %div3A_432, %mul3A_424 : vector<128x128xf32>
    %add3A_439 = arith.addf %add3A_437, %mul3A_438 : vector<128x128xf32>
    %jit3A_440 = arith.constant 0.000000e+00 : f32
    %jit3A_441 = arith.constant 0.000000e+00 : f32
    %jit3A_442 = arith.constant 1.000000e+01 : f32
    %ne3A = arith.cmpf one, %add3A_439, %add3A_439 : vector<128x128xf32>
    %broadcast_in_dim3A_443 = vector.broadcast %jit3A_440 : f32 to vector<128x128xf32>
    %select_n3A_444 = arith.select %ne3A, %broadcast_in_dim3A_443, %add3A_439 : vector<128x128xi1>, vector<128x128xf32>
    %eq3A = arith.constant 0x7F800000 : f32
    %eq3A_445 = vector.broadcast %eq3A : f32 to vector<128x128xf32>
    %eq3A_446 = arith.cmpf oeq, %select_n3A_444, %eq3A_445 : vector<128x128xf32>
    %broadcast_in_dim3A_447 = vector.broadcast %jit3A_442 : f32 to vector<128x128xf32>
    %select_n3A_448 = arith.select %eq3A_446, %broadcast_in_dim3A_447, %select_n3A_444 : vector<128x128xi1>, vector<128x128xf32>
    %eq3A_449 = arith.constant 0xFF800000 : f32
    %eq3A_450 = vector.broadcast %eq3A_449 : f32 to vector<128x128xf32>
    %eq3A_451 = arith.cmpf oeq, %select_n3A_448, %eq3A_450 : vector<128x128xf32>
    %broadcast_in_dim3A_452 = vector.broadcast %jit3A_441 : f32 to vector<128x128xf32>
    %select_n3A_453 = arith.select %eq3A_451, %broadcast_in_dim3A_452, %select_n3A_448 : vector<128x128xi1>, vector<128x128xf32>
    %mul3A_454 = arith.constant 5.000000e+00 : f32
    %mul3A_455 = vector.broadcast %mul3A_454 : f32 to vector<128x128xf32>
    %mul3A_456 = arith.mulf %mul3A_455, %select_n3A_453 : vector<128x128xf32>
    %slice3A_457 = vector.extract_strided_slice %reshape3A_16 {offsets = [4, 0, 0], sizes = [1, 128, 128], strides = [1, 1, 1]} : vector<90x128x128xf32> to vector<1x128x128xf32>
    %squeeze3A_458 = vector.shape_cast %slice3A_457 : vector<1x128x128xf32> to vector<128x128xf32>
    %max3A_459 = arith.constant 0.000000e+00 : f32
    %max3A_460 = vector.broadcast %max3A_459 : f32 to vector<128x128xf32>
    %max3A_461 = arith.maximumf %squeeze3A_458, %max3A_460 : vector<128x128xf32>
    %mul3A_462 = arith.mulf %squeeze3A_458, %select_n3A_355 : vector<128x128xf32>
    %sub3A_463 = arith.subf %max3A_461, %mul3A_462 : vector<128x128xf32>
    %abs3A = math.absf %squeeze3A_458 : vector<128x128xf32>
    %neg3A_464 = arith.constant 0.000000e+00 : f32
    %neg3A_465 = vector.broadcast %neg3A_464 : f32 to vector<128x128xf32>
    %neg3A_466 = arith.subf %neg3A_465, %abs3A : vector<128x128xf32>
    %exp3A_467 = math.exp %neg3A_466 : vector<128x128xf32>
    %log1p3A = math.log1p %exp3A_467 : vector<128x128xf32>
    %add3A_468 = arith.addf %sub3A_463, %log1p3A : vector<128x128xf32>
    %logistic3A = arith.negf %squeeze3A_458 : vector<128x128xf32>
    %logistic3A_469 = math.exp %logistic3A : vector<128x128xf32>
    %logistic3A_470 = arith.constant 1.000000e+00 : f32
    %logistic3A_471 = vector.broadcast %logistic3A_470 : f32 to vector<128x128xf32>
    %logistic3A_472 = arith.addf %logistic3A_471, %logistic3A_469 : vector<128x128xf32>
    %logistic3A_473 = arith.divf %logistic3A_471, %logistic3A_472 : vector<128x128xf32>
    %mul3A_474 = arith.mulf %select_n3A_355, %logistic3A_473 : vector<128x128xf32>
    %sub3A_475 = arith.constant 1.000000e+00 : f32
    %sub3A_476 = vector.broadcast %sub3A_475 : f32 to vector<128x128xf32>
    %sub3A_477 = arith.subf %sub3A_476, %select_n3A_355 : vector<128x128xf32>
    %neg3A_478 = arith.constant 0.000000e+00 : f32
    %neg3A_479 = vector.broadcast %neg3A_478 : f32 to vector<128x128xf32>
    %neg3A_480 = arith.subf %neg3A_479, %squeeze3A_458 : vector<128x128xf32>
    %logistic3A_481 = arith.negf %neg3A_480 : vector<128x128xf32>
    %logistic3A_482 = math.exp %logistic3A_481 : vector<128x128xf32>
    %logistic3A_483 = arith.constant 1.000000e+00 : f32
    %logistic3A_484 = vector.broadcast %logistic3A_483 : f32 to vector<128x128xf32>
    %logistic3A_485 = arith.addf %logistic3A_484, %logistic3A_482 : vector<128x128xf32>
    %logistic3A_486 = arith.divf %logistic3A_484, %logistic3A_485 : vector<128x128xf32>
    %mul3A_487 = arith.mulf %sub3A_477, %logistic3A_486 : vector<128x128xf32>
    %add3A_488 = arith.addf %mul3A_474, %mul3A_487 : vector<128x128xf32>
    %mul3A_489 = arith.constant 2.500000e-01 : f32
    %mul3A_490 = vector.broadcast %mul3A_489 : f32 to vector<128x128xf32>
    %mul3A_491 = arith.mulf %select_n3A_355, %mul3A_490 : vector<128x128xf32>
    %sub3A_492 = arith.constant 1.000000e+00 : f32
    %sub3A_493 = vector.broadcast %sub3A_492 : f32 to vector<128x128xf32>
    %sub3A_494 = arith.subf %sub3A_493, %select_n3A_355 : vector<128x128xf32>
    %mul3A_495 = arith.constant 7.500000e-01 : f32
    %mul3A_496 = vector.broadcast %mul3A_495 : f32 to vector<128x128xf32>
    %mul3A_497 = arith.mulf %sub3A_494, %mul3A_496 : vector<128x128xf32>
    %add3A_498 = arith.addf %mul3A_491, %mul3A_497 : vector<128x128xf32>
    %sub3A_499 = arith.constant 1.000000e+00 : f32
    %sub3A_500 = vector.broadcast %sub3A_499 : f32 to vector<128x128xf32>
    %sub3A_501 = arith.subf %sub3A_500, %add3A_488 : vector<128x128xf32>
    %pow3A = arith.constant 2.000000e+00 : f32
    %pow3A_502 = vector.broadcast %pow3A : f32 to vector<128x128xf32>
    %pow3A_503 = math.powf %sub3A_501, %pow3A_502 : vector<128x128xf32>
    %mul3A_504 = arith.mulf %add3A_498, %pow3A_503 : vector<128x128xf32>
    %mul3A_505 = arith.mulf %mul3A_504, %add3A_468 : vector<128x128xf32>
    %add3A_506 = arith.addf %mul3A_456, %mul3A_505 : vector<128x128xf32>
    %swap3A_507 = arith.constant 0 : index
    %swap3A_508 = arith.constant 0 : index
    %swap3A_509 = arith.constant 0 : index
    %swap3A_510 = vector.load %arg6[%swap3A_507, %swap3A_508, %swap3A_509] : memref<1x128x128xf32, #tpu.memory_space<vmem>>, vector<1x128x128xf32>
    %swap3A_511 = vector.shape_cast %swap3A_510 : vector<1x128x128xf32> to vector<128x128xf32>
    %swap3A_512 = vector.shape_cast %add3A_506 : vector<128x128xf32> to vector<1x128x128xf32>
    tpu.vector_store %arg6[%swap3A_507, %swap3A_508, %swap3A_509], %swap3A_512 {strides = array<i32>} : memref<1x128x128xf32, #tpu.memory_space<vmem>>, vector<1x128x128xf32>,
    %jit3A_513 = arith.constant 9.99999997E-7 : f32
    %max3A_514 = vector.broadcast %jit3A_513 : f32 to vector<128x128xf32>
    %max3A_515 = arith.maximumf %max3A_514, %min3A_246 : vector<128x128xf32>
    %jit3A_516 = arith.constant 9.99999997E-7 : f32
    %max3A_517 = vector.broadcast %jit3A_516 : f32 to vector<128x128xf32>
    %max3A_518 = arith.maximumf %max3A_517, %min3A_264 : vector<128x128xf32>
    %mul3A_519 = arith.constant 5.000000e-01 : f32
    %mul3A_520 = vector.broadcast %mul3A_519 : f32 to vector<128x128xf32>
    %mul3A_521 = arith.mulf %max3A_515, %mul3A_520 : vector<128x128xf32>
    %sub3A_522 = arith.subf %min3A_206, %mul3A_521 : vector<128x128xf32>
    %mul3A_523 = arith.constant 5.000000e-01 : f32
    %mul3A_524 = vector.broadcast %mul3A_523 : f32 to vector<128x128xf32>
    %mul3A_525 = arith.mulf %max3A_518, %mul3A_524 : vector<128x128xf32>
    %sub3A_526 = arith.subf %min3A_228, %mul3A_525 : vector<128x128xf32>
    %mul3A_527 = arith.constant 5.000000e-01 : f32
    %mul3A_528 = vector.broadcast %mul3A_527 : f32 to vector<128x128xf32>
    %mul3A_529 = arith.mulf %max3A_515, %mul3A_528 : vector<128x128xf32>
    %add3A_530 = arith.addf %min3A_206, %mul3A_529 : vector<128x128xf32>
    %mul3A_531 = arith.constant 5.000000e-01 : f32
    %mul3A_532 = vector.broadcast %mul3A_531 : f32 to vector<128x128xf32>
    %mul3A_533 = arith.mulf %max3A_518, %mul3A_532 : vector<128x128xf32>
    %add3A_534 = arith.addf %min3A_228, %mul3A_533 : vector<128x128xf32>
    %max3A_535 = arith.maximumf %sub3A_522, %sub3A_333 : vector<128x128xf32>
    %max3A_536 = arith.maximumf %sub3A_526, %sub3A_337 : vector<128x128xf32>
    %min3A_537 = arith.minimumf %add3A_530, %add3A_341 : vector<128x128xf32>
    %min3A_538 = arith.minimumf %add3A_534, %add3A_345 : vector<128x128xf32>
    %sub3A_539 = arith.subf %min3A_537, %max3A_535 : vector<128x128xf32>
    %jit3A_540 = arith.constant 0.000000e+00 : f32
    %max3A_541 = vector.broadcast %jit3A_540 : f32 to vector<128x128xf32>
    %max3A_542 = arith.maximumf %max3A_541, %sub3A_539 : vector<128x128xf32>
    %sub3A_543 = arith.subf %min3A_538, %max3A_536 : vector<128x128xf32>
    %jit3A_544 = arith.constant 0.000000e+00 : f32
    %max3A_545 = vector.broadcast %jit3A_544 : f32 to vector<128x128xf32>
    %max3A_546 = arith.maximumf %max3A_545, %sub3A_543 : vector<128x128xf32>
    %mul3A_547 = arith.mulf %max3A_542, %max3A_546 : vector<128x128xf32>
    %sub3A_548 = arith.subf %add3A_530, %sub3A_522 : vector<128x128xf32>
    %sub3A_549 = arith.subf %add3A_534, %sub3A_526 : vector<128x128xf32>
    %mul3A_550 = arith.mulf %sub3A_548, %sub3A_549 : vector<128x128xf32>
    %add3A_551 = arith.addf %mul3A_550, %mul3A_351 : vector<128x128xf32>
    %sub3A_552 = arith.subf %add3A_551, %mul3A_547 : vector<128x128xf32>
    %add3A_553 = arith.constant 9.99999997E-7 : f32
    %add3A_554 = vector.broadcast %add3A_553 : f32 to vector<128x128xf32>
    %add3A_555 = arith.addf %sub3A_552, %add3A_554 : vector<128x128xf32>
    %div3A_556 = arith.divf %mul3A_547, %add3A_555 : vector<128x128xf32>
    %sub3A_557 = arith.subf %min3A_206, %mul3A_319 : vector<128x128xf32>
    %integer_pow3A_558 = arith.mulf %sub3A_557, %sub3A_557 : vector<128x128xf32>
    %sub3A_559 = arith.subf %min3A_228, %mul3A_323 : vector<128x128xf32>
    %integer_pow3A_560 = arith.mulf %sub3A_559, %sub3A_559 : vector<128x128xf32>
    %add3A_561 = arith.addf %integer_pow3A_558, %integer_pow3A_560 : vector<128x128xf32>
    %min3A_562 = arith.minimumf %sub3A_522, %sub3A_333 : vector<128x128xf32>
    %min3A_563 = arith.minimumf %sub3A_526, %sub3A_337 : vector<128x128xf32>
    %max3A_564 = arith.maximumf %add3A_530, %add3A_341 : vector<128x128xf32>
    %max3A_565 = arith.maximumf %add3A_534, %add3A_345 : vector<128x128xf32>
    %sub3A_566 = arith.subf %max3A_564, %min3A_562 : vector<128x128xf32>
    %integer_pow3A_567 = arith.mulf %sub3A_566, %sub3A_566 : vector<128x128xf32>
    %sub3A_568 = arith.subf %max3A_565, %min3A_563 : vector<128x128xf32>
    %integer_pow3A_569 = arith.mulf %sub3A_568, %sub3A_568 : vector<128x128xf32>
    %add3A_570 = arith.addf %integer_pow3A_567, %integer_pow3A_569 : vector<128x128xf32>
    %add3A_571 = arith.constant 9.99999997E-7 : f32
    %add3A_572 = vector.broadcast %add3A_571 : f32 to vector<128x128xf32>
    %add3A_573 = arith.addf %add3A_570, %add3A_572 : vector<128x128xf32>
    %add3A_574 = arith.constant 9.99999997E-7 : f32
    %add3A_575 = vector.broadcast %add3A_574 : f32 to vector<128x128xf32>
    %add3A_576 = arith.addf %max3A_518, %add3A_575 : vector<128x128xf32>
    %atan23A_577 = math.atan2 %max3A_515, %add3A_576 : vector<128x128xf32>
    %sub3A_578 = arith.subf %atan23A, %atan23A_577 : vector<128x128xf32>
    %integer_pow3A_579 = arith.mulf %sub3A_578, %sub3A_578 : vector<128x128xf32>
    %mul3A_580 = arith.constant 0.405284733 : f32
    %mul3A_581 = vector.broadcast %mul3A_580 : f32 to vector<128x128xf32>
    %mul3A_582 = arith.mulf %mul3A_581, %integer_pow3A_579 : vector<128x128xf32>
    %sub3A_583 = arith.constant 1.000000e+00 : f32
    %sub3A_584 = vector.broadcast %sub3A_583 : f32 to vector<128x128xf32>
    %sub3A_585 = arith.subf %sub3A_584, %div3A_556 : vector<128x128xf32>
    %add3A_586 = arith.addf %sub3A_585, %mul3A_582 : vector<128x128xf32>
    %add3A_587 = arith.constant 9.99999997E-7 : f32
    %add3A_588 = vector.broadcast %add3A_587 : f32 to vector<128x128xf32>
    %add3A_589 = arith.addf %add3A_586, %add3A_588 : vector<128x128xf32>
    %div3A_590 = arith.divf %mul3A_582, %add3A_589 : vector<128x128xf32>
    %sub3A_591 = arith.constant 1.000000e+00 : f32
    %sub3A_592 = vector.broadcast %sub3A_591 : f32 to vector<128x128xf32>
    %sub3A_593 = arith.subf %sub3A_592, %div3A_556 : vector<128x128xf32>
    %div3A_594 = arith.divf %add3A_561, %add3A_573 : vector<128x128xf32>
    %add3A_595 = arith.addf %sub3A_593, %div3A_594 : vector<128x128xf32>
    %mul3A_596 = arith.mulf %div3A_590, %mul3A_582 : vector<128x128xf32>
    %add3A_597 = arith.addf %add3A_595, %mul3A_596 : vector<128x128xf32>
    %jit3A_598 = arith.constant 0.000000e+00 : f32
    %jit3A_599 = arith.constant 0.000000e+00 : f32
    %jit3A_600 = arith.constant 1.000000e+01 : f32
    %ne3A_601 = arith.cmpf one, %add3A_597, %add3A_597 : vector<128x128xf32>
    %broadcast_in_dim3A_602 = vector.broadcast %jit3A_598 : f32 to vector<128x128xf32>
    %select_n3A_603 = arith.select %ne3A_601, %broadcast_in_dim3A_602, %add3A_597 : vector<128x128xi1>, vector<128x128xf32>
    %eq3A_604 = arith.constant 0x7F800000 : f32
    %eq3A_605 = vector.broadcast %eq3A_604 : f32 to vector<128x128xf32>
    %eq3A_606 = arith.cmpf oeq, %select_n3A_603, %eq3A_605 : vector<128x128xf32>
    %broadcast_in_dim3A_607 = vector.broadcast %jit3A_600 : f32 to vector<128x128xf32>
    %select_n3A_608 = arith.select %eq3A_606, %broadcast_in_dim3A_607, %select_n3A_603 : vector<128x128xi1>, vector<128x128xf32>
    %eq3A_609 = arith.constant 0xFF800000 : f32
    %eq3A_610 = vector.broadcast %eq3A_609 : f32 to vector<128x128xf32>
    %eq3A_611 = arith.cmpf oeq, %select_n3A_608, %eq3A_610 : vector<128x128xf32>
    %broadcast_in_dim3A_612 = vector.broadcast %jit3A_599 : f32 to vector<128x128xf32>
    %select_n3A_613 = arith.select %eq3A_611, %broadcast_in_dim3A_612, %select_n3A_608 : vector<128x128xi1>, vector<128x128xf32>
    %mul3A_614 = arith.constant 5.000000e+00 : f32
    %mul3A_615 = vector.broadcast %mul3A_614 : f32 to vector<128x128xf32>
    %mul3A_616 = arith.mulf %mul3A_615, %select_n3A_613 : vector<128x128xf32>
    %slice3A_617 = vector.extract_strided_slice %reshape3A_16 {offsets = [9, 0, 0], sizes = [1, 128, 128], strides = [1, 1, 1]} : vector<90x128x128xf32> to vector<1x128x128xf32>
    %squeeze3A_618 = vector.shape_cast %slice3A_617 : vector<1x128x128xf32> to vector<128x128xf32>
    %max3A_619 = arith.constant 0.000000e+00 : f32
    %max3A_620 = vector.broadcast %max3A_619 : f32 to vector<128x128xf32>
    %max3A_621 = arith.maximumf %squeeze3A_618, %max3A_620 : vector<128x128xf32>
    %mul3A_622 = arith.mulf %squeeze3A_618, %select_n3A_355 : vector<128x128xf32>
    %sub3A_623 = arith.subf %max3A_621, %mul3A_622 : vector<128x128xf32>
    %abs3A_624 = math.absf %squeeze3A_618 : vector<128x128xf32>
    %neg3A_625 = arith.constant 0.000000e+00 : f32
    %neg3A_626 = vector.broadcast %neg3A_625 : f32 to vector<128x128xf32>
    %neg3A_627 = arith.subf %neg3A_626, %abs3A_624 : vector<128x128xf32>
    %exp3A_628 = math.exp %neg3A_627 : vector<128x128xf32>
    %log1p3A_629 = math.log1p %exp3A_628 : vector<128x128xf32>
    %add3A_630 = arith.addf %sub3A_623, %log1p3A_629 : vector<128x128xf32>
    %logistic3A_631 = arith.negf %squeeze3A_618 : vector<128x128xf32>
    %logistic3A_632 = math.exp %logistic3A_631 : vector<128x128xf32>
    %logistic3A_633 = arith.constant 1.000000e+00 : f32
    %logistic3A_634 = vector.broadcast %logistic3A_633 : f32 to vector<128x128xf32>
    %logistic3A_635 = arith.addf %logistic3A_634, %logistic3A_632 : vector<128x128xf32>
    %logistic3A_636 = arith.divf %logistic3A_634, %logistic3A_635 : vector<128x128xf32>
    %mul3A_637 = arith.mulf %select_n3A_355, %logistic3A_636 : vector<128x128xf32>
    %sub3A_638 = arith.constant 1.000000e+00 : f32
    %sub3A_639 = vector.broadcast %sub3A_638 : f32 to vector<128x128xf32>
    %sub3A_640 = arith.subf %sub3A_639, %select_n3A_355 : vector<128x128xf32>
    %neg3A_641 = arith.constant 0.000000e+00 : f32
    %neg3A_642 = vector.broadcast %neg3A_641 : f32 to vector<128x128xf32>
    %neg3A_643 = arith.subf %neg3A_642, %squeeze3A_618 : vector<128x128xf32>
    %logistic3A_644 = arith.negf %neg3A_643 : vector<128x128xf32>
    %logistic3A_645 = math.exp %logistic3A_644 : vector<128x128xf32>
    %logistic3A_646 = arith.constant 1.000000e+00 : f32
    %logistic3A_647 = vector.broadcast %logistic3A_646 : f32 to vector<128x128xf32>
    %logistic3A_648 = arith.addf %logistic3A_647, %logistic3A_645 : vector<128x128xf32>
    %logistic3A_649 = arith.divf %logistic3A_647, %logistic3A_648 : vector<128x128xf32>
    %mul3A_650 = arith.mulf %sub3A_640, %logistic3A_649 : vector<128x128xf32>
    %add3A_651 = arith.addf %mul3A_637, %mul3A_650 : vector<128x128xf32>
    %mul3A_652 = arith.constant 2.500000e-01 : f32
    %mul3A_653 = vector.broadcast %mul3A_652 : f32 to vector<128x128xf32>
    %mul3A_654 = arith.mulf %select_n3A_355, %mul3A_653 : vector<128x128xf32>
    %sub3A_655 = arith.constant 1.000000e+00 : f32
    %sub3A_656 = vector.broadcast %sub3A_655 : f32 to vector<128x128xf32>
    %sub3A_657 = arith.subf %sub3A_656, %select_n3A_355 : vector<128x128xf32>
    %mul3A_658 = arith.constant 7.500000e-01 : f32
    %mul3A_659 = vector.broadcast %mul3A_658 : f32 to vector<128x128xf32>
    %mul3A_660 = arith.mulf %sub3A_657, %mul3A_659 : vector<128x128xf32>
    %add3A_661 = arith.addf %mul3A_654, %mul3A_660 : vector<128x128xf32>
    %sub3A_662 = arith.constant 1.000000e+00 : f32
    %sub3A_663 = vector.broadcast %sub3A_662 : f32 to vector<128x128xf32>
    %sub3A_664 = arith.subf %sub3A_663, %add3A_651 : vector<128x128xf32>
    %pow3A_665 = arith.constant 2.000000e+00 : f32
    %pow3A_666 = vector.broadcast %pow3A_665 : f32 to vector<128x128xf32>
    %pow3A_667 = math.powf %sub3A_664, %pow3A_666 : vector<128x128xf32>
    %mul3A_668 = arith.mulf %add3A_661, %pow3A_667 : vector<128x128xf32>
    %mul3A_669 = arith.mulf %mul3A_668, %add3A_630 : vector<128x128xf32>
    %add3A_670 = arith.addf %mul3A_616, %mul3A_669 : vector<128x128xf32>
    %swap3A_671 = arith.constant 0 : index
    %swap3A_672 = arith.constant 0 : index
    %swap3A_673 = arith.constant 0 : index
    %swap3A_674 = vector.load %arg7[%swap3A_671, %swap3A_672, %swap3A_673] : memref<1x128x128xf32, #tpu.memory_space<vmem>>, vector<1x128x128xf32>
    %swap3A_675 = vector.shape_cast %swap3A_674 : vector<1x128x128xf32> to vector<128x128xf32>
    %swap3A_676 = vector.shape_cast %add3A_670 : vector<128x128xf32> to vector<1x128x128xf32>
    tpu.vector_store %arg7[%swap3A_671, %swap3A_672, %swap3A_673], %swap3A_676 {strides = array<i32>} : memref<1x128x128xf32, #tpu.memory_space<vmem>>, vector<1x128x128xf32>,
    %slice3A_677 = vector.extract_strided_slice %reshape3A_16 {offsets = [4, 0, 0], sizes = [1, 128, 128], strides = [1, 1, 1]} : vector<90x128x128xf32> to vector<1x128x128xf32>
    %squeeze3A_678 = vector.shape_cast %slice3A_677 : vector<1x128x128xf32> to vector<128x128xf32>
    %neg3A_679 = arith.constant 0.000000e+00 : f32
    %neg3A_680 = vector.broadcast %neg3A_679 : f32 to vector<128x128xf32>
    %neg3A_681 = arith.subf %neg3A_680, %squeeze3A_678 : vector<128x128xf32>
    %exp3A_682 = math.exp %neg3A_681 : vector<128x128xf32>
    %add3A_683 = arith.constant 1.000000e+00 : f32
    %add3A_684 = vector.broadcast %add3A_683 : f32 to vector<128x128xf32>
    %add3A_685 = arith.addf %add3A_684, %exp3A_682 : vector<128x128xf32>
    %div3A_686 = arith.constant 1.000000e+00 : f32
    %div3A_687 = vector.broadcast %div3A_686 : f32 to vector<128x128xf32>
    %div3A_688 = arith.divf %div3A_687, %add3A_685 : vector<128x128xf32>
    %integer_pow3A_689 = arith.mulf %div3A_688, %div3A_688 : vector<128x128xf32>
    %mul3A_690 = arith.constant 7.500000e-01 : f32
    %mul3A_691 = vector.broadcast %mul3A_690 : f32 to vector<128x128xf32>
    %mul3A_692 = arith.mulf %mul3A_691, %integer_pow3A_689 : vector<128x128xf32>
    %slice3A_693 = vector.extract_strided_slice %reshape3A_16 {offsets = [4, 0, 0], sizes = [1, 128, 128], strides = [1, 1, 1]} : vector<90x128x128xf32> to vector<1x128x128xf32>
    %squeeze3A_694 = vector.shape_cast %slice3A_693 : vector<1x128x128xf32> to vector<128x128xf32>
    %max3A_695 = arith.constant 0.000000e+00 : f32
    %max3A_696 = vector.broadcast %max3A_695 : f32 to vector<128x128xf32>
    %max3A_697 = arith.maximumf %squeeze3A_694, %max3A_696 : vector<128x128xf32>
    %abs3A_698 = math.absf %squeeze3A_694 : vector<128x128xf32>
    %neg3A_699 = arith.constant 0.000000e+00 : f32
    %neg3A_700 = vector.broadcast %neg3A_699 : f32 to vector<128x128xf32>
    %neg3A_701 = arith.subf %neg3A_700, %abs3A_698 : vector<128x128xf32>
    %exp3A_702 = math.exp %neg3A_701 : vector<128x128xf32>
    %log1p3A_703 = math.log1p %exp3A_702 : vector<128x128xf32>
    %add3A_704 = arith.addf %max3A_697, %log1p3A_703 : vector<128x128xf32>
    %mul3A_705 = arith.mulf %mul3A_692, %add3A_704 : vector<128x128xf32>
    %slice3A_706 = vector.extract_strided_slice %reshape3A_16 {offsets = [9, 0, 0], sizes = [1, 128, 128], strides = [1, 1, 1]} : vector<90x128x128xf32> to vector<1x128x128xf32>
    %squeeze3A_707 = vector.shape_cast %slice3A_706 : vector<1x128x128xf32> to vector<128x128xf32>
    %neg3A_708 = arith.constant 0.000000e+00 : f32
    %neg3A_709 = vector.broadcast %neg3A_708 : f32 to vector<128x128xf32>
    %neg3A_710 = arith.subf %neg3A_709, %squeeze3A_707 : vector<128x128xf32>
    %exp3A_711 = math.exp %neg3A_710 : vector<128x128xf32>
    %add3A_712 = arith.constant 1.000000e+00 : f32
    %add3A_713 = vector.broadcast %add3A_712 : f32 to vector<128x128xf32>
    %add3A_714 = arith.addf %add3A_713, %exp3A_711 : vector<128x128xf32>
    %div3A_715 = arith.constant 1.000000e+00 : f32
    %div3A_716 = vector.broadcast %div3A_715 : f32 to vector<128x128xf32>
    %div3A_717 = arith.divf %div3A_716, %add3A_714 : vector<128x128xf32>
    %integer_pow3A_718 = arith.mulf %div3A_717, %div3A_717 : vector<128x128xf32>
    %mul3A_719 = arith.constant 7.500000e-01 : f32
    %mul3A_720 = vector.broadcast %mul3A_719 : f32 to vector<128x128xf32>
    %mul3A_721 = arith.mulf %mul3A_720, %integer_pow3A_718 : vector<128x128xf32>
    %slice3A_722 = vector.extract_strided_slice %reshape3A_16 {offsets = [9, 0, 0], sizes = [1, 128, 128], strides = [1, 1, 1]} : vector<90x128x128xf32> to vector<1x128x128xf32>
    %squeeze3A_723 = vector.shape_cast %slice3A_722 : vector<1x128x128xf32> to vector<128x128xf32>
    %max3A_724 = arith.constant 0.000000e+00 : f32
    %max3A_725 = vector.broadcast %max3A_724 : f32 to vector<128x128xf32>
    %max3A_726 = arith.maximumf %squeeze3A_723, %max3A_725 : vector<128x128xf32>
    %abs3A_727 = math.absf %squeeze3A_723 : vector<128x128xf32>
    %neg3A_728 = arith.constant 0.000000e+00 : f32
    %neg3A_729 = vector.broadcast %neg3A_728 : f32 to vector<128x128xf32>
    %neg3A_730 = arith.subf %neg3A_729, %abs3A_727 : vector<128x128xf32>
    %exp3A_731 = math.exp %neg3A_730 : vector<128x128xf32>
    %log1p3A_732 = math.log1p %exp3A_731 : vector<128x128xf32>
    %add3A_733 = arith.addf %max3A_726, %log1p3A_732 : vector<128x128xf32>
    %mul3A_734 = arith.mulf %mul3A_721, %add3A_733 : vector<128x128xf32>
    %add3A_735 = arith.addf %mul3A_705, %mul3A_734 : vector<128x128xf32>
    %swap3A_736 = arith.constant 0 : index
    %swap3A_737 = arith.constant 0 : index
    %swap3A_738 = arith.constant 0 : index
    %swap3A_739 = vector.load %arg9[%swap3A_736, %swap3A_737, %swap3A_738] : memref<1x128x128xf32, #tpu.memory_space<vmem>>, vector<1x128x128xf32>
    %swap3A_740 = vector.shape_cast %swap3A_739 : vector<1x128x128xf32> to vector<128x128xf32>
    %swap3A_741 = vector.shape_cast %add3A_735 : vector<128x128xf32> to vector<1x128x128xf32>
    tpu.vector_store %arg9[%swap3A_736, %swap3A_737, %swap3A_738], %swap3A_741 {strides = array<i32>} : memref<1x128x128xf32, #tpu.memory_space<vmem>>, vector<1x128x128xf32>,
    %iota3A_742 = tpu.iota {dimensions = array<i32: 0>} : vector<90x128x128xi32>
    %add3A_743 = arith.constant 10 : i32
    %add3A_744 = vector.broadcast %add3A_743 : i32 to vector<128x128xi32>
    %add3A_745 = arith.addi %shift_right_arithmetic3A_18, %add3A_744 : vector<128x128xi32>
    %broadcast_in_dim3A_746 = vector.shape_cast %add3A_745 : vector<128x128xi32> to vector<1x128x128xi32>
    %eq3A_747 = vector.broadcast %broadcast_in_dim3A_746 : vector<1x128x128xi32> to vector<90x128x128xi32>
    %eq3A_748 = arith.cmpi eq, %iota3A_742, %eq3A_747 : vector<90x128x128xi32>
    %max3A_749 = arith.constant 0.000000e+00 : f32
    %max3A_750 = vector.broadcast %max3A_749 : f32 to vector<90x128x128xf32>
    %max3A_751 = arith.maximumf %reshape3A_16, %max3A_750 : vector<90x128x128xf32>
    %abs3A_752 = math.absf %reshape3A_16 : vector<90x128x128xf32>
    %neg3A_753 = arith.constant 0.000000e+00 : f32
    %neg3A_754 = vector.broadcast %neg3A_753 : f32 to vector<90x128x128xf32>
    %neg3A_755 = arith.subf %neg3A_754, %abs3A_752 : vector<90x128x128xf32>
    %exp3A_756 = math.exp %neg3A_755 : vector<90x128x128xf32>
    %log1p3A_757 = math.log1p %exp3A_756 : vector<90x128x128xf32>
    %add3A_758 = arith.addf %max3A_751, %log1p3A_757 : vector<90x128x128xf32>
    %jit3A_759 = arith.constant 0.000000e+00 : f32
    %broadcast_in_dim3A_760 = vector.broadcast %jit3A_759 : f32 to vector<90x128x128xf32>
    %select_n3A_761 = arith.select %eq3A_748, %reshape3A_16, %broadcast_in_dim3A_760 : vector<90x128x128xi1>, vector<90x128x128xf32>
    %sub3A_762 = arith.subf %add3A_758, %select_n3A_761 : vector<90x128x128xf32>
    %reduce_sum3A = arith.constant dense<0.000000e+00> : vector<128x128xf32>
    %reduce_sum3A_763 = vector.multi_reduction <add>, %sub3A_762, %reduce_sum3A [0] : vector<90x128x128xf32> to vector<128x128xf32>
    %slice3A_764 = vector.extract_strided_slice %reshape3A_16 {offsets = [0, 0, 0], sizes = [1, 128, 128], strides = [1, 1, 1]} : vector<90x128x128xf32> to vector<1x128x128xf32>
    %squeeze3A_765 = vector.shape_cast %slice3A_764 : vector<1x128x128xf32> to vector<128x128xf32>
    %max3A_766 = arith.constant 0.000000e+00 : f32
    %max3A_767 = vector.broadcast %max3A_766 : f32 to vector<128x128xf32>
    %max3A_768 = arith.maximumf %squeeze3A_765, %max3A_767 : vector<128x128xf32>
    %abs3A_769 = math.absf %squeeze3A_765 : vector<128x128xf32>
    %neg3A_770 = arith.constant 0.000000e+00 : f32
    %neg3A_771 = vector.broadcast %neg3A_770 : f32 to vector<128x128xf32>
    %neg3A_772 = arith.subf %neg3A_771, %abs3A_769 : vector<128x128xf32>
    %exp3A_773 = math.exp %neg3A_772 : vector<128x128xf32>
    %log1p3A_774 = math.log1p %exp3A_773 : vector<128x128xf32>
    %add3A_775 = arith.addf %max3A_768, %log1p3A_774 : vector<128x128xf32>
    %add3A_776 = arith.constant 0.000000e+00 : f32
    %add3A_777 = vector.broadcast %add3A_776 : f32 to vector<128x128xf32>
    %add3A_778 = arith.addf %add3A_777, %add3A_775 : vector<128x128xf32>
    %slice3A_779 = vector.extract_strided_slice %reshape3A_16 {offsets = [1, 0, 0], sizes = [1, 128, 128], strides = [1, 1, 1]} : vector<90x128x128xf32> to vector<1x128x128xf32>
    %squeeze3A_780 = vector.shape_cast %slice3A_779 : vector<1x128x128xf32> to vector<128x128xf32>
    %max3A_781 = arith.constant 0.000000e+00 : f32
    %max3A_782 = vector.broadcast %max3A_781 : f32 to vector<128x128xf32>
    %max3A_783 = arith.maximumf %squeeze3A_780, %max3A_782 : vector<128x128xf32>
    %abs3A_784 = math.absf %squeeze3A_780 : vector<128x128xf32>
    %neg3A_785 = arith.constant 0.000000e+00 : f32
    %neg3A_786 = vector.broadcast %neg3A_785 : f32 to vector<128x128xf32>
    %neg3A_787 = arith.subf %neg3A_786, %abs3A_784 : vector<128x128xf32>
    %exp3A_788 = math.exp %neg3A_787 : vector<128x128xf32>
    %log1p3A_789 = math.log1p %exp3A_788 : vector<128x128xf32>
    %add3A_790 = arith.addf %max3A_783, %log1p3A_789 : vector<128x128xf32>
    %add3A_791 = arith.addf %add3A_778, %add3A_790 : vector<128x128xf32>
    %slice3A_792 = vector.extract_strided_slice %reshape3A_16 {offsets = [2, 0, 0], sizes = [1, 128, 128], strides = [1, 1, 1]} : vector<90x128x128xf32> to vector<1x128x128xf32>
    %squeeze3A_793 = vector.shape_cast %slice3A_792 : vector<1x128x128xf32> to vector<128x128xf32>
    %max3A_794 = arith.constant 0.000000e+00 : f32
    %max3A_795 = vector.broadcast %max3A_794 : f32 to vector<128x128xf32>
    %max3A_796 = arith.maximumf %squeeze3A_793, %max3A_795 : vector<128x128xf32>
    %abs3A_797 = math.absf %squeeze3A_793 : vector<128x128xf32>
    %neg3A_798 = arith.constant 0.000000e+00 : f32
    %neg3A_799 = vector.broadcast %neg3A_798 : f32 to vector<128x128xf32>
    %neg3A_800 = arith.subf %neg3A_799, %abs3A_797 : vector<128x128xf32>
    %exp3A_801 = math.exp %neg3A_800 : vector<128x128xf32>
    %log1p3A_802 = math.log1p %exp3A_801 : vector<128x128xf32>
    %add3A_803 = arith.addf %max3A_796, %log1p3A_802 : vector<128x128xf32>
    %add3A_804 = arith.addf %add3A_791, %add3A_803 : vector<128x128xf32>
    %slice3A_805 = vector.extract_strided_slice %reshape3A_16 {offsets = [3, 0, 0], sizes = [1, 128, 128], strides = [1, 1, 1]} : vector<90x128x128xf32> to vector<1x128x128xf32>
    %squeeze3A_806 = vector.shape_cast %slice3A_805 : vector<1x128x128xf32> to vector<128x128xf32>
    %max3A_807 = arith.constant 0.000000e+00 : f32
    %max3A_808 = vector.broadcast %max3A_807 : f32 to vector<128x128xf32>
    %max3A_809 = arith.maximumf %squeeze3A_806, %max3A_808 : vector<128x128xf32>
    %abs3A_810 = math.absf %squeeze3A_806 : vector<128x128xf32>
    %neg3A_811 = arith.constant 0.000000e+00 : f32
    %neg3A_812 = vector.broadcast %neg3A_811 : f32 to vector<128x128xf32>
    %neg3A_813 = arith.subf %neg3A_812, %abs3A_810 : vector<128x128xf32>
    %exp3A_814 = math.exp %neg3A_813 : vector<128x128xf32>
    %log1p3A_815 = math.log1p %exp3A_814 : vector<128x128xf32>
    %add3A_816 = arith.addf %max3A_809, %log1p3A_815 : vector<128x128xf32>
    %add3A_817 = arith.addf %add3A_804, %add3A_816 : vector<128x128xf32>
    %slice3A_818 = vector.extract_strided_slice %reshape3A_16 {offsets = [4, 0, 0], sizes = [1, 128, 128], strides = [1, 1, 1]} : vector<90x128x128xf32> to vector<1x128x128xf32>
    %squeeze3A_819 = vector.shape_cast %slice3A_818 : vector<1x128x128xf32> to vector<128x128xf32>
    %max3A_820 = arith.constant 0.000000e+00 : f32
    %max3A_821 = vector.broadcast %max3A_820 : f32 to vector<128x128xf32>
    %max3A_822 = arith.maximumf %squeeze3A_819, %max3A_821 : vector<128x128xf32>
    %abs3A_823 = math.absf %squeeze3A_819 : vector<128x128xf32>
    %neg3A_824 = arith.constant 0.000000e+00 : f32
    %neg3A_825 = vector.broadcast %neg3A_824 : f32 to vector<128x128xf32>
    %neg3A_826 = arith.subf %neg3A_825, %abs3A_823 : vector<128x128xf32>
    %exp3A_827 = math.exp %neg3A_826 : vector<128x128xf32>
    %log1p3A_828 = math.log1p %exp3A_827 : vector<128x128xf32>
    %add3A_829 = arith.addf %max3A_822, %log1p3A_828 : vector<128x128xf32>
    %add3A_830 = arith.addf %add3A_817, %add3A_829 : vector<128x128xf32>
    %slice3A_831 = vector.extract_strided_slice %reshape3A_16 {offsets = [5, 0, 0], sizes = [1, 128, 128], strides = [1, 1, 1]} : vector<90x128x128xf32> to vector<1x128x128xf32>
    %squeeze3A_832 = vector.shape_cast %slice3A_831 : vector<1x128x128xf32> to vector<128x128xf32>
    %max3A_833 = arith.constant 0.000000e+00 : f32
    %max3A_834 = vector.broadcast %max3A_833 : f32 to vector<128x128xf32>
    %max3A_835 = arith.maximumf %squeeze3A_832, %max3A_834 : vector<128x128xf32>
    %abs3A_836 = math.absf %squeeze3A_832 : vector<128x128xf32>
    %neg3A_837 = arith.constant 0.000000e+00 : f32
    %neg3A_838 = vector.broadcast %neg3A_837 : f32 to vector<128x128xf32>
    %neg3A_839 = arith.subf %neg3A_838, %abs3A_836 : vector<128x128xf32>
    %exp3A_840 = math.exp %neg3A_839 : vector<128x128xf32>
    %log1p3A_841 = math.log1p %exp3A_840 : vector<128x128xf32>
    %add3A_842 = arith.addf %max3A_835, %log1p3A_841 : vector<128x128xf32>
    %add3A_843 = arith.addf %add3A_830, %add3A_842 : vector<128x128xf32>
    %slice3A_844 = vector.extract_strided_slice %reshape3A_16 {offsets = [6, 0, 0], sizes = [1, 128, 128], strides = [1, 1, 1]} : vector<90x128x128xf32> to vector<1x128x128xf32>
    %squeeze3A_845 = vector.shape_cast %slice3A_844 : vector<1x128x128xf32> to vector<128x128xf32>
    %max3A_846 = arith.constant 0.000000e+00 : f32
    %max3A_847 = vector.broadcast %max3A_846 : f32 to vector<128x128xf32>
    %max3A_848 = arith.maximumf %squeeze3A_845, %max3A_847 : vector<128x128xf32>
    %abs3A_849 = math.absf %squeeze3A_845 : vector<128x128xf32>
    %neg3A_850 = arith.constant 0.000000e+00 : f32
    %neg3A_851 = vector.broadcast %neg3A_850 : f32 to vector<128x128xf32>
    %neg3A_852 = arith.subf %neg3A_851, %abs3A_849 : vector<128x128xf32>
    %exp3A_853 = math.exp %neg3A_852 : vector<128x128xf32>
    %log1p3A_854 = math.log1p %exp3A_853 : vector<128x128xf32>
    %add3A_855 = arith.addf %max3A_848, %log1p3A_854 : vector<128x128xf32>
    %add3A_856 = arith.addf %add3A_843, %add3A_855 : vector<128x128xf32>
    %slice3A_857 = vector.extract_strided_slice %reshape3A_16 {offsets = [7, 0, 0], sizes = [1, 128, 128], strides = [1, 1, 1]} : vector<90x128x128xf32> to vector<1x128x128xf32>
    %squeeze3A_858 = vector.shape_cast %slice3A_857 : vector<1x128x128xf32> to vector<128x128xf32>
    %max3A_859 = arith.constant 0.000000e+00 : f32
    %max3A_860 = vector.broadcast %max3A_859 : f32 to vector<128x128xf32>
    %max3A_861 = arith.maximumf %squeeze3A_858, %max3A_860 : vector<128x128xf32>
    %abs3A_862 = math.absf %squeeze3A_858 : vector<128x128xf32>
    %neg3A_863 = arith.constant 0.000000e+00 : f32
    %neg3A_864 = vector.broadcast %neg3A_863 : f32 to vector<128x128xf32>
    %neg3A_865 = arith.subf %neg3A_864, %abs3A_862 : vector<128x128xf32>
    %exp3A_866 = math.exp %neg3A_865 : vector<128x128xf32>
    %log1p3A_867 = math.log1p %exp3A_866 : vector<128x128xf32>
    %add3A_868 = arith.addf %max3A_861, %log1p3A_867 : vector<128x128xf32>
    %add3A_869 = arith.addf %add3A_856, %add3A_868 : vector<128x128xf32>
    %slice3A_870 = vector.extract_strided_slice %reshape3A_16 {offsets = [8, 0, 0], sizes = [1, 128, 128], strides = [1, 1, 1]} : vector<90x128x128xf32> to vector<1x128x128xf32>
    %squeeze3A_871 = vector.shape_cast %slice3A_870 : vector<1x128x128xf32> to vector<128x128xf32>
    %max3A_872 = arith.constant 0.000000e+00 : f32
    %max3A_873 = vector.broadcast %max3A_872 : f32 to vector<128x128xf32>
    %max3A_874 = arith.maximumf %squeeze3A_871, %max3A_873 : vector<128x128xf32>
    %abs3A_875 = math.absf %squeeze3A_871 : vector<128x128xf32>
    %neg3A_876 = arith.constant 0.000000e+00 : f32
    %neg3A_877 = vector.broadcast %neg3A_876 : f32 to vector<128x128xf32>
    %neg3A_878 = arith.subf %neg3A_877, %abs3A_875 : vector<128x128xf32>
    %exp3A_879 = math.exp %neg3A_878 : vector<128x128xf32>
    %log1p3A_880 = math.log1p %exp3A_879 : vector<128x128xf32>
    %add3A_881 = arith.addf %max3A_874, %log1p3A_880 : vector<128x128xf32>
    %add3A_882 = arith.addf %add3A_869, %add3A_881 : vector<128x128xf32>
    %slice3A_883 = vector.extract_strided_slice %reshape3A_16 {offsets = [9, 0, 0], sizes = [1, 128, 128], strides = [1, 1, 1]} : vector<90x128x128xf32> to vector<1x128x128xf32>
    %squeeze3A_884 = vector.shape_cast %slice3A_883 : vector<1x128x128xf32> to vector<128x128xf32>
    %max3A_885 = arith.constant 0.000000e+00 : f32
    %max3A_886 = vector.broadcast %max3A_885 : f32 to vector<128x128xf32>
    %max3A_887 = arith.maximumf %squeeze3A_884, %max3A_886 : vector<128x128xf32>
    %abs3A_888 = math.absf %squeeze3A_884 : vector<128x128xf32>
    %neg3A_889 = arith.constant 0.000000e+00 : f32
    %neg3A_890 = vector.broadcast %neg3A_889 : f32 to vector<128x128xf32>
    %neg3A_891 = arith.subf %neg3A_890, %abs3A_888 : vector<128x128xf32>
    %exp3A_892 = math.exp %neg3A_891 : vector<128x128xf32>
    %log1p3A_893 = math.log1p %exp3A_892 : vector<128x128xf32>
    %add3A_894 = arith.addf %max3A_887, %log1p3A_893 : vector<128x128xf32>
    %add3A_895 = arith.addf %add3A_882, %add3A_894 : vector<128x128xf32>
    %sub3A_896 = arith.subf %reduce_sum3A_763, %add3A_895 : vector<128x128xf32>
    %swap3A_897 = arith.constant 0 : index
    %swap3A_898 = arith.constant 0 : index
    %swap3A_899 = arith.constant 0 : index
    %swap3A_900 = vector.load %arg8[%swap3A_897, %swap3A_898, %swap3A_899] : memref<1x128x128xf32, #tpu.memory_space<vmem>>, vector<1x128x128xf32>
    %swap3A_901 = vector.shape_cast %swap3A_900 : vector<1x128x128xf32> to vector<128x128xf32>
    %swap3A_902 = vector.shape_cast %sub3A_896 : vector<128x128xf32> to vector<1x128x128xf32>
    tpu.vector_store %arg8[%swap3A_897, %swap3A_898, %swap3A_899], %swap3A_902 {strides = array<i32>} : memref<1x128x128xf32, #tpu.memory_space<vmem>>, vector<1x128x128xf32>,
    return
  }
  func.func @transform_0(%arg0: i32, %arg1: i32) -> (i32, i32, i32, i32) {
    %c0_i32 = arith.constant 0 : i32
    %c0_i32_0 = arith.constant 0 : i32
    %c0_i32_1 = arith.constant 0 : i32
    return %arg0, %arg1, %c0_i32, %c0_i32_0 : i32, i32, i32, i32
  }
  func.func @transform_1(%arg0: i32, %arg1: i32) -> (i32, i32, i32) {
    %c0_i32 = arith.constant 0 : i32
    %c0_i32_0 = arith.constant 0 : i32
    return %arg0, %arg1, %c0_i32 : i32, i32, i32
  }
  func.func @transform_2(%arg0: i32, %arg1: i32) -> (i32, i32, i32, i32) {
    %c0_i32 = arith.constant 0 : i32
    %c0_i32_0 = arith.constant 0 : i32
    %c0_i32_1 = arith.constant 0 : i32
    return %arg0, %c0_i32, %arg1, %c0_i32_0 : i32, i32, i32, i32
  }
  func.func @transform_3(%arg0: i32, %arg1: i32) -> (i32, i32, i32) {
    %c0_i32 = arith.constant 0 : i32
    %c0_i32_0 = arith.constant 0 : i32
    return %arg0, %arg1, %c0_i32 : i32, i32, i32
  }
  func.func @transform_4(%arg0: i32, %arg1: i32) -> (i32, i32, i32) {
    %c0_i32 = arith.constant 0 : i32
    %c0_i32_0 = arith.constant 0 : i32
    return %arg0, %arg1, %c0_i32 : i32, i32, i32
  }
  func.func @transform_5(%arg0: i32, %arg1: i32) -> (i32, i32, i32) {
    %c0_i32 = arith.constant 0 : i32
    %c0_i32_0 = arith.constant 0 : i32
    return %arg0, %arg1, %c0_i32 : i32, i32, i32
  }
  func.func @transform_6(%arg0: i32, %arg1: i32) -> (i32, i32, i32) {
    %c0_i32 = arith.constant 0 : i32
    %c0_i32_0 = arith.constant 0 : i32
    return %arg0, %arg1, %c0_i32 : i32, i32, i32
  }
  func.func @transform_7(%arg0: i32, %arg1: i32) -> (i32, i32, i32) {
    %c0_i32 = arith.constant 0 : i32
    %c0_i32_0 = arith.constant 0 : i32
    return %arg0, %arg1, %c0_i32 : i32, i32, i32
  }
}

</mosaic_0001>

<sc_bundles>
// kernel: kernel.6.cloned.1.call-start
scs
__scs_entry_jumppad:
0x0: {  	(pc) =	sbr.rel $0x88, $3  }
0x1: {  	(tag) =	ssettag $0x0;
	lr =	simm.s32 $0x1  }
0x2: {  	[smem:$0x3F9F] =	sst lr;
	_ =	strace $0xD0000000  }
0x3: {  	_ = 	snop  }
0x4: {  	_ = 	snop  }
0x5: {  	_ = 	snop  }
0x6: {  	_ = 	snop  }
0x7: {  	_ = 	snop  }
__scs_overlays_trampoline_lowered:
0x8: {  	[smem:$0x3FAE] =	sst s0  }
0x9: {  	[smem:$0x3FAF] =	sst s1  }
0xa: {  	[smem:$0x3FB0] =	sst s2  }
0xb: {  	[smem:$0x3FB1] =	sst s3  }
0xc: {  	[smem:$0x3FB2] =	sst s4  }
0xd: {  	[smem:$0x3FB3] =	sst s5  }
0xe: {  	[smem:$0x3FB4] =	sst s6  }
0xf: {  	[smem:$0x3FB5] =	sst s7  }
0x10: {  	[smem:$0x3FB6] =	sst s8  }
0x11: {  	[smem:$0x3FB7] =	sst s9;
	s0 =	simm.s32 @!p0 $0x0  }
0x12: {  	s1 =	sld [smem:$0x3F9D];
	s0 =	simm.s32 @p0 $0x1  }
0x13: {  	[smem:$0x3FB8] =	sst s0;
	s0 =	simm.s32 @!p1 $0x0  }
0x14: {  	s2 =	sld [smem:$0x3F9C];
	s0 =	simm.s32 @p1 $0x1  }
0x15: {  	[smem:$0x3FB9] =	sst s0;
	s0 =	simm.s32 @!p2 $0x0  }
0x16: {  	s3 =	sld [smem:$0x3FDB];
	s0 =	simm.s32 @p2 $0x1  }
0x17: {  	s4 =	simm.s32 $0x1BF5;
	[smem:$0x3FBB] =	sst s0  }
0x18: {  	s0 =	sld [smem:$0x3F9E];
	_ =	swait.ge [sflag:s4], $0x0  }
0x19: {  	s7 =	sld [smem:$0x3F9F]  }
0x1a: {  	s8 =	sadd.s32 $0xFFFFE003, lr  }
0x1b: {  	s9 =	sadd.s32 $0xFFFFFEF7, lr;
	s5 =	simm.s32 $0xFFFFFFFF;
	p2 =	slt.u32 s8, $0xFFFFF086  }
0x1c: {  	p1 =	slt.u32 s9, $0xF7A;
	s5 =	simm.s32 @!p2 $0x0  }
0x1d: {  	s5 =	simm.s32 @p1 $0x1;
	p0 =	seq.s32 s7, s2  }
0x1e: {  	s7 =	smul.u32 @!p0 $0xF7A, s2;
	p2 =	seq.s32 @!p0 s5, $0x0  }
0x1f: {  	s9 =	smul.u32 $0xF7A, s1;
	s8 =	simm.s32 @!p0 $0x1BF5;
	p2 =	por !p2, p0  }
0x20: {  	[sflag:s8] =	ssyncset.s32 @!p0 $0xFFFFF086;
	s6 =	sadd.s32 @!p0 s3, s7;
	s7 =	simm.s32 @!p0 $0x108  }
0x21: {  	s3 =	sadd.s32 s3, s9;
	s6 =	sadd.s32 @!p0 $0x88, s6;
	s7 =	simm.s32 @p2 $0x1082  }
0x22: {  	[simem:s7], [sflag:s8] =	dma.local @!p0 [hbm:s6], $0xF7A  }
0x23: {  	s9 =	sor.u32 $0xD0000000, s2;
	s6 =	simm.s32 $0x108;
	_ =	swait.ge @!p0 [sflag:s8], $0x0  }
0x24: {  	s3 =	sadd.s32 $0x88, s3;
	s6 =	simm.s32 @!p1 $0x1082;
	[sflag:s4] =	ssyncset.s32 $0xFFFFF086  }
0x25: {  	[simem:s6], [sflag:s4] =	dma.local [hbm:s3], $0xF7A  }
0x26: {  	[smem:$0x3F9F] =	sst s1;
	(tag) =	ssettag s2;
	_ =	strace s9  }
0x27: {  	s1 =	sld [smem:$0x3FAF]  }
0x28: {  	s2 =	sld [smem:$0x3FB0]  }
0x29: {  	s4 =	sld [smem:$0x3FB2]  }
0x2a: {  	p0 =	seq.s32 s5, $0x0;
	s5 =	sld [smem:$0x3FB3]  }
0x2b: {  	s6 =	sld [smem:$0x3FB4]  }
0x2c: {  	s7 =	sld [smem:$0x3FB5]  }
0x2d: {  	s3 =	simm.s32 $0x108;
	s8 =	sld [smem:$0x3FB6]  }
0x2e: {  	s3 =	simm.s32 @!p0 $0x1082;
	s9 =	sld [smem:$0x3FB7]  }
0x2f: {  	lr =	sadd.s32 s0, s3;
	s0 =	sld [smem:$0x3FAE]  }
0x30: {  	s3 =	sld [smem:$0x3FB1]  }
0x31: {  	[smem:$0x3FBA] =	sst s10  }
0x32: {  	s10 =	sld [smem:$0x3FB8];
	_ =	sdelay $0x3  }
0x33: {  	p0 =	seq.s32 s10, $0x1;
	s10 =	sld [smem:$0x3FBA];
	_ =	sdelay $0x3  }
0x34: {  	[smem:$0x3FBA] =	sst s10  }
0x35: {  	s10 =	sld [smem:$0x3FB9];
	_ =	sdelay $0x3  }
0x36: {  	p1 =	seq.s32 s10, $0x1;
	s10 =	sld [smem:$0x3FBA];
	_ =	sdelay $0x3  }
0x37: {  	[smem:$0x3FBA] =	sst s10  }
0x38: {  	s10 =	sld [smem:$0x3FBB]  }
0x39: {  	_ = 	snop;
	(pc) =	sbr.ind lr, $3  }
0x3a: {  	_ = 	snop  }
0x3b: {  	_ = 	snop  }
0x3c: {  	p2 =	seq.s32 s10, $0x1;
	s10 =	sld [smem:$0x3FBA]  }
0x3d: {  	_ =	shalt  }
0x3e: {  	_ =	shalt  }
0x3f: {  	_ =	shalt  }
0x40: {  	_ =	shalt  }
0x41: {  	_ =	shalt  }
0x42: {  	_ =	shalt  }
0x43: {  	_ =	shalt  }
0x44: {  	_ =	shalt  }
0x45: {  	_ =	shalt  }
0x46: {  	_ =	shalt  }
0x47: {  	_ =	shalt  }
0x48: {  	_ =	shalt  }
0x49: {  	_ =	shalt  }
0x4a: {  	_ =	shalt  }
0x4b: {  	_ =	shalt  }
0x4c: {  	_ =	shalt  }
0x4d: {  	_ =	shalt  }
0x4e: {  	_ =	shalt  }
0x4f: {  	_ =	shalt  }
0x50: {  	_ =	shalt  }
0x51: {  	_ =	shalt  }
0x52: {  	_ =	shalt  }
0x53: {  	_ =	shalt  }
0x54: {  	_ =	shalt  }
0x55: {  	_ =	shalt  }
0x56: {  	_ =	shalt  }
0x57: {  	_ =	shalt  }
0x58: {  	_ =	shalt  }
0x59: {  	_ =	shalt  }
0x5a: {  	_ =	shalt  }
0x5b: {  	_ =	shalt  }
0x5c: {  	_ =	shalt  }
0x5d: {  	_ =	shalt  }
0x5e: {  	_ =	shalt  }
0x5f: {  	_ =	shalt  }
0x60: {  	_ =	shalt  }
0x61: {  	_ =	shalt  }
0x62: {  	_ =	shalt  }
0x63: {  	_ =	shalt  }
0x64: {  	_ =	shalt  }
0x65: {  	_ =	shalt  }
0x66: {  	_ =	shalt  }
0x67: {  	_ =	shalt  }
0x68: {  	_ =	shalt  }
0x69: {  	_ =	shalt  }
0x6a: {  	_ =	shalt  }
0x6b: {  	_ =	shalt  }
0x6c: {  	_ =	shalt  }
0x6d: {  	_ =	shalt  }
0x6e: {  	_ =	shalt  }
0x6f: {  	_ =	shalt  }
0x70: {  	_ =	shalt  }
0x71: {  	_ =	shalt  }
0x72: {  	_ =	shalt  }
0x73: {  	_ =	shalt  }
0x74: {  	_ =	shalt  }
0x75: {  	_ =	shalt  }
0x76: {  	_ =	shalt  }
0x77: {  	_ =	shalt  }
0x78: {  	_ =	shalt  }
0x79: {  	_ =	shalt  }
0x7a: {  	_ =	shalt  }
0x7b: {  	_ =	shalt  }
0x7c: {  	_ =	shalt  }
0x7d: {  	_ =	shalt  }
0x7e: {  	_ =	shalt  }
0x7f: {  	_ =	shalt  }
0x80: {  	_ =	shalt  }
0x81: {  	_ =	shalt  }
0x82: {  	_ =	shalt  }
0x83: {  	_ =	shalt  }
0x84: {  	_ =	shalt  }
0x85: {  	_ =	shalt  }
0x86: {  	_ =	shalt  }
0x87: {  	_ =	shalt  }
.Lfunc_end0:
.L_simem_size_0:
called_computation_lowered:
.L_overlay_start_0:
0x88: {  	s2 =	sld [smem:$0x3FD9]  }
0x89: {  	s3 =	sld [smem:$0x3FFE];
	_ =	sdelay $0x1  }
0x8a: {  	s1 =	srdreg.scid  }
0x8b: {  	s0 =	sand.u32 $0x1, s1  }
0x8c: {  	s16 =	sshll.u32 s0, $0xA;
	s2 =	sadd.s32 s3, s2  }
0x8d: {  	s2 =	sadd.s32 s2, s16  }
0x8e: {  	[smem:$0x3FC6] =	sst s2  }
0x8f: {  	_ = 	snop  }
0x90: {  	(tm) =	ssettm $0x1  }
0x91: {  	s17 =	sld [smem:$0x3FFB];
	_ =	sdelay $0x3  }
0x92: {  	_ =	strace s17  }
0x93: {  	s2 =	sld [smem:$0x3FFC];
	_ =	sdelay $0x3  }
0x94: {  	_ =	strace s2  }
0x95: {  	s2 =	sld [smem:$0x3FFD];
	_ =	sdelay $0x3  }
0x96: {  	_ =	strace s2  }
0x97: {  	_ =	strace $0x8FFFFFFF  }
0x98: {  	s18 =	sld [smem:$0x3FDB];
	_ =	sdelay $0x1  }
0x99: {  	s19 =	simm.s32 $_scs_section_size  }
0x9a: {  	s4 =	simm.s32 $_size__tile_overlayer_lowered;
	s5 =	simm.s32 $_tile_overlayer_lowered  }
0x9b: {  	s22 =	simm.s32 $0x1BFF;
	s21 =	sshll.u32 s5, $0x1;
	s2 =	sadd.s32 s19, s18  }
0x9c: {  	s6 =	simm.s32 $0x0;
	s20 =	sshll.u32 s4, $0x1;
	s4 =	sadd.s32 s21, s2  }
0x9d: {  	[timem:s6], [sflag:s22] =	dma.local [hbm:s4], s20  }
0x9e: {  	_ =	swait.ge [sflag:s22], s20  }
0x9f: {  	s3 =	ssub.s32 $0x0, s20;
	[sflag:s22] =	ssyncset.done $0x0  }
0xa0: {  	[sflag:s22] =	ssyncadd.s32 s3;
	_ =	sdelay $0x1  }
0xa1: {  	s23 =	simm.s32 $0x1B8B  }
0xa2: {  	_ =	swait.ge [sflag:s23], $0x1  }
0xa3: {  	[sflag:s23] =	ssyncset.done $0x0  }
0xa4: {  	s25 =	simm.s32 $0x1B8E;
	s24 =	sld [smem:$0x3FFE];
	[sflag:s23] =	ssyncadd.s32 $0xFFFFFFFF  }
0xa5: {  	s26 =	simm.s32 $execute0_lowered;
	[smem:$0x3FD2] =	sst s25  }
0xa6: {  	s4 =	sshll.u32 s26, $0x1;
	_ =	strace $0x80000046;
	[dreg:$0x1] =	wrdreg $0xFFFFFFFF  }
0xa7: {  	s28 =	simm.s32 $_size_execute0_lowered;
	s2 =	sadd.s32 s2, s4;
	[dreg:$0x0] =	wrdreg $0x0  }
0xa8: {  	s4 =	sshll.u32 s28, $0x1;
	[dreg:$0x2] =	wrdreg s2  }
0xa9: {  	[dreg:$0x3] =	wrdreg s4  }
0xaa: {  	[dreg:$0x4] =	wrdreg $0xC0  }
0xab: {  	_ =	task [dreg:s6], $0x5FFFF  }
0xac: {  	[dreg:$0x1] =	wrdreg $0xFFFFFFFF  }
0xad: {  	[dreg:$0x0] =	wrdreg $0x60  }
0xae: {  	[dreg:$0x2] =	wrdreg s24  }
0xaf: {  	[dreg:$0x3] =	wrdreg $0x9  }
0xb0: {  	_ =	task.clear_ibuf [dreg:s6], $0x4FFFF;
	_ =	strace $0x90000046  }
0xb1: {  	s29 =	simm.s32 $0x9;
	_ =	strace $0x80000048  }
0xb2: {  	_ =	swait.ge [sflag:s29], $0x1  }
0xb3: {  	[sflag:s29] =	ssyncadd.s32 $0xFFFFFFFF  }
0xb4: {  	_ =	strace $0x90000048  }
0xb5: {  	_ =	sfence  }
0xb6: {  	s30 =	sld [smem:$0x0];
	_ =	sdelay $0x2  }
0xb7: {  	s31 =	sshll.u32 s1, $0xD;
	s1 =	sshrl.u32 s1, $0x2  }
0xb8: {  	s3 =	sand.u32 $0x4000, s31;
	s1 =	sadd.s32 s1, s30  }
0xb9: {  	s0 =	sor.u32 s3, s0;
	s1 =	sshll.u32 s1, $0x11  }
0xba: {  	s0 =	sor.u32 s1, s0  }
0xbb: {  	s0 =	sadd.s32 $0x8F2B, s0  }
0xbc: {  	[sflag:s0] =	ssyncadd.remote.s32 $0x1  }
0xbd: {  	_ =	sfence.sel $0xFFFF  }
0xbe: {  	[dreg:$0x0] =	wrdreg $0xFFFFFFFF;
	(pc) =	sbr.abs _section_cstart, $3  }
0xbf: {  	[dreg:$0x1] =	wrdreg $0xFFFFFFFF  }
0xc0: {  	_ =	task.clear_ibuf [dreg:s6], $0x2FFFF;
	_ =	strace $0x9FFFFFFF  }
0xc1: {  	(tm) =	ssettm $0x7FFFFFFF  }
tec
execute0_lowered:
.L_overlay_start_1:
0x0: {  	(tag) =	ssettag $0x1  }
0x1: {  	s1 =	srdreg.scid  }
0x2: {  	s0 =	stileid.u32;
	s3 =	rddreg [dreg:$0x0]  }
0x3: {  	s2 =	simm.s32 $0x0;
	s9 =	simm.s32 $0x4270;
	s10 =	simm.s32 $0x0  }
0x4: {  	s4 =	sand.u32 $0x1, s1;
	s5 =	sshll.u32 s0, $0x1;
	[smem:$0x7FF] =	sst s2  }
0x5: {  	s1 =	rddreg [dreg:$0x1];
	s5 =	sor.u32 s4, s5;
	_ =	strace $0x80000047  }
0x6: {  	s4 =	ssub.s32 $0x2, s4;
	s6 =	sshll.u32 s5, $0x6;
	s7 =	sshll.u32 s5, $0xB  }
0x7: {  	s5 =	sshll.u32 s5, $0xD;
	s31 =	sshrl.u32 s4, $0x1;
	s6 =	sadd.s32 s6, s3  }
0x8: {  	s7 =	sadd.s32 s7, s3;
	s5 =	sadd.s32 s5, s3;
	s8 =	ssub.s32 s4, s31  }
0x9: {  	v0 =	vimm.s32 $0x0;
	s3 =	sadd.s32 $0x1200, s6;
	s4 =	sadd.s32 $0x41A00, s7;
	s5 =	sadd.s32 $0x1A00, s5  }
0xa: {  	v1 =	vimm.f32 $0.0e+00;
	v2 =	vlaneseq.u32;
	v3 =	vimm.s32 $0xFFFFFFFF;
	s6 =	smax.u32 s8, $0x1;
	s7 =	simm.s32 $0x1;
	s8 =	simm.s32 $0x270  }
.LBB2_1:
0xb: {  	s11 =	simm.s32 $0x0  }
.LBB2_2:
0xc: {  	p0 =	sne.s32 s11, $0xFFC0  }
.Ltmp0:
0xd: {  	_ = 	snop;
	(pc) =	sbr.rel @p0 .LBB2_2-.Ltmp0, $3  }
0xe: {  	_ =	sdelay $0x1  }
0xf: {  	s12 =	sshra.s32 s11, $0x2  }
0x10: {  	s11 =	sadd.s32 $0x40, s11;
	[tilespmem:s12+$0x270] =	vst v0  }
0x11: {  	s11 =	simm.s32 $0x40;
	s13 =	simm.s32 $0x0  }
.LBB2_4:
0x12: {  	p0 =	sne.s32 s11, $0x3FFC0;
	[tilespmem:s13+$0x4270] =	vst v1;
	s12 =	smov.u32 s11;
	s11 =	sadd.s32 $0x40, s11  }
.Ltmp1:
0x13: {  	(pc) =	sbr.rel @p0 .LBB2_4-.Ltmp1, $2  }
0x14: {  	_ =	sdelay $0x2  }
0x15: {  	s13 =	sshra.s32 s12, $0x2  }
0x16: {  	s12 =	simm.s32 $0x0  }
0x17: {  	v4 =	vor.u32 s12, v2  }
0x18: {  	vm0 =	vlt.s32 v4, $0x63  }
0x19: {  	v5 =	vnsel vm0, $0x63, v4  }
0x1a: {  	v5 =	vmul.u32 $0x5, v5;
	_ =	sdelay $0x1  }
0x1b: {  	[tilespmem:s13+$0x4270] =	vst v1;
	v6 =	vadd.s32 $0x2, v5  }
0x1c: {  	[tilespmem:s12], [sflag:$0x1] =	stream.linear.gather [hbm4b:s3+s12], $0x200, $0x38;
	v7 =	vadd.s32 $0x1, v5;
	[tilespmem:$0x14270] =	vst v63  }
0x1d: {  	_ =	swait.ge [sflag:s7], $0x200  }
0x1e: {  	[sflag:s7] =	ssyncset.done $0x0  }
0x1f: {  	[sflag:s7] =	ssyncadd.s32 $0xFFFFFE00  }
0x20: {  	v6 =	vld.idx.msk [tilespmem:v6+s12+$0x0], $0xffff  }
0x21: {  	v9 =	vld.idx.msk [tilespmem:v7+s12+$0x0], $0xffff;
	_ =	sdelay $0x3  }
0x22: {  	v7 =	vmul.f32 $1.280000000e+02, v6  }
0x23: {  	v8 =	vmul.f32 $1.280000000e+02, v9  }
0x24: {  	v7 =	vtrunc.f32 v7  }
0x25: {  	v10 =	vld.idx.msk [tilespmem:v5+s12+$0x0], $0xffff;
	v8 =	vtrunc.f32 v8;
	v7 =	vcvt.f32.s32 v7  }
0x26: {  	v8 =	vcvt.f32.s32 v8  }
0x27: {  	v11 =	vadd.s32 $0x3, v5;
	vm0 =	vgt.s32 v7, $0x0  }
0x28: {  	v5 =	vadd.s32 $0x4, v5;
	vm1 =	vgt.s32 v8, $0x0;
	v7 =	vnsel vm0, $0x0, v7  }
0x29: {  	v8 =	vnsel vm1, $0x0, v8;
	vm0 =	vlt.u32 v4, $0x64;
	v7 =	vmin.u32 v7, $0x7F  }
0x2a: {  	v4 =	vmin.u32 v8, $0x7F;
	v8 =	vtrunc.f32 v10;
	v7 =	vshll.u32 v7, $0x7  }
0x2b: {  	v8 =	vcvt.f32.s32 v8;
	v10 =	vor.u32 v4, v7  }
0x2c: {  	s13 =	simm.s32 $0x10  }
0x2d: {  	v12 =	vld.idx.msk [tilespmem:v11+s12+$0x0], $0xffff;
	v4 =	vor.u32 s13, v2;
	v7 =	vshll.u32 v8, $0x1;
	v11 =	vor.u32 $0x4000, v10  }
0x2e: {  	s11 =	simm.s32 $0x200;
	vm1 =	vlt.s32 v4, $0x63;
	v8 =	vld.idx.msk [tilespmem:v5+s12+$0x0], $0xffff;
	v5 =	vor.u32 $0x1, v7  }
0x2f: {  	v13 =	vor.u32 $0x8000, v10;
	v7 =	vnsel vm1, $0x63, v4;
	[tilespmem:s11+$0x0] =	vst v5  }
0x30: {  	v7 =	vmul.u32 $0x5, v7;
	[tilespmem:v10+s8+$0x0] =	vst.idx.msk vm0, v5  }
0x31: {  	[tilespmem:v10+s9+$0x0] =	vst.idx.msk vm0, v9;
	v10 =	vor.u32 $0xC000, v10  }
0x32: {  	[tilespmem:v11+s9+$0x0] =	vst.idx.msk vm0, v6;
	v11 =	vadd.s32 $0x2, v7  }
0x33: {  	v9 =	vadd.s32 $0x1, v7  }
0x34: {  	s15 =	simm.s32 $0x20;
	s14 =	simm.s32 $0x200;
	v5 =	vadd.s32 $0x4, v7;
	v6 =	vadd.s32 $0x3, v7;
	[tilespmem:v13+s9+$0x0] =	vst.idx.msk vm0, v12  }
.LBB2_6:
0x35: {  	p0 =	sne.s32 s15, $0x60  }
0x36: {  	[tilespmem:v10+s9+$0x0] =	vst.idx.msk vm0, v8;
	s14 =	sadd.s32 $0x10, s14;
	s16 =	smov.u32 s15;
	s15 =	sadd.s32 $0x10, s15  }
0x37: {  	v12 =	vld.idx.msk [tilespmem:v11+s12+$0x0], $0xffff  }
0x38: {  	v13 =	vld.idx.msk [tilespmem:v9+s12+$0x0], $0xffff;
	_ =	sdelay $0x4  }
0x39: {  	v8 =	vmul.f32 $1.280000000e+02, v12  }
0x3a: {  	v9 =	vmul.f32 $1.280000000e+02, v13  }
0x3b: {  	v8 =	vtrunc.f32 v8;
	v7 =	vld.idx.msk [tilespmem:v7+s12+$0x0], $0xffff  }
0x3c: {  	v9 =	vtrunc.f32 v9;
	v8 =	vcvt.f32.s32 v8  }
0x3d: {  	v9 =	vcvt.f32.s32 v9  }
0x3e: {  	vm0 =	vgt.s32 v8, $0x0  }
0x3f: {  	vm1 =	vgt.s32 v9, $0x0;
	v8 =	vnsel vm0, $0x0, v8  }
0x40: {  	vm0 =	vlt.u32 v4, $0x64;
	v9 =	vnsel vm1, $0x0, v9;
	v8 =	vmin.u32 v8, $0x7F  }
0x41: {  	v9 =	vmin.u32 v9, $0x7F;
	v7 =	vtrunc.f32 v7;
	v8 =	vshll.u32 v8, $0x7  }
0x42: {  	v4 =	vor.u32 s16, v2;
	v7 =	vcvt.f32.s32 v7;
	v14 =	vor.u32 v9, v8  }
0x43: {  	vm1 =	vlt.s32 v4, $0x63  }
0x44: {  	v8 =	vnsel vm1, $0x63, v4;
	v16 =	vor.u32 $0x4000, v14;
	v15 =	vld.idx.msk [tilespmem:v6+s12+$0x0], $0xffff;
	v6 =	vshll.u32 v7, $0x1  }
0x45: {  	v17 =	vor.u32 $0x8000, v14;
	v7 =	vmul.u32 $0x5, v8;
	v8 =	vld.idx.msk [tilespmem:v5+s12+$0x0], $0xffff;
	v5 =	vor.u32 $0x1, v6  }
.Ltmp2:
0x46: {  	v10 =	vor.u32 $0xC000, v14;
	[tilespmem:s14+$0x0] =	vst v5;
	(pc) =	sbr.rel @p0 .LBB2_6-.Ltmp2, $4  }
0x47: {  	v9 =	vadd.s32 $0x1, v7;
	v11 =	vadd.s32 $0x2, v7;
	v6 =	vadd.s32 $0x3, v7;
	[tilespmem:v14+s8+$0x0] =	vst.idx.msk vm0, v5  }
0x48: {  	v5 =	vadd.s32 $0x4, v7;
	[tilespmem:v14+s9+$0x0] =	vst.idx.msk vm0, v13  }
0x49: {  	[tilespmem:v16+s9+$0x0] =	vst.idx.msk vm0, v12  }
0x4a: {  	[tilespmem:v17+s9+$0x0] =	vst.idx.msk vm0, v15  }
0x4b: {  	_ =	sdelay $0x4  }
0x4c: {  	[tilespmem:v10+s9+$0x0] =	vst.idx.msk vm0, v8  }
0x4d: {  	v8 =	vld.idx.msk [tilespmem:v11+s12+$0x0], $0xffff  }
0x4e: {  	v9 =	vld.idx.msk [tilespmem:v9+s12+$0x0], $0xffff;
	_ =	sdelay $0x3  }
0x4f: {  	v60 =	vmul.f32 $1.280000000e+02, v8  }
0x50: {  	v61 =	vmul.f32 $1.280000000e+02, v9  }
0x51: {  	v7 =	vld.idx.msk [tilespmem:v7+s12+$0x0], $0xffff;
	v10 =	vtrunc.f32 v60  }
0x52: {  	v11 =	vtrunc.f32 v61;
	v10 =	vcvt.f32.s32 v10  }
0x53: {  	v11 =	vcvt.f32.s32 v11  }
0x54: {  	vm0 =	vgt.s32 v10, $0x0  }
0x55: {  	vm1 =	vgt.s32 v11, $0x0;
	v10 =	vnsel vm0, $0x0, v10  }
0x56: {  	v7 =	vtrunc.f32 v7;
	v11 =	vnsel vm1, $0x0, v11;
	v10 =	vmin.u32 v10, $0x7F  }
0x57: {  	vm0 =	vlt.u32 v4, $0x64;
	v4 =	vmin.u32 v11, $0x7F;
	v10 =	vshll.u32 v10, $0x7  }
0x58: {  	v62 =	vor.u32 s12, v2;
	v7 =	vcvt.f32.s32 v7;
	v4 =	vor.u32 v4, v10  }
0x59: {  	vm1 =	vlt.s32 v62, $0x63  }
0x5a: {  	v7 =	vshll.u32 v7, $0x1;
	v12 =	vnsel vm1, $0x63, v62;
	v63 =	vor.u32 $0x4000, v4  }
0x5b: {  	s14 =	sadd.s32 $0x10, s14;
	v6 =	vld.idx.msk [tilespmem:v6+s12+$0x0], $0xffff;
	v7 =	vor.u32 $0x1, v7;
	v12 =	vmul.u32 $0x5, v12;
	v13 =	vor.u32 $0x8000, v4  }
0x5c: {  	v5 =	vld.idx.msk [tilespmem:v5+s12+$0x0], $0xffff;
	[tilespmem:s14+$0x0] =	vst v7;
	v14 =	vor.u32 $0xC000, v4  }
0x5d: {  	[tilespmem:v4+s8+$0x0] =	vst.idx.msk vm0, v7;
	v7 =	vadd.s32 $0x1, v12  }
0x5e: {  	[tilespmem:v4+s9+$0x0] =	vst.idx.msk vm0, v9  }
0x5f: {  	[tilespmem:v63+s9+$0x0] =	vst.idx.msk vm0, v8  }
0x60: {  	[tilespmem:v13+s9+$0x0] =	vst.idx.msk vm0, v6  }
0x61: {  	s12 =	simm.s32 $0x0;
	[tilespmem:v14+s9+$0x0] =	vst.idx.msk vm0, v5  }
0x62: {  	v4 =	vld.idx.msk [tilespmem:v7+s12+$0x0], $0xffff;
	_ =	sdelay $0x3  }
0x63: {  	v5 =	vadd.s32 $0x2, v12  }
0x64: {  	v4 =	vmul.f32 $1.280000000e+02, v4;
	_ =	sdelay $0x1  }
0x65: {  	v6 =	vtrunc.f32 v4  }
0x66: {  	v6 =	vcvt.f32.s32 v6  }
0x67: {  	v5 =	vld.idx.msk [tilespmem:v5+s12+$0x0], $0xffff  }
0x68: {  	vm0 =	vgt.s32 v6, $0x0  }
0x69: {  	v6 =	vnsel vm0, $0x0, v6  }
0x6a: {  	v6 =	vmin.u32 v6, $0x7F  }
0x6b: {  	v7 =	vcvt.s32.f32 v6  }
0x6c: {  	v5 =	vmul.f32 $1.280000000e+02, v5  }
0x6d: {  	v4 =	vsub.f32 v4, v7  }
0x6e: {  	v5 =	vtrunc.f32 v5  }
0x6f: {  	v5 =	vcvt.f32.s32 v5;
	v7 =	vor.u32 s13, v2;
	vm0 =	vge.f32 v4, $5.000000000e-01  }
0x70: {  	vm2 =	vlt.u32 v62, $0x64;
	vm1 =	vlt.s32 v7, $0x63;
	v4 =	vsel vm0, $0x1, v3  }
0x71: {  	v8 =	vnsel vm1, $0x63, v7;
	vm0 =	vgt.s32 v5, $0x0;
	v4 =	vadd.s32 v6, v4  }
0x72: {  	v6 =	vmul.u32 $0x5, v8;
	v5 =	vnsel vm0, $0x0, v5;
	vm0 =	vgt.s32 v4, $0x0  }
0x73: {  	v5 =	vmin.u32 v5, $0x7F;
	vm1 =	vlt.u32 v4, $0x80;
	v4 =	vnsel vm0, $0x0, v4  }
0x74: {  	vm0 =	vmand vm2, vm1;
	v5 =	vshll.u32 v5, $0x7;
	v4 =	vmin.u32 v4, $0x7F  }
0x75: {  	v8 =	vld [tilespmem:s11+$0x0];
	v4 =	vor.u32 v5, v4  }
0x76: {  	v5 =	vadd.s32 $0x1, v6;
	_ =	sdelay $0x3  }
0x77: {  	[tilespmem:v4+s8+$0x0] =	vst.idx.msk vm0, v8  }
0x78: {  	v4 =	vld.idx.msk [tilespmem:v5+s12+$0x0], $0xffff;
	_ =	sdelay $0x3  }
0x79: {  	v5 =	vadd.s32 $0x2, v6  }
0x7a: {  	v4 =	vmul.f32 $1.280000000e+02, v4;
	_ =	sdelay $0x1  }
0x7b: {  	v6 =	vtrunc.f32 v4  }
0x7c: {  	v6 =	vcvt.f32.s32 v6  }
0x7d: {  	v5 =	vld.idx.msk [tilespmem:v5+s12+$0x0], $0xffff  }
0x7e: {  	vm0 =	vgt.s32 v6, $0x0  }
0x7f: {  	v6 =	vnsel vm0, $0x0, v6  }
0x80: {  	v6 =	vmin.u32 v6, $0x7F  }
0x81: {  	v8 =	vcvt.s32.f32 v6  }
0x82: {  	v5 =	vmul.f32 $1.280000000e+02, v5  }
0x83: {  	v8 =	vsub.f32 v4, v8  }
0x84: {  	s31 =	simm.s32 $0x20;
	v5 =	vtrunc.f32 v5  }
0x85: {  	v5 =	vcvt.f32.s32 v5;
	v4 =	vor.u32 s31, v2;
	vm1 =	vge.f32 v8, $5.000000000e-01  }
0x86: {  	vm0 =	vlt.u32 v7, $0x64;
	vm2 =	vlt.s32 v4, $0x63;
	v8 =	vsel vm1, $0x1, v3  }
0x87: {  	s13 =	simm.s32 $0x30;
	v7 =	vnsel vm2, $0x63, v4;
	vm1 =	vgt.s32 v5, $0x0;
	v6 =	vadd.s32 v6, v8  }
.LBB2_8:
0x88: {  	p0 =	sne.s32 s13, $0x60;
	v7 =	vmul.u32 $0x5, v7;
	v5 =	vnsel vm1, $0x0, v5;
	vm1 =	vgt.s32 v6, $0x0  }
0x89: {  	vm2 =	vlt.u32 v6, $0x80;
	v5 =	vmin.u32 v5, $0x7F;
	v6 =	vnsel vm1, $0x0, v6  }
0x8a: {  	s11 =	sadd.s32 $0x10, s11;
	vm0 =	vmand vm0, vm2;
	v5 =	vshll.u32 v5, $0x7;
	v6 =	vmin.u32 v6, $0x7F  }
0x8b: {  	v8 =	vld [tilespmem:s11+$0x0];
	v5 =	vor.u32 v5, v6  }
0x8c: {  	v6 =	vadd.s32 $0x1, v7;
	_ =	sdelay $0x3  }
0x8d: {  	[tilespmem:v5+s8+$0x0] =	vst.idx.msk vm0, v8  }
0x8e: {  	v5 =	vld.idx.msk [tilespmem:v6+s12+$0x0], $0xffff;
	_ =	sdelay $0x3  }
0x8f: {  	v6 =	vadd.s32 $0x2, v7;
	_ =	sdelay $0x1  }
0x90: {  	v5 =	vmul.f32 $1.280000000e+02, v5;
	_ =	sdelay $0x1  }
0x91: {  	v7 =	vtrunc.f32 v5  }
0x92: {  	v7 =	vcvt.f32.s32 v7;
	v6 =	vld.idx.msk [tilespmem:v6+s12+$0x0], $0xffff;
	_ =	sdelay $0x1  }
0x93: {  	vm0 =	vgt.s32 v7, $0x0  }
0x94: {  	v7 =	vnsel vm0, $0x0, v7  }
0x95: {  	v8 =	vmin.u32 v7, $0x7F  }
0x96: {  	v7 =	vcvt.s32.f32 v8  }
0x97: {  	v6 =	vmul.f32 $1.280000000e+02, v6  }
.Ltmp3:
0x98: {  	v7 =	vsub.f32 v5, v7;
	(pc) =	sbr.rel @p0 .LBB2_8-.Ltmp3, $4  }
0x99: {  	v5 =	vtrunc.f32 v6  }
0x9a: {  	v6 =	vor.u32 s13, v2;
	v5 =	vcvt.f32.s32 v5;
	vm1 =	vge.f32 v7, $5.000000000e-01  }
0x9b: {  	vm0 =	vlt.u32 v4, $0x64;
	vm2 =	vlt.s32 v6, $0x63;
	v4 =	vmovc v6;
	v9 =	vsel vm1, $0x1, v3  }
0x9c: {  	s13 =	sadd.s32 $0x10, s13;
	v7 =	vnsel vm2, $0x63, v4;
	vm1 =	vgt.s32 v5, $0x0;
	v6 =	vadd.s32 v8, v9  }
0x9d: {  	v7 =	vmul.u32 $0x5, v7;
	v5 =	vnsel vm1, $0x0, v5;
	vm7 =	vgt.s32 v6, $0x0  }
0x9e: {  	vm2 =	vlt.u32 v6, $0x80;
	v5 =	vmin.u32 v5, $0x7F;
	v6 =	vnsel vm7, $0x0, v6  }
0x9f: {  	s11 =	sadd.s32 $0x10, s11;
	vm0 =	vmand vm0, vm2;
	v5 =	vshll.u32 v5, $0x7;
	v6 =	vmin.u32 v6, $0x7F  }
0xa0: {  	v8 =	vld [tilespmem:s11+$0x0];
	v5 =	vor.u32 v5, v6  }
0xa1: {  	v6 =	vadd.s32 $0x1, v7;
	_ =	sdelay $0x3  }
0xa2: {  	s12 =	simm.s32 $0x0;
	[tilespmem:v5+s8+$0x0] =	vst.idx.msk vm0, v8  }
0xa3: {  	v5 =	vld.idx.msk [tilespmem:v6+s12+$0x0], $0xffff;
	_ =	sdelay $0x3  }
0xa4: {  	v6 =	vadd.s32 $0x2, v7  }
0xa5: {  	v5 =	vmul.f32 $1.280000000e+02, v5;
	_ =	sdelay $0x1  }
0xa6: {  	v7 =	vtrunc.f32 v5  }
0xa7: {  	v7 =	vcvt.f32.s32 v7  }
0xa8: {  	v6 =	vld.idx.msk [tilespmem:v6+s12+$0x0], $0xffff  }
0xa9: {  	vm8 =	vgt.s32 v7, $0x0  }
0xaa: {  	v7 =	vnsel vm8, $0x0, v7  }
0xab: {  	v7 =	vmin.u32 v7, $0x7F  }
0xac: {  	v8 =	vcvt.s32.f32 v7  }
0xad: {  	v6 =	vmul.f32 $1.280000000e+02, v6  }
0xae: {  	v5 =	vsub.f32 v5, v8  }
0xaf: {  	v6 =	vtrunc.f32 v6  }
0xb0: {  	v6 =	vcvt.f32.s32 v6;
	vm9 =	vge.f32 v5, $5.000000000e-01  }
0xb1: {  	v5 =	vsel vm9, $0x1, v3  }
0xb2: {  	vm10 =	vgt.s32 v6, $0x0;
	v5 =	vadd.s32 v7, v5  }
0xb3: {  	vm11 =	vlt.u32 v4, $0x64;
	v4 =	vnsel vm10, $0x0, v6;
	vm12 =	vgt.s32 v5, $0x0  }
0xb4: {  	v4 =	vmin.u32 v4, $0x7F;
	vm13 =	vlt.u32 v5, $0x80;
	v5 =	vnsel vm12, $0x0, v5  }
0xb5: {  	s11 =	sadd.s32 $0x10, s11;
	v4 =	vshll.u32 v4, $0x7;
	vm14 =	vmand vm11, vm13;
	v5 =	vmin.u32 v5, $0x7F  }
0xb6: {  	p2 =	por $0x1, $0x1;
	v6 =	vld [tilespmem:s11+$0x0];
	v5 =	vor.u32 v4, v5  }
.Ltmp4:
0xb7: {  	_ = 	snop;
	(pc) =	sbr.rel @!p2 .LBB2_10-.Ltmp4, $4  }
0xb8: {  	_ = 	snop  }
0xb9: {  	v4 =	vor.u32 s12, v2  }
0xba: {  	p0 =	por $0x0, $0x0;
	vm15 =	vlt.s32 v4, $0x63  }
0xbb: {  	p1 =	por $0x0, $0x0;
	s11 =	simm.s32 $0x200;
	s12 =	simm.s32 $0x10;
	v8 =	vnsel vm15, $0x63, v4;
	[tilespmem:v5+s8+$0x0] =	vst.idx.msk vm14, v6  }
0xbc: {  	v5 =	vmul.u32 $0x5, v8;
	_ =	sdelay $0x1  }
0xbd: {  	v6 =	vadd.s32 $0x2, v5;
	_ =	sdelay $0x4  }
0xbe: {  	v6 =	vld.idx.msk [tilespmem:v6+s2+$0x0], $0xffff;
	_ =	sdelay $0x4  }
0xbf: {  	v6 =	vmul.f32 $1.280000000e+02, v6  }
0xc0: {  	v5 =	vadd.s32 $0x1, v5  }
0xc1: {  	v7 =	vtrunc.f32 v6  }
0xc2: {  	v7 =	vcvt.f32.s32 v7;
	_ =	sdelay $0x1  }
0xc3: {  	vm0 =	vgt.s32 v7, $0x0  }
0xc4: {  	v5 =	vld.idx.msk [tilespmem:v5+s2+$0x0], $0xffff;
	v7 =	vnsel vm0, $0x0, v7  }
0xc5: {  	v8 =	vmin.u32 v7, $0x7F  }
0xc6: {  	v7 =	vcvt.s32.f32 v8;
	_ =	sdelay $0x1  }
0xc7: {  	p2 =	por $0x1, $0x1;
	v6 =	vsub.f32 v6, v7  }
.Ltmp5:
0xc8: {  	v5 =	vmul.f32 $1.280000000e+02, v5;
	(pc) =	sbr.rel @!p2 .LBB2_12-.Ltmp5, $4  }
0xc9: {  	vm0 =	vge.f32 v6, $5.000000000e-01  }
0xca: {  	v5 =	vtrunc.f32 v5;
	v7 =	vor.u32 s12, v2;
	v6 =	vsel vm0, $0x1, v3  }
0xcb: {  	v5 =	vcvt.f32.s32 v5;
	vm0 =	vlt.s32 v7, $0x63;
	v6 =	vadd.s32 v8, v6  }
0xcc: {  	p0 =	por $0x1, $0x1;
	s12 =	simm.s32 $0x20;
	v8 =	vnsel vm0, $0x63, v7;
	vm0 =	vlt.u32 v4, $0x64;
	vm1 =	vgt.s32 v6, $0x0  }
0xcd: {  	v4 =	vmul.u32 $0x5, v8;
	vm2 =	vgt.s32 v5, $0x0;
	v8 =	vnsel vm1, $0x0, v6  }
0xce: {  	vm1 =	vlt.u32 v6, $0x80;
	v5 =	vnsel vm2, $0x0, v5;
	v6 =	vmin.u32 v8, $0x7F  }
0xcf: {  	vm0 =	vmand vm0, vm1;
	v5 =	vmin.u32 v5, $0x7F;
	v6 =	vshll.u32 v6, $0x7  }
0xd0: {  	v8 =	vld [tilespmem:s11+$0x0];
	v5 =	vor.u32 v5, v6  }
0xd1: {  	v6 =	vadd.s32 $0x2, v4;
	_ =	sdelay $0x3  }
0xd2: {  	[tilespmem:v5+s8+$0x0] =	vst.idx.msk vm0, v8  }
0xd3: {  	v5 =	vld.idx.msk [tilespmem:v6+s2+$0x0], $0xffff;
	_ =	sdelay $0x4  }
0xd4: {  	v5 =	vmul.f32 $1.280000000e+02, v5  }
0xd5: {  	v4 =	vadd.s32 $0x1, v4  }
0xd6: {  	v6 =	vtrunc.f32 v5  }
0xd7: {  	v6 =	vcvt.f32.s32 v6;
	_ =	sdelay $0x1  }
0xd8: {  	vm0 =	vgt.s32 v6, $0x0  }
0xd9: {  	v4 =	vld.idx.msk [tilespmem:v4+s2+$0x0], $0xffff;
	v6 =	vnsel vm0, $0x0, v6  }
0xda: {  	v6 =	vmin.u32 v6, $0x7F  }
0xdb: {  	v8 =	vcvt.s32.f32 v6;
	_ =	sdelay $0x1  }
0xdc: {  	p2 =	por $0x1, $0x1;
	v5 =	vsub.f32 v5, v8  }
.Ltmp6:
0xdd: {  	v8 =	vmul.f32 $1.280000000e+02, v4;
	(pc) =	sbr.rel @!p2 .LBB2_14-.Ltmp6, $4  }
0xde: {  	vm0 =	vge.f32 v5, $5.000000000e-01  }
0xdf: {  	v4 =	vor.u32 s12, v2;
	v5 =	vtrunc.f32 v8;
	v8 =	vsel vm0, $0x1, v3  }
0xe0: {  	vm0 =	vlt.s32 v4, $0x63;
	v5 =	vcvt.f32.s32 v5;
	v6 =	vadd.s32 v6, v8  }
0xe1: {  	s13 =	simm.s32 $0x30;
	p1 =	por $0x1, $0x1;
	s12 =	simm.s32 $0x200;
	v8 =	vnsel vm0, $0x63, v4;
	vm0 =	vlt.u32 v7, $0x64;
	vm1 =	vgt.s32 v6, $0x0  }
.LBB2_15:
0xe2: {  	p2 =	sne.s32 s13, $0x60;
	v7 =	vmul.u32 $0x5, v8;
	vm2 =	vgt.s32 v5, $0x0;
	v8 =	vnsel vm1, $0x0, v6  }
0xe3: {  	vm1 =	vlt.u32 v6, $0x80;
	v5 =	vnsel vm2, $0x0, v5;
	v6 =	vmin.u32 v8, $0x7F  }
0xe4: {  	s12 =	sadd.s32 $0x10, s12;
	vm0 =	vmand vm0, vm1;
	v5 =	vmin.u32 v5, $0x7F;
	v6 =	vshll.u32 v6, $0x7  }
0xe5: {  	v8 =	vld [tilespmem:s12+$0x0];
	v5 =	vor.u32 v5, v6  }
0xe6: {  	v6 =	vadd.s32 $0x2, v7;
	_ =	sdelay $0x3  }
0xe7: {  	[tilespmem:v5+s8+$0x0] =	vst.idx.msk vm0, v8  }
0xe8: {  	v5 =	vld.idx.msk [tilespmem:v6+s2+$0x0], $0xffff;
	_ =	sdelay $0x5  }
0xe9: {  	v6 =	vadd.s32 $0x1, v7;
	v5 =	vmul.f32 $1.280000000e+02, v5;
	_ =	sdelay $0x1  }
0xea: {  	v7 =	vtrunc.f32 v5  }
0xeb: {  	v7 =	vcvt.f32.s32 v7;
	_ =	sdelay $0x1  }
0xec: {  	vm0 =	vgt.s32 v7, $0x0;
	v6 =	vld.idx.msk [tilespmem:v6+s2+$0x0], $0xffff  }
0xed: {  	v7 =	vnsel vm0, $0x0, v7  }
0xee: {  	v7 =	vmin.u32 v7, $0x7F  }
0xef: {  	v8 =	vcvt.s32.f32 v7;
	_ =	sdelay $0x1  }
0xf0: {  	v5 =	vsub.f32 v5, v8  }
.Ltmp7:
0xf1: {  	v6 =	vmul.f32 $1.280000000e+02, v6;
	(pc) =	sbr.rel @p2 .LBB2_15-.Ltmp7, $4  }
0xf2: {  	vm0 =	vge.f32 v5, $5.000000000e-01  }
0xf3: {  	v9 =	vor.u32 s13, v2;
	v5 =	vtrunc.f32 v6;
	v6 =	vsel vm0, $0x1, v3  }
0xf4: {  	vm0 =	vlt.s32 v9, $0x63;
	v5 =	vcvt.f32.s32 v5;
	v6 =	vadd.s32 v7, v6  }
0xf5: {  	s13 =	sadd.s32 $0x10, s13;
	v8 =	vnsel vm0, $0x63, v9;
	vm0 =	vlt.u32 v4, $0x64;
	v4 =	vmovc v9;
	vm1 =	vgt.s32 v6, $0x0  }
.LBB2_16:
0xf6: {  	v7 =	vmul.u32 $0x5, v8;
	vm2 =	vgt.s32 @p0 v5, $0x0;
	v8 =	vnsel @p0 vm1, $0x0, v6  }
0xf7: {  	vm1 =	vlt.u32 @p0 v6, $0x80;
	s12 =	sadd.s32 @p1 $0x10, s12;
	s13 =	simm.s32 $0x200;
	v5 =	vnsel @p0 vm2, $0x0, v5;
	v6 =	vmin.u32 @p0 v8, $0x7F  }
0xf8: {  	vm0 =	vmand @p0 vm0, vm1;
	s13 =	smov.u32 @p1 s12;
	v5 =	vmin.u32 @p0 v5, $0x7F;
	v6 =	vshll.u32 @p0 v6, $0x7  }
0xf9: {  	v8 =	vld @p0 [tilespmem:s13+$0x0];
	v5 =	vor.u32 @p0 v5, v6  }
0xfa: {  	v58 =	vadd.s32 $0x2, v7;
	_ =	sdelay $0x3  }
0xfb: {  	[tilespmem:v5+s8+$0x0] =	vst.idx.msk @p0 vm0, v8  }
0xfc: {  	v5 =	vld.idx.msk [tilespmem:v58+s2+$0x0], $0xffff;
	_ =	sdelay $0x4  }
0xfd: {  	v5 =	vmul.f32 $1.280000000e+02, v5  }
0xfe: {  	v59 =	vadd.s32 $0x1, v7  }
0xff: {  	v60 =	vtrunc.f32 v5  }
0x100: {  	v7 =	vcvt.f32.s32 v60;
	_ =	sdelay $0x1  }
0x101: {  	vm10 =	vgt.s32 v7, $0x0  }
0x102: {  	v6 =	vld.idx.msk [tilespmem:v59+s2+$0x0], $0xffff;
	v7 =	vnsel vm10, $0x0, v7  }
0x103: {  	v7 =	vmin.u32 v7, $0x7F  }
0x104: {  	v61 =	vcvt.s32.f32 v7;
	_ =	sdelay $0x1  }
0x105: {  	v5 =	vsub.f32 v5, v61  }
0x106: {  	v6 =	vmul.f32 $1.280000000e+02, v6  }
0x107: {  	vm11 =	vge.f32 v5, $5.000000000e-01  }
0x108: {  	v5 =	vtrunc.f32 v6;
	v62 =	vsel vm11, $0x1, v3  }
0x109: {  	v5 =	vcvt.f32.s32 v5;
	v6 =	vadd.s32 v7, v62  }
0x10a: {  	vm12 =	vgt.s32 v6, $0x0  }
0x10b: {  	vm13 =	vlt.u32 v4, $0x64;
	vm14 =	vgt.s32 v5, $0x0;
	v4 =	vnsel vm12, $0x0, v6  }
0x10c: {  	s12 =	sadd.s32 @p0 $0x10, s13;
	vm15 =	vlt.u32 v6, $0x80;
	v5 =	vnsel vm14, $0x0, v5;
	v4 =	vmin.u32 v4, $0x7F  }
0x10d: {  	s11 =	smov.u32 @p0 s12;
	vm0 =	vmand vm13, vm15;
	v5 =	vmin.u32 v5, $0x7F;
	v4 =	vshll.u32 v4, $0x7  }
0x10e: {  	v63 =	vld [tilespmem:s11+$0x0];
	v4 =	vor.u32 v5, v4;
	_ =	sdelay $0x4  }
0x10f: {  	[tilespmem:v4+s8+$0x0] =	vst.idx.msk vm0, v63  }
0x110: {  	[hbm4b:s4+s2] =	stream.linear.scatter [tilespmem:s8], [sflag:$0x1], $0x4000, $0x38;
	[tilespmem:$0x14270] =	vst v63  }
0x111: {  	_ =	swait.ge [sflag:s7], $0x4000  }
0x112: {  	s10 =	sadd.s32 $0x1, s10;
	[sflag:s7] =	ssyncset.done $0x0  }
0x113: {  	p0 =	sne.s32 s10, s6;
	[sflag:s7] =	ssyncadd.s32 $0xFFFFC000  }
0x114: {  	[hbm4b:s5+s2] =	stream.linear.scatter [tilespmem:s9], [sflag:$0x1], $0x10000, $0x38;
	[tilespmem:$0x14270] =	vst v63  }
.Ltmp8:
0x115: {  	_ = 	snop;
	(pc) =	sbr.rel @p0 .LBB2_1-.Ltmp8, $4  }
.Ltmp9:
0x116: {  	_ = 	snop;
	(pc) =	sbr.rel @!p0 .LBB2_17-.Ltmp9, $4  }
0x117: {  	_ =	swait.ge [sflag:s7], $0x10000  }
0x118: {  	[sflag:s7] =	ssyncset.done $0x0  }
0x119: {  	[sflag:s7] =	ssyncadd.s32 $0xFFFF0000  }
0x11a: {  	_ = 	snop  }
.LBB2_10:
.Ltmp10:
0x11b: {  	(pc) =	sbr.rel .LBB2_16-.Ltmp10, $2  }
0x11c: {  	_ =	sdelay $0x2  }
0x11d: {  	s12 =	simm.s32 $0x200  }
.LBB2_12:
.Ltmp11:
0x11e: {  	(pc) =	sbr.rel .LBB2_16-.Ltmp11, $2  }
0x11f: {  	_ =	sdelay $0x2  }
0x120: {  	s12 =	simm.s32 $0x200;
	v4 =	vmov v7  }
.LBB2_14:
.Ltmp12:
0x121: {  	(pc) =	sbr.rel .LBB2_16-.Ltmp12, $2  }
0x122: {  	_ =	sdelay $0x2  }
0x123: {  	s12 =	simm.s32 $0x200  }
.LBB2_17:
0x124: {  	_ =	sfence.sel $0x180000  }
0x125: {  	[bflag:$0x0] =	sbarrier.arrive $0xFFFF  }
0x126: {  	p0 =	sne.s32 s0, $0x0;
	_ =	strace $0x90000047  }
0x127: {  	s0 =	sadd.s32 @!p0 $0x100000, s1;
	[bflag:$0x2] =	sbarrier.arrive $0xFFFF  }
0x128: {  	[sflag:s0] =	ssyncadd.tile.s32 @!p0 $0x1;
	_ =	shalt  }
.Lfunc_end2:
_tile_overlayer_lowered:
.L_overlay_start_2:
0x129: {  	(tag) =	ssettag $0x2  }
0x12a: {  	s0 =	rddreg [dreg:$0x0];
	s2 =	stileid.u32  }
0x12b: {  	s1 =	rddreg [dreg:$0x1];
	p0 =	sne.s32 s2, $0x0  }
0x12c: {  	s3 =	rddreg [dreg:$0x2];
	[bflag:$0x3] =	sbarrier.arrive $0xFFFF;
	s2 =	simm.s32 @!p0 $0x1C01  }
0x12d: {  	[timem:s3], [sflag:s2] =	dma.local @!p0 [hbm:s0], s1  }
0x12e: {  	s0 =	simm.s32 @!p0 $0x1  }
0x12f: {  	_ =	swait.ge @!p0 [sflag:s0], s1  }
0x130: {  	s1 =	ssub.s32 @!p0 $0x0, s1;
	[sflag:s0] =	ssyncset.done @!p0 $0x0  }
0x131: {  	[sflag:s0] =	ssyncadd.s32 @!p0 s1  }
0x132: {  	[bflag:$0x3] =	sbarrier.arrive $0xFFFF  }
0x133: {  	_ =	shalt  }

// kernel: kernel.9.cloned.1.call-start
scs
__scs_entry_jumppad:
0x0: {  	(pc) =	sbr.rel $0x88, $3  }
0x1: {  	(tag) =	ssettag $0x0;
	lr =	simm.s32 $0x1  }
0x2: {  	[smem:$0x3F9F] =	sst lr;
	_ =	strace $0xD0000000  }
0x3: {  	_ = 	snop  }
0x4: {  	_ = 	snop  }
0x5: {  	_ = 	snop  }
0x6: {  	_ = 	snop  }
0x7: {  	_ = 	snop  }
__scs_overlays_trampoline_lowered:
0x8: {  	[smem:$0x3FAE] =	sst s0  }
0x9: {  	[smem:$0x3FAF] =	sst s1  }
0xa: {  	[smem:$0x3FB0] =	sst s2  }
0xb: {  	[smem:$0x3FB1] =	sst s3  }
0xc: {  	[smem:$0x3FB2] =	sst s4  }
0xd: {  	[smem:$0x3FB3] =	sst s5  }
0xe: {  	[smem:$0x3FB4] =	sst s6  }
0xf: {  	[smem:$0x3FB5] =	sst s7  }
0x10: {  	[smem:$0x3FB6] =	sst s8  }
0x11: {  	[smem:$0x3FB7] =	sst s9;
	s0 =	simm.s32 @!p0 $0x0  }
0x12: {  	s1 =	sld [smem:$0x3F9D];
	s0 =	simm.s32 @p0 $0x1  }
0x13: {  	[smem:$0x3FB8] =	sst s0;
	s0 =	simm.s32 @!p1 $0x0  }
0x14: {  	s2 =	sld [smem:$0x3F9C];
	s0 =	simm.s32 @p1 $0x1  }
0x15: {  	[smem:$0x3FB9] =	sst s0;
	s0 =	simm.s32 @!p2 $0x0  }
0x16: {  	s3 =	sld [smem:$0x3FDB];
	s0 =	simm.s32 @p2 $0x1  }
0x17: {  	s4 =	simm.s32 $0x1BF5;
	[smem:$0x3FBB] =	sst s0  }
0x18: {  	s0 =	sld [smem:$0x3F9E];
	_ =	swait.ge [sflag:s4], $0x0  }
0x19: {  	s7 =	sld [smem:$0x3F9F]  }
0x1a: {  	s8 =	sadd.s32 $0xFFFFE003, lr  }
0x1b: {  	s9 =	sadd.s32 $0xFFFFFEF7, lr;
	s5 =	simm.s32 $0xFFFFFFFF;
	p2 =	slt.u32 s8, $0xFFFFF086  }
0x1c: {  	p1 =	slt.u32 s9, $0xF7A;
	s5 =	simm.s32 @!p2 $0x0  }
0x1d: {  	s5 =	simm.s32 @p1 $0x1;
	p0 =	seq.s32 s7, s2  }
0x1e: {  	s7 =	smul.u32 @!p0 $0xF7A, s2;
	p2 =	seq.s32 @!p0 s5, $0x0  }
0x1f: {  	s9 =	smul.u32 $0xF7A, s1;
	s8 =	simm.s32 @!p0 $0x1BF5;
	p2 =	por !p2, p0  }
0x20: {  	[sflag:s8] =	ssyncset.s32 @!p0 $0xFFFFF086;
	s6 =	sadd.s32 @!p0 s3, s7;
	s7 =	simm.s32 @!p0 $0x108  }
0x21: {  	s3 =	sadd.s32 s3, s9;
	s6 =	sadd.s32 @!p0 $0x88, s6;
	s7 =	simm.s32 @p2 $0x1082  }
0x22: {  	[simem:s7], [sflag:s8] =	dma.local @!p0 [hbm:s6], $0xF7A  }
0x23: {  	s9 =	sor.u32 $0xD0000000, s2;
	s6 =	simm.s32 $0x108;
	_ =	swait.ge @!p0 [sflag:s8], $0x0  }
0x24: {  	s3 =	sadd.s32 $0x88, s3;
	s6 =	simm.s32 @!p1 $0x1082;
	[sflag:s4] =	ssyncset.s32 $0xFFFFF086  }
0x25: {  	[simem:s6], [sflag:s4] =	dma.local [hbm:s3], $0xF7A  }
0x26: {  	[smem:$0x3F9F] =	sst s1;
	(tag) =	ssettag s2;
	_ =	strace s9  }
0x27: {  	s1 =	sld [smem:$0x3FAF]  }
0x28: {  	s2 =	sld [smem:$0x3FB0]  }
0x29: {  	s4 =	sld [smem:$0x3FB2]  }
0x2a: {  	p0 =	seq.s32 s5, $0x0;
	s5 =	sld [smem:$0x3FB3]  }
0x2b: {  	s6 =	sld [smem:$0x3FB4]  }
0x2c: {  	s7 =	sld [smem:$0x3FB5]  }
0x2d: {  	s3 =	simm.s32 $0x108;
	s8 =	sld [smem:$0x3FB6]  }
0x2e: {  	s3 =	simm.s32 @!p0 $0x1082;
	s9 =	sld [smem:$0x3FB7]  }
0x2f: {  	lr =	sadd.s32 s0, s3;
	s0 =	sld [smem:$0x3FAE]  }
0x30: {  	s3 =	sld [smem:$0x3FB1]  }
0x31: {  	[smem:$0x3FBA] =	sst s10  }
0x32: {  	s10 =	sld [smem:$0x3FB8];
	_ =	sdelay $0x3  }
0x33: {  	p0 =	seq.s32 s10, $0x1;
	s10 =	sld [smem:$0x3FBA];
	_ =	sdelay $0x3  }
0x34: {  	[smem:$0x3FBA] =	sst s10  }
0x35: {  	s10 =	sld [smem:$0x3FB9];
	_ =	sdelay $0x3  }
0x36: {  	p1 =	seq.s32 s10, $0x1;
	s10 =	sld [smem:$0x3FBA];
	_ =	sdelay $0x3  }
0x37: {  	[smem:$0x3FBA] =	sst s10  }
0x38: {  	s10 =	sld [smem:$0x3FBB]  }
0x39: {  	_ = 	snop;
	(pc) =	sbr.ind lr, $3  }
0x3a: {  	_ = 	snop  }
0x3b: {  	_ = 	snop  }
0x3c: {  	p2 =	seq.s32 s10, $0x1;
	s10 =	sld [smem:$0x3FBA]  }
0x3d: {  	_ =	shalt  }
0x3e: {  	_ =	shalt  }
0x3f: {  	_ =	shalt  }
0x40: {  	_ =	shalt  }
0x41: {  	_ =	shalt  }
0x42: {  	_ =	shalt  }
0x43: {  	_ =	shalt  }
0x44: {  	_ =	shalt  }
0x45: {  	_ =	shalt  }
0x46: {  	_ =	shalt  }
0x47: {  	_ =	shalt  }
0x48: {  	_ =	shalt  }
0x49: {  	_ =	shalt  }
0x4a: {  	_ =	shalt  }
0x4b: {  	_ =	shalt  }
0x4c: {  	_ =	shalt  }
0x4d: {  	_ =	shalt  }
0x4e: {  	_ =	shalt  }
0x4f: {  	_ =	shalt  }
0x50: {  	_ =	shalt  }
0x51: {  	_ =	shalt  }
0x52: {  	_ =	shalt  }
0x53: {  	_ =	shalt  }
0x54: {  	_ =	shalt  }
0x55: {  	_ =	shalt  }
0x56: {  	_ =	shalt  }
0x57: {  	_ =	shalt  }
0x58: {  	_ =	shalt  }
0x59: {  	_ =	shalt  }
0x5a: {  	_ =	shalt  }
0x5b: {  	_ =	shalt  }
0x5c: {  	_ =	shalt  }
0x5d: {  	_ =	shalt  }
0x5e: {  	_ =	shalt  }
0x5f: {  	_ =	shalt  }
0x60: {  	_ =	shalt  }
0x61: {  	_ =	shalt  }
0x62: {  	_ =	shalt  }
0x63: {  	_ =	shalt  }
0x64: {  	_ =	shalt  }
0x65: {  	_ =	shalt  }
0x66: {  	_ =	shalt  }
0x67: {  	_ =	shalt  }
0x68: {  	_ =	shalt  }
0x69: {  	_ =	shalt  }
0x6a: {  	_ =	shalt  }
0x6b: {  	_ =	shalt  }
0x6c: {  	_ =	shalt  }
0x6d: {  	_ =	shalt  }
0x6e: {  	_ =	shalt  }
0x6f: {  	_ =	shalt  }
0x70: {  	_ =	shalt  }
0x71: {  	_ =	shalt  }
0x72: {  	_ =	shalt  }
0x73: {  	_ =	shalt  }
0x74: {  	_ =	shalt  }
0x75: {  	_ =	shalt  }
0x76: {  	_ =	shalt  }
0x77: {  	_ =	shalt  }
0x78: {  	_ =	shalt  }
0x79: {  	_ =	shalt  }
0x7a: {  	_ =	shalt  }
0x7b: {  	_ =	shalt  }
0x7c: {  	_ =	shalt  }
0x7d: {  	_ =	shalt  }
0x7e: {  	_ =	shalt  }
0x7f: {  	_ =	shalt  }
0x80: {  	_ =	shalt  }
0x81: {  	_ =	shalt  }
0x82: {  	_ =	shalt  }
0x83: {  	_ =	shalt  }
0x84: {  	_ =	shalt  }
0x85: {  	_ =	shalt  }
0x86: {  	_ =	shalt  }
0x87: {  	_ =	shalt  }
.Lfunc_end0:
.L_simem_size_0:
called_computation.1_lowered:
.L_overlay_start_0:
0x88: {  	s2 =	sld [smem:$0x3FD9]  }
0x89: {  	s3 =	sld [smem:$0x3FFE];
	_ =	sdelay $0x1  }
0x8a: {  	s1 =	srdreg.scid  }
0x8b: {  	s0 =	sand.u32 $0x1, s1  }
0x8c: {  	s16 =	sshll.u32 s0, $0xA;
	s2 =	sadd.s32 s3, s2  }
0x8d: {  	s2 =	sadd.s32 s2, s16  }
0x8e: {  	[smem:$0x3FC6] =	sst s2  }
0x8f: {  	_ = 	snop  }
0x90: {  	(tm) =	ssettm $0x1  }
0x91: {  	s17 =	sld [smem:$0x3FFB];
	_ =	sdelay $0x3  }
0x92: {  	_ =	strace s17  }
0x93: {  	s2 =	sld [smem:$0x3FFC];
	_ =	sdelay $0x3  }
0x94: {  	_ =	strace s2  }
0x95: {  	s2 =	sld [smem:$0x3FFD];
	_ =	sdelay $0x3  }
0x96: {  	_ =	strace s2  }
0x97: {  	_ =	strace $0x8FFFFFFF  }
0x98: {  	s18 =	sld [smem:$0x3FDB];
	_ =	sdelay $0x1  }
0x99: {  	s19 =	simm.s32 $_scs_section_size  }
0x9a: {  	s4 =	simm.s32 $_size__tile_overlayer_lowered;
	s5 =	simm.s32 $_tile_overlayer_lowered  }
0x9b: {  	s22 =	simm.s32 $0x1BFF;
	s21 =	sshll.u32 s5, $0x1;
	s2 =	sadd.s32 s19, s18  }
0x9c: {  	s6 =	simm.s32 $0x0;
	s20 =	sshll.u32 s4, $0x1;
	s4 =	sadd.s32 s21, s2  }
0x9d: {  	[timem:s6], [sflag:s22] =	dma.local [hbm:s4], s20  }
0x9e: {  	_ =	swait.ge [sflag:s22], s20  }
0x9f: {  	s3 =	ssub.s32 $0x0, s20;
	[sflag:s22] =	ssyncset.done $0x0  }
0xa0: {  	[sflag:s22] =	ssyncadd.s32 s3;
	_ =	sdelay $0x1  }
0xa1: {  	s23 =	simm.s32 $0x1B8B  }
0xa2: {  	_ =	swait.ge [sflag:s23], $0x1  }
0xa3: {  	[sflag:s23] =	ssyncset.done $0x0  }
0xa4: {  	s25 =	simm.s32 $0x1B8E;
	s24 =	sld [smem:$0x3FFE];
	[sflag:s23] =	ssyncadd.s32 $0xFFFFFFFF  }
0xa5: {  	s26 =	simm.s32 $execute0_lowered;
	[smem:$0x3FD2] =	sst s25  }
0xa6: {  	s4 =	sshll.u32 s26, $0x1;
	_ =	strace $0x80000049;
	[dreg:$0x1] =	wrdreg $0xFFFFFFFF  }
0xa7: {  	s28 =	simm.s32 $_size_execute0_lowered;
	s2 =	sadd.s32 s2, s4;
	[dreg:$0x0] =	wrdreg $0x0  }
0xa8: {  	s4 =	sshll.u32 s28, $0x1;
	[dreg:$0x2] =	wrdreg s2  }
0xa9: {  	[dreg:$0x3] =	wrdreg s4  }
0xaa: {  	[dreg:$0x4] =	wrdreg $0xC0  }
0xab: {  	_ =	task [dreg:s6], $0x5FFFF  }
0xac: {  	[dreg:$0x1] =	wrdreg $0xFFFFFFFF  }
0xad: {  	[dreg:$0x0] =	wrdreg $0x60  }
0xae: {  	[dreg:$0x2] =	wrdreg s24  }
0xaf: {  	[dreg:$0x3] =	wrdreg $0x9  }
0xb0: {  	_ =	task.clear_ibuf [dreg:s6], $0x4FFFF;
	_ =	strace $0x90000049  }
0xb1: {  	s29 =	simm.s32 $0x9;
	_ =	strace $0x8000004B  }
0xb2: {  	_ =	swait.ge [sflag:s29], $0x1  }
0xb3: {  	[sflag:s29] =	ssyncadd.s32 $0xFFFFFFFF  }
0xb4: {  	_ =	strace $0x9000004B  }
0xb5: {  	_ =	sfence  }
0xb6: {  	s30 =	sld [smem:$0x0];
	_ =	sdelay $0x2  }
0xb7: {  	s31 =	sshll.u32 s1, $0xD;
	s1 =	sshrl.u32 s1, $0x2  }
0xb8: {  	s3 =	sand.u32 $0x4000, s31;
	s1 =	sadd.s32 s1, s30  }
0xb9: {  	s0 =	sor.u32 s3, s0;
	s1 =	sshll.u32 s1, $0x11  }
0xba: {  	s0 =	sor.u32 s1, s0  }
0xbb: {  	s0 =	sadd.s32 $0x8F2B, s0  }
0xbc: {  	[sflag:s0] =	ssyncadd.remote.s32 $0x1  }
0xbd: {  	_ =	sfence.sel $0xFFFF  }
0xbe: {  	[dreg:$0x0] =	wrdreg $0xFFFFFFFF;
	(pc) =	sbr.abs _section_cstart, $3  }
0xbf: {  	[dreg:$0x1] =	wrdreg $0xFFFFFFFF  }
0xc0: {  	_ =	task.clear_ibuf [dreg:s6], $0x2FFFF;
	_ =	strace $0x9FFFFFFF  }
0xc1: {  	(tm) =	ssettm $0x7FFFFFFF  }
tec
execute0_lowered:
.L_overlay_start_1:
0x0: {  	(tag) =	ssettag $0x1  }
0x1: {  	s4 =	rddreg [dreg:$0x0]  }
0x2: {  	s0 =	rddreg [dreg:$0x1]  }
0x3: {  	s3 =	srdreg.scid;
	s1 =	stileid.u32;
	s2 =	simm.s32 $0x0  }
0x4: {  	s10 =	simm.s32 $0x270;
	s11 =	simm.s32 $0x1;
	s12 =	simm.s32 $0x3AE0  }
0x5: {  	s5 =	sand.u32 $0x1, s3;
	s31 =	sshll.u32 s1, $0x1;
	[smem:$0x7FF] =	sst s2  }
0x6: {  	s13 =	simm.s32 $0x0;
	s6 =	sor.u32 s5, s31;
	_ =	strace $0x8000004A  }
0x7: {  	s5 =	ssub.s32 $0x2, s5;
	s3 =	sshll.u32 s6, $0x6;
	s8 =	sshll.u32 s6, $0xB  }
0x8: {  	s9 =	sshrl.u32 s5, $0x1;
	s6 =	sshll.u32 s6, $0xE;
	s7 =	sadd.s32 s3, s4  }
0x9: {  	s3 =	sadd.s32 $0x1A00, s4;
	s8 =	sadd.s32 s8, s4;
	s9 =	ssub.s32 s5, s9;
	v0 =	vmov s6  }
0xa: {  	v1 =	vimm.s32 $0x0;
	s4 =	sadd.s32 $0x1200, s7;
	v0 =	vshrl.u32 v0, $0x7;
	s5 =	sadd.s32 $0x11A00, s8;
	s6 =	smax.u32 s9, $0x1  }
0xb: {  	v2 =	vlaneseq.u32;
	v3 =	vimm.s32 $0xFFFFFFFF;
	s7 =	simm.s32 $0x2;
	s8 =	simm.s32 $0x70;
	s9 =	simm.s32 $0x200;
	v0 =	vbroadcast v0, $0x0  }
.LBB2_1:
0xc: {  	s14 =	simm.s32 $0x40;
	s15 =	simm.s32 $0x0  }
.LBB2_2:
0xd: {  	p0 =	sne.s32 s14, $0xFFC0;
	[tilespmem:s15+$0x3AE0] =	vst v1;
	s15 =	smov.u32 s14;
	s14 =	sadd.s32 $0x40, s14  }
.Ltmp0:
0xe: {  	(pc) =	sbr.rel @p0 .LBB2_2-.Ltmp0, $2  }
0xf: {  	_ =	sdelay $0x2  }
0x10: {  	s15 =	sshra.s32 s15, $0x2  }
0x11: {  	s14 =	simm.s32 $0x0  }
0x12: {  	v4 =	vor.u32 s14, v2  }
0x13: {  	vm0 =	vlt.s32 v4, $0x63  }
0x14: {  	v4 =	vnsel vm0, $0x63, v4  }
0x15: {  	v4 =	vmul.u32 $0x5, v4;
	_ =	sdelay $0x1  }
0x16: {  	[tilespmem:s15+$0x3AE0] =	vst v1;
	v4 =	vadd.s32 $0x2, v4  }
0x17: {  	[tilespmem:s14], [sflag:$0x2] =	stream.linear.gather [hbm4b:s4+s14], $0x200, $0x38;
	[tilespmem:$0x7AE0] =	vst v63  }
0x18: {  	_ =	swait.ge [sflag:s7], $0x200  }
0x19: {  	[sflag:s7] =	ssyncset.done $0x0  }
0x1a: {  	[sflag:s7] =	ssyncadd.s32 $0xFFFFFE00  }
0x1b: {  	v4 =	vld.idx.msk [tilespmem:v4+s2+$0x0], $0xffff;
	_ =	sdelay $0x3  }
0x1c: {  	s30 =	simm.s32 $0x10  }
0x1d: {  	v5 =	vor.u32 s30, v2;
	v4 =	vmul.f32 $1.280000000e+02, v4  }
0x1e: {  	vm14 =	vlt.s32 v5, $0x63  }
0x1f: {  	v5 =	vnsel vm14, $0x63, v5;
	v4 =	vtrunc.f32 v4  }
0x20: {  	v5 =	vmul.u32 $0x5, v5;
	v4 =	vcvt.f32.s32 v4;
	_ =	sdelay $0x1  }
0x21: {  	v5 =	vadd.s32 $0x2, v5;
	vm15 =	vgt.s32 v4, $0x0  }
0x22: {  	v4 =	vnsel vm15, $0x0, v4  }
0x23: {  	v4 =	vmin.u32 v4, $0x7F  }
0x24: {  	s14 =	simm.s32 $0x200;
	v4 =	vor.u32 v0, v4  }
0x25: {  	[tilespmem:s14+$0x0] =	vst v4  }
0x26: {  	v5 =	vld.idx.msk [tilespmem:v5+s2+$0x0], $0xffff;
	_ =	sdelay $0x3  }
0x27: {  	s31 =	simm.s32 $0x20  }
0x28: {  	s15 =	simm.s32 $0x30;
	v4 =	vor.u32 s31, v2;
	v5 =	vmul.f32 $1.280000000e+02, v5  }
.LBB2_4:
0x29: {  	p0 =	sne.s32 s15, $0x60;
	vm0 =	vlt.s32 v4, $0x63  }
0x2a: {  	v4 =	vnsel vm0, $0x63, v4;
	v5 =	vtrunc.f32 v5  }
0x2b: {  	v4 =	vmul.u32 $0x5, v4;
	v5 =	vcvt.f32.s32 v5;
	_ =	sdelay $0x1  }
0x2c: {  	v4 =	vadd.s32 $0x2, v4;
	vm0 =	vgt.s32 v5, $0x0  }
0x2d: {  	v5 =	vnsel vm0, $0x0, v5  }
0x2e: {  	v5 =	vmin.u32 v5, $0x7F  }
0x2f: {  	s14 =	sadd.s32 $0x10, s14;
	v5 =	vor.u32 v0, v5  }
0x30: {  	[tilespmem:s14+$0x0] =	vst v5  }
0x31: {  	v5 =	vld.idx.msk [tilespmem:v4+s2+$0x0], $0xffff;
	_ =	sdelay $0x1  }
.Ltmp1:
0x32: {  	(pc) =	sbr.rel @p0 .LBB2_4-.Ltmp1, $2  }
0x33: {  	_ =	sdelay $0x2  }
0x34: {  	v4 =	vor.u32 s15, v2;
	s15 =	sadd.s32 $0x10, s15;
	v5 =	vmul.f32 $1.280000000e+02, v5  }
0x35: {  	vm0 =	vlt.s32 v4, $0x63  }
0x36: {  	v4 =	vnsel vm0, $0x63, v4;
	v5 =	vtrunc.f32 v5  }
0x37: {  	v4 =	vmul.u32 $0x5, v4;
	v5 =	vcvt.f32.s32 v5;
	_ =	sdelay $0x1  }
0x38: {  	v4 =	vadd.s32 $0x2, v4;
	vm0 =	vgt.s32 v5, $0x0  }
0x39: {  	v5 =	vnsel vm0, $0x0, v5  }
0x3a: {  	v5 =	vmin.u32 v5, $0x7F  }
0x3b: {  	s14 =	sadd.s32 $0x10, s14;
	v5 =	vor.u32 v0, v5  }
0x3c: {  	[tilespmem:s14+$0x0] =	vst v5  }
0x3d: {  	v4 =	vld.idx.msk [tilespmem:v4+s2+$0x0], $0xffff;
	_ =	sdelay $0x4  }
0x3e: {  	v4 =	vmul.f32 $1.280000000e+02, v4;
	_ =	sdelay $0x1  }
0x3f: {  	v4 =	vtrunc.f32 v4  }
0x40: {  	s16 =	simm.s32 $0x0;
	v4 =	vcvt.f32.s32 v4  }
0x41: {  	v5 =	vor.u32 s16, v2  }
0x42: {  	vm1 =	vlt.s32 v5, $0x63;
	vm0 =	vgt.s32 v4, $0x0  }
0x43: {  	v6 =	vnsel vm1, $0x63, v5;
	v4 =	vnsel vm0, $0x0, v4  }
0x44: {  	v6 =	vmul.u32 $0x5, v6;
	v4 =	vmin.u32 v4, $0x7F  }
0x45: {  	s14 =	sadd.s32 $0x10, s14;
	v4 =	vor.u32 v0, v4  }
0x46: {  	[tilespmem:s14+$0x0] =	vst v4;
	v4 =	vadd.s32 $0x1, v6  }
0x47: {  	[tilespmem:s10], [sflag:$0x1] =	stream.indirect.gather [hbm4b:s3+s8], $0x80, s9, s8, $0xb8;
	[tilespmem:$0x7AE0] =	vst v63  }
0x48: {  	_ =	swait.ge [sflag:s11], $0x3800  }
0x49: {  	[sflag:s11] =	ssyncset.done $0x0  }
0x4a: {  	[sflag:s11] =	ssyncadd.s32 $0xFFFFC800  }
0x4b: {  	v4 =	vld.idx.msk [tilespmem:v4+s16+$0x0], $0xffff;
	_ =	sdelay $0x1  }
0x4c: {  	v6 =	vadd.s32 $0x2, v6;
	_ =	sdelay $0x2  }
0x4d: {  	v4 =	vmul.f32 $1.280000000e+02, v4;
	_ =	sdelay $0x1  }
0x4e: {  	v6 =	vld.idx.msk [tilespmem:v6+s16+$0x0], $0xffff;
	v4 =	vtrunc.f32 v4  }
0x4f: {  	v4 =	vcvt.f32.s32 v4;
	_ =	sdelay $0x1  }
0x50: {  	vm0 =	vgt.s32 v4, $0x0  }
0x51: {  	v4 =	vnsel vm0, $0x0, v4  }
0x52: {  	v6 =	vmul.f32 $1.280000000e+02, v6;
	v7 =	vmin.u32 v4, $0x7F;
	v4 =	vshll.u32 v5, $0x7  }
0x53: {  	v8 =	vor.u32 v4, v7  }
0x54: {  	v4 =	vtrunc.f32 v6  }
0x55: {  	v6 =	vcvt.f32.s32 v4  }
0x56: {  	s31 =	simm.s32 $0x10  }
0x57: {  	v4 =	vor.u32 s31, v2;
	vm0 =	vgt.s32 v6, $0x0  }
0x58: {  	vm2 =	vlt.s32 v4, $0x63;
	v6 =	vnsel vm0, $0x0, v6;
	v8 =	vld.idx.msk [tilespmem:v8+s10+$0x0], $0xffff  }
0x59: {  	v9 =	vnsel vm2, $0x63, v4;
	v6 =	vmin.u32 v6, $0x7F  }
0x5a: {  	v9 =	vmul.u32 $0x5, v9;
	vm0 =	vlt.u32 v5, $0x64;
	v6 =	vshll.u32 v6, $0x7  }
0x5b: {  	v6 =	vor.u32 v7, v6  }
0x5c: {  	v7 =	vadd.s32 $0x1, v9  }
0x5d: {  	v8 =	vshll.u32 v8, $0x1  }
0x5e: {  	s14 =	simm.s32 $0x3A70;
	v8 =	vor.u32 $0x1, v8  }
0x5f: {  	[tilespmem:s14+$0x0] =	vst v8  }
0x60: {  	[tilespmem:v6+s12+$0x0] =	vst.idx.msk vm0, v8  }
0x61: {  	v6 =	vld.idx.msk [tilespmem:v7+s16+$0x0], $0xffff;
	_ =	sdelay $0x1  }
0x62: {  	v7 =	vadd.s32 $0x2, v9;
	_ =	sdelay $0x2  }
0x63: {  	v6 =	vmul.f32 $1.280000000e+02, v6;
	_ =	sdelay $0x1  }
0x64: {  	v7 =	vld.idx.msk [tilespmem:v7+s16+$0x0], $0xffff;
	v6 =	vtrunc.f32 v6  }
0x65: {  	v6 =	vcvt.f32.s32 v6;
	_ =	sdelay $0x1  }
0x66: {  	vm3 =	vgt.s32 v6, $0x0  }
0x67: {  	v6 =	vnsel vm3, $0x0, v6  }
0x68: {  	v7 =	vmul.f32 $1.280000000e+02, v7;
	v8 =	vmin.u32 v6, $0x7F;
	v6 =	vshll.u32 v4, $0x7  }
0x69: {  	v6 =	vor.u32 v6, v8  }
0x6a: {  	v7 =	vtrunc.f32 v7  }
0x6b: {  	v10 =	vcvt.f32.s32 v7  }
0x6c: {  	s15 =	simm.s32 $0x20  }
0x6d: {  	v7 =	vor.u32 s15, v2;
	vm4 =	vgt.s32 v10, $0x0  }
0x6e: {  	s18 =	simm.s32 $0x30;
	s17 =	simm.s32 $0x3A70;
	vm3 =	vlt.s32 v7, $0x63;
	v10 =	vnsel vm4, $0x0, v10;
	v9 =	vld.idx.msk [tilespmem:v6+s10+$0x0], $0xffff;
	v6 =	vmov v4  }
.LBB2_6:
0x6f: {  	p0 =	sne.s32 s18, $0x60;
	v11 =	vnsel vm3, $0x63, v7;
	v10 =	vmin.u32 v10, $0x7F  }
0x70: {  	vm3 =	vlt.u32 v6, $0x64;
	v6 =	vmovc v7;
	v11 =	vmul.u32 $0x5, v11;
	v10 =	vshll.u32 v10, $0x7  }
0x71: {  	v7 =	vor.u32 v8, v10  }
0x72: {  	v8 =	vadd.s32 $0x1, v11  }
0x73: {  	v9 =	vshll.u32 v9, $0x1  }
0x74: {  	s17 =	sadd.s32 $0x10, s17;
	v9 =	vor.u32 $0x1, v9  }
0x75: {  	[tilespmem:s17+$0x0] =	vst v9  }
0x76: {  	[tilespmem:v7+s12+$0x0] =	vst.idx.msk vm3, v9  }
0x77: {  	v7 =	vld.idx.msk [tilespmem:v8+s16+$0x0], $0xffff;
	_ =	sdelay $0x2  }
0x78: {  	v8 =	vadd.s32 $0x2, v11;
	_ =	sdelay $0x2  }
0x79: {  	v7 =	vmul.f32 $1.280000000e+02, v7;
	_ =	sdelay $0x1  }
0x7a: {  	v7 =	vtrunc.f32 v7;
	v9 =	vld.idx.msk [tilespmem:v8+s16+$0x0], $0xffff  }
0x7b: {  	v7 =	vcvt.f32.s32 v7;
	_ =	sdelay $0x1  }
0x7c: {  	vm3 =	vgt.s32 v7, $0x0  }
0x7d: {  	v7 =	vnsel vm3, $0x0, v7  }
0x7e: {  	v8 =	vmin.u32 v7, $0x7F;
	v7 =	vshll.u32 v6, $0x7  }
0x7f: {  	v9 =	vmul.f32 $1.280000000e+02, v9;
	v10 =	vor.u32 v7, v8;
	_ =	sdelay $0x1  }
.Ltmp2:
0x80: {  	v7 =	vtrunc.f32 v9;
	(pc) =	sbr.rel @p0 .LBB2_6-.Ltmp2, $3  }
0x81: {  	v11 =	vcvt.f32.s32 v7;
	_ =	sdelay $0x1  }
0x82: {  	v7 =	vor.u32 s18, v2;
	vm4 =	vgt.s32 v11, $0x0;
	v9 =	vld.idx.msk [tilespmem:v10+s10+$0x0], $0xffff  }
0x83: {  	s18 =	sadd.s32 $0x10, s18;
	vm3 =	vlt.s32 v7, $0x63;
	v10 =	vnsel vm4, $0x0, v11  }
0x84: {  	v11 =	vnsel vm3, $0x63, v7;
	v10 =	vmin.u32 v10, $0x7F  }
0x85: {  	vm3 =	vlt.u32 v6, $0x64;
	v11 =	vmul.u32 $0x5, v11;
	v6 =	vshll.u32 v10, $0x7  }
0x86: {  	v6 =	vor.u32 v8, v6  }
0x87: {  	v8 =	vadd.s32 $0x1, v11  }
0x88: {  	v9 =	vshll.u32 v9, $0x1  }
0x89: {  	s17 =	sadd.s32 $0x10, s17;
	v9 =	vor.u32 $0x1, v9  }
0x8a: {  	[tilespmem:s17+$0x0] =	vst v9  }
0x8b: {  	[tilespmem:v6+s12+$0x0] =	vst.idx.msk vm3, v9  }
0x8c: {  	v6 =	vld.idx.msk [tilespmem:v8+s16+$0x0], $0xffff;
	_ =	sdelay $0x1  }
0x8d: {  	v8 =	vadd.s32 $0x2, v11;
	_ =	sdelay $0x2  }
0x8e: {  	v6 =	vmul.f32 $1.280000000e+02, v6;
	_ =	sdelay $0x1  }
0x8f: {  	v8 =	vld.idx.msk [tilespmem:v8+s16+$0x0], $0xffff;
	v6 =	vtrunc.f32 v6  }
0x90: {  	v6 =	vcvt.f32.s32 v6;
	_ =	sdelay $0x1  }
0x91: {  	vm3 =	vgt.s32 v6, $0x0  }
0x92: {  	v6 =	vnsel vm3, $0x0, v6  }
0x93: {  	v63 =	vshll.u32 v7, $0x7;
	v8 =	vmul.f32 $1.280000000e+02, v8;
	v6 =	vmin.u32 v6, $0x7F  }
0x94: {  	v9 =	vor.u32 v63, v6  }
0x95: {  	v8 =	vtrunc.f32 v8  }
0x96: {  	v8 =	vcvt.f32.s32 v8;
	_ =	sdelay $0x1  }
0x97: {  	vm3 =	vgt.s32 v8, $0x0  }
0x98: {  	v8 =	vnsel vm3, $0x0, v8;
	v9 =	vld.idx.msk [tilespmem:v9+s10+$0x0], $0xffff  }
0x99: {  	v5 =	vnsel vm1, $0x63, v5;
	v8 =	vmin.u32 v8, $0x7F  }
0x9a: {  	vm1 =	vlt.u32 v7, $0x64;
	v5 =	vmul.u32 $0x5, v5;
	v7 =	vshll.u32 v8, $0x7  }
0x9b: {  	v6 =	vor.u32 v6, v7  }
0x9c: {  	v7 =	vadd.s32 $0x1, v5  }
0x9d: {  	v8 =	vshll.u32 v9, $0x1  }
0x9e: {  	s31 =	sadd.s32 $0x10, s17;
	v8 =	vor.u32 $0x1, v8  }
0x9f: {  	[tilespmem:s31+$0x0] =	vst v8  }
0xa0: {  	s16 =	simm.s32 $0x0;
	[tilespmem:v6+s12+$0x0] =	vst.idx.msk vm1, v8  }
0xa1: {  	v6 =	vld.idx.msk [tilespmem:v7+s16+$0x0], $0xffff;
	_ =	sdelay $0x3  }
0xa2: {  	v5 =	vadd.s32 $0x2, v5  }
0xa3: {  	v6 =	vmul.f32 $1.280000000e+02, v6;
	_ =	sdelay $0x1  }
0xa4: {  	v7 =	vtrunc.f32 v6  }
0xa5: {  	v7 =	vcvt.f32.s32 v7  }
0xa6: {  	v5 =	vld.idx.msk [tilespmem:v5+s16+$0x0], $0xffff  }
0xa7: {  	vm1 =	vgt.s32 v7, $0x0  }
0xa8: {  	v7 =	vnsel vm1, $0x0, v7  }
0xa9: {  	v7 =	vmin.u32 v7, $0x7F  }
0xaa: {  	v8 =	vcvt.s32.f32 v7  }
0xab: {  	v5 =	vmul.f32 $1.280000000e+02, v5  }
0xac: {  	v6 =	vsub.f32 v6, v8  }
0xad: {  	v5 =	vtrunc.f32 v5  }
0xae: {  	v5 =	vcvt.f32.s32 v5;
	vm1 =	vge.f32 v6, $5.000000000e-01  }
0xaf: {  	v6 =	vsel vm1, $0x1, v3  }
0xb0: {  	v8 =	vnsel vm2, $0x63, v4;
	vm1 =	vgt.s32 v5, $0x0;
	v6 =	vadd.s32 v7, v6  }
0xb1: {  	v7 =	vmul.u32 $0x5, v8;
	v5 =	vnsel vm1, $0x0, v5;
	vm1 =	vgt.s32 v6, $0x0  }
0xb2: {  	v5 =	vmin.u32 v5, $0x7F;
	vm2 =	vlt.u32 v6, $0x80;
	v6 =	vnsel vm1, $0x0, v6  }
0xb3: {  	vm0 =	vmand vm0, vm2;
	v5 =	vshll.u32 v5, $0x7;
	v6 =	vmin.u32 v6, $0x7F  }
0xb4: {  	v8 =	vld [tilespmem:s14+$0x0];
	v5 =	vor.u32 v5, v6  }
0xb5: {  	v6 =	vadd.s32 $0x1, v7;
	_ =	sdelay $0x3  }
0xb6: {  	[tilespmem:v5+s12+$0x0] =	vst.idx.msk vm0, v8  }
0xb7: {  	v5 =	vld.idx.msk [tilespmem:v6+s16+$0x0], $0xffff;
	_ =	sdelay $0x3  }
0xb8: {  	v6 =	vadd.s32 $0x2, v7  }
0xb9: {  	v5 =	vmul.f32 $1.280000000e+02, v5;
	_ =	sdelay $0x1  }
0xba: {  	v7 =	vtrunc.f32 v5  }
0xbb: {  	v7 =	vcvt.f32.s32 v7  }
0xbc: {  	v6 =	vld.idx.msk [tilespmem:v6+s16+$0x0], $0xffff  }
0xbd: {  	vm0 =	vgt.s32 v7, $0x0  }
0xbe: {  	v7 =	vnsel vm0, $0x0, v7  }
0xbf: {  	v8 =	vmin.u32 v7, $0x7F  }
0xc0: {  	v7 =	vcvt.s32.f32 v8  }
0xc1: {  	v6 =	vmul.f32 $1.280000000e+02, v6  }
0xc2: {  	v7 =	vsub.f32 v5, v7  }
0xc3: {  	v6 =	vtrunc.f32 v6  }
0xc4: {  	v6 =	vcvt.f32.s32 v6;
	v5 =	vor.u32 s15, v2;
	vm1 =	vge.f32 v7, $5.000000000e-01  }
0xc5: {  	vm0 =	vlt.u32 v4, $0x64;
	vm2 =	vlt.s32 v5, $0x63;
	v4 =	vsel vm1, $0x1, v3  }
0xc6: {  	s15 =	simm.s32 $0x30;
	v7 =	vnsel vm2, $0x63, v5;
	vm1 =	vgt.s32 v6, $0x0;
	v4 =	vadd.s32 v8, v4  }
.LBB2_8:
0xc7: {  	p0 =	sne.s32 s15, $0x60;
	v7 =	vmul.u32 $0x5, v7;
	v6 =	vnsel vm1, $0x0, v6;
	vm1 =	vgt.s32 v4, $0x0  }
0xc8: {  	vm2 =	vlt.u32 v4, $0x80;
	v6 =	vmin.u32 v6, $0x7F;
	v4 =	vnsel vm1, $0x0, v4  }
0xc9: {  	s14 =	sadd.s32 $0x10, s14;
	vm0 =	vmand vm0, vm2;
	v6 =	vshll.u32 v6, $0x7;
	v4 =	vmin.u32 v4, $0x7F  }
0xca: {  	v8 =	vld [tilespmem:s14+$0x0];
	v4 =	vor.u32 v6, v4  }
0xcb: {  	v6 =	vadd.s32 $0x1, v7;
	_ =	sdelay $0x3  }
0xcc: {  	[tilespmem:v4+s12+$0x0] =	vst.idx.msk vm0, v8  }
0xcd: {  	v4 =	vld.idx.msk [tilespmem:v6+s16+$0x0], $0xffff;
	_ =	sdelay $0x3  }
0xce: {  	v6 =	vadd.s32 $0x2, v7;
	_ =	sdelay $0x1  }
0xcf: {  	v4 =	vmul.f32 $1.280000000e+02, v4;
	_ =	sdelay $0x1  }
0xd0: {  	v7 =	vtrunc.f32 v4  }
0xd1: {  	v7 =	vcvt.f32.s32 v7;
	v6 =	vld.idx.msk [tilespmem:v6+s16+$0x0], $0xffff;
	_ =	sdelay $0x1  }
0xd2: {  	vm0 =	vgt.s32 v7, $0x0  }
0xd3: {  	v7 =	vnsel vm0, $0x0, v7  }
0xd4: {  	v8 =	vmin.u32 v7, $0x7F  }
0xd5: {  	v7 =	vcvt.s32.f32 v8  }
0xd6: {  	v6 =	vmul.f32 $1.280000000e+02, v6  }
.Ltmp3:
0xd7: {  	v4 =	vsub.f32 v4, v7;
	(pc) =	sbr.rel @p0 .LBB2_8-.Ltmp3, $4  }
0xd8: {  	v6 =	vtrunc.f32 v6  }
0xd9: {  	v7 =	vor.u32 s15, v2;
	v6 =	vcvt.f32.s32 v6;
	vm1 =	vge.f32 v4, $5.000000000e-01  }
0xda: {  	vm0 =	vlt.u32 v5, $0x64;
	vm2 =	vlt.s32 v7, $0x63;
	v5 =	vmovc v7;
	v4 =	vsel vm1, $0x1, v3  }
0xdb: {  	s15 =	sadd.s32 $0x10, s15;
	v7 =	vnsel vm2, $0x63, v5;
	vm1 =	vgt.s32 v6, $0x0;
	v4 =	vadd.s32 v8, v4  }
0xdc: {  	v7 =	vmul.u32 $0x5, v7;
	v6 =	vnsel vm1, $0x0, v6;
	vm7 =	vgt.s32 v4, $0x0  }
0xdd: {  	vm2 =	vlt.u32 v4, $0x80;
	v6 =	vmin.u32 v6, $0x7F;
	v4 =	vnsel vm7, $0x0, v4  }
0xde: {  	s14 =	sadd.s32 $0x10, s14;
	vm0 =	vmand vm0, vm2;
	v6 =	vshll.u32 v6, $0x7;
	v4 =	vmin.u32 v4, $0x7F  }
0xdf: {  	v8 =	vld [tilespmem:s14+$0x0];
	v4 =	vor.u32 v6, v4  }
0xe0: {  	v6 =	vadd.s32 $0x1, v7;
	_ =	sdelay $0x3  }
0xe1: {  	s15 =	simm.s32 $0x0;
	[tilespmem:v4+s12+$0x0] =	vst.idx.msk vm0, v8  }
0xe2: {  	v4 =	vld.idx.msk [tilespmem:v6+s15+$0x0], $0xffff;
	_ =	sdelay $0x3  }
0xe3: {  	v6 =	vadd.s32 $0x2, v7  }
0xe4: {  	v4 =	vmul.f32 $1.280000000e+02, v4;
	_ =	sdelay $0x1  }
0xe5: {  	v7 =	vtrunc.f32 v4  }
0xe6: {  	v7 =	vcvt.f32.s32 v7  }
0xe7: {  	v6 =	vld.idx.msk [tilespmem:v6+s15+$0x0], $0xffff  }
0xe8: {  	vm8 =	vgt.s32 v7, $0x0  }
0xe9: {  	v7 =	vnsel vm8, $0x0, v7  }
0xea: {  	v7 =	vmin.u32 v7, $0x7F  }
0xeb: {  	v8 =	vcvt.s32.f32 v7  }
0xec: {  	v6 =	vmul.f32 $1.280000000e+02, v6  }
0xed: {  	v4 =	vsub.f32 v4, v8  }
0xee: {  	v6 =	vtrunc.f32 v6  }
0xef: {  	v6 =	vcvt.f32.s32 v6;
	vm9 =	vge.f32 v4, $5.000000000e-01  }
0xf0: {  	v4 =	vsel vm9, $0x1, v3  }
0xf1: {  	vm10 =	vgt.s32 v6, $0x0;
	v4 =	vadd.s32 v7, v4  }
0xf2: {  	vm11 =	vlt.u32 v5, $0x64;
	v5 =	vnsel vm10, $0x0, v6;
	vm12 =	vgt.s32 v4, $0x0  }
0xf3: {  	v5 =	vmin.u32 v5, $0x7F;
	vm13 =	vlt.u32 v4, $0x80;
	v4 =	vnsel vm12, $0x0, v4  }
0xf4: {  	s14 =	sadd.s32 $0x10, s14;
	v5 =	vshll.u32 v5, $0x7;
	vm14 =	vmand vm11, vm13;
	v4 =	vmin.u32 v4, $0x7F  }
0xf5: {  	p2 =	por $0x1, $0x1;
	v6 =	vld [tilespmem:s14+$0x0];
	v5 =	vor.u32 v5, v4  }
.Ltmp4:
0xf6: {  	_ = 	snop;
	(pc) =	sbr.rel @!p2 .LBB2_10-.Ltmp4, $4  }
0xf7: {  	_ = 	snop  }
0xf8: {  	v4 =	vor.u32 s15, v2  }
0xf9: {  	p0 =	por $0x0, $0x0;
	vm15 =	vlt.s32 v4, $0x63  }
0xfa: {  	p1 =	por $0x0, $0x0;
	s14 =	simm.s32 $0x3A70;
	s15 =	simm.s32 $0x10;
	v8 =	vnsel vm15, $0x63, v4;
	[tilespmem:v5+s12+$0x0] =	vst.idx.msk vm14, v6  }
0xfb: {  	v5 =	vmul.u32 $0x5, v8;
	_ =	sdelay $0x1  }
0xfc: {  	v6 =	vadd.s32 $0x2, v5;
	_ =	sdelay $0x4  }
0xfd: {  	v6 =	vld.idx.msk [tilespmem:v6+s2+$0x0], $0xffff;
	_ =	sdelay $0x4  }
0xfe: {  	v6 =	vmul.f32 $1.280000000e+02, v6  }
0xff: {  	v5 =	vadd.s32 $0x1, v5  }
0x100: {  	v7 =	vtrunc.f32 v6  }
0x101: {  	v7 =	vcvt.f32.s32 v7;
	_ =	sdelay $0x1  }
0x102: {  	vm0 =	vgt.s32 v7, $0x0  }
0x103: {  	v5 =	vld.idx.msk [tilespmem:v5+s2+$0x0], $0xffff;
	v7 =	vnsel vm0, $0x0, v7  }
0x104: {  	v8 =	vmin.u32 v7, $0x7F  }
0x105: {  	v7 =	vcvt.s32.f32 v8;
	_ =	sdelay $0x1  }
0x106: {  	p2 =	por $0x1, $0x1;
	v6 =	vsub.f32 v6, v7  }
.Ltmp5:
0x107: {  	v5 =	vmul.f32 $1.280000000e+02, v5;
	(pc) =	sbr.rel @!p2 .LBB2_12-.Ltmp5, $4  }
0x108: {  	vm0 =	vge.f32 v6, $5.000000000e-01  }
0x109: {  	v5 =	vtrunc.f32 v5;
	v7 =	vor.u32 s15, v2;
	v6 =	vsel vm0, $0x1, v3  }
0x10a: {  	v5 =	vcvt.f32.s32 v5;
	vm0 =	vlt.s32 v7, $0x63;
	v6 =	vadd.s32 v8, v6  }
0x10b: {  	p0 =	por $0x1, $0x1;
	s15 =	simm.s32 $0x20;
	v8 =	vnsel vm0, $0x63, v7;
	vm0 =	vlt.u32 v4, $0x64;
	vm1 =	vgt.s32 v6, $0x0  }
0x10c: {  	v4 =	vmul.u32 $0x5, v8;
	vm2 =	vgt.s32 v5, $0x0;
	v8 =	vnsel vm1, $0x0, v6  }
0x10d: {  	vm1 =	vlt.u32 v6, $0x80;
	v5 =	vnsel vm2, $0x0, v5;
	v6 =	vmin.u32 v8, $0x7F  }
0x10e: {  	vm0 =	vmand vm0, vm1;
	v5 =	vmin.u32 v5, $0x7F;
	v6 =	vshll.u32 v6, $0x7  }
0x10f: {  	v8 =	vld [tilespmem:s14+$0x0];
	v5 =	vor.u32 v5, v6  }
0x110: {  	v6 =	vadd.s32 $0x2, v4;
	_ =	sdelay $0x3  }
0x111: {  	[tilespmem:v5+s12+$0x0] =	vst.idx.msk vm0, v8  }
0x112: {  	v5 =	vld.idx.msk [tilespmem:v6+s2+$0x0], $0xffff;
	_ =	sdelay $0x4  }
0x113: {  	v5 =	vmul.f32 $1.280000000e+02, v5  }
0x114: {  	v4 =	vadd.s32 $0x1, v4  }
0x115: {  	v6 =	vtrunc.f32 v5  }
0x116: {  	v6 =	vcvt.f32.s32 v6;
	_ =	sdelay $0x1  }
0x117: {  	vm0 =	vgt.s32 v6, $0x0  }
0x118: {  	v4 =	vld.idx.msk [tilespmem:v4+s2+$0x0], $0xffff;
	v6 =	vnsel vm0, $0x0, v6  }
0x119: {  	v6 =	vmin.u32 v6, $0x7F  }
0x11a: {  	v8 =	vcvt.s32.f32 v6;
	_ =	sdelay $0x1  }
0x11b: {  	p2 =	por $0x1, $0x1;
	v5 =	vsub.f32 v5, v8  }
.Ltmp6:
0x11c: {  	v8 =	vmul.f32 $1.280000000e+02, v4;
	(pc) =	sbr.rel @!p2 .LBB2_14-.Ltmp6, $4  }
0x11d: {  	vm0 =	vge.f32 v5, $5.000000000e-01  }
0x11e: {  	v4 =	vor.u32 s15, v2;
	v5 =	vtrunc.f32 v8;
	v8 =	vsel vm0, $0x1, v3  }
0x11f: {  	vm0 =	vlt.s32 v4, $0x63;
	v5 =	vcvt.f32.s32 v5;
	v6 =	vadd.s32 v6, v8  }
0x120: {  	s16 =	simm.s32 $0x30;
	p1 =	por $0x1, $0x1;
	s15 =	simm.s32 $0x3A70;
	v8 =	vnsel vm0, $0x63, v4;
	vm0 =	vlt.u32 v7, $0x64;
	vm1 =	vgt.s32 v6, $0x0  }
.LBB2_15:
0x121: {  	p2 =	sne.s32 s16, $0x60;
	v7 =	vmul.u32 $0x5, v8;
	vm2 =	vgt.s32 v5, $0x0;
	v8 =	vnsel vm1, $0x0, v6  }
0x122: {  	vm1 =	vlt.u32 v6, $0x80;
	v5 =	vnsel vm2, $0x0, v5;
	v6 =	vmin.u32 v8, $0x7F  }
0x123: {  	s15 =	sadd.s32 $0x10, s15;
	vm0 =	vmand vm0, vm1;
	v5 =	vmin.u32 v5, $0x7F;
	v6 =	vshll.u32 v6, $0x7  }
0x124: {  	v8 =	vld [tilespmem:s15+$0x0];
	v5 =	vor.u32 v5, v6  }
0x125: {  	v6 =	vadd.s32 $0x2, v7;
	_ =	sdelay $0x3  }
0x126: {  	[tilespmem:v5+s12+$0x0] =	vst.idx.msk vm0, v8  }
0x127: {  	v5 =	vld.idx.msk [tilespmem:v6+s2+$0x0], $0xffff;
	_ =	sdelay $0x5  }
0x128: {  	v6 =	vadd.s32 $0x1, v7;
	v5 =	vmul.f32 $1.280000000e+02, v5;
	_ =	sdelay $0x1  }
0x129: {  	v7 =	vtrunc.f32 v5  }
0x12a: {  	v7 =	vcvt.f32.s32 v7;
	_ =	sdelay $0x1  }
0x12b: {  	vm0 =	vgt.s32 v7, $0x0;
	v6 =	vld.idx.msk [tilespmem:v6+s2+$0x0], $0xffff  }
0x12c: {  	v7 =	vnsel vm0, $0x0, v7  }
0x12d: {  	v7 =	vmin.u32 v7, $0x7F  }
0x12e: {  	v8 =	vcvt.s32.f32 v7;
	_ =	sdelay $0x1  }
0x12f: {  	v5 =	vsub.f32 v5, v8  }
.Ltmp7:
0x130: {  	v6 =	vmul.f32 $1.280000000e+02, v6;
	(pc) =	sbr.rel @p2 .LBB2_15-.Ltmp7, $4  }
0x131: {  	vm0 =	vge.f32 v5, $5.000000000e-01  }
0x132: {  	v9 =	vor.u32 s16, v2;
	v5 =	vtrunc.f32 v6;
	v6 =	vsel vm0, $0x1, v3  }
0x133: {  	vm0 =	vlt.s32 v9, $0x63;
	v5 =	vcvt.f32.s32 v5;
	v6 =	vadd.s32 v7, v6  }
0x134: {  	s16 =	sadd.s32 $0x10, s16;
	v8 =	vnsel vm0, $0x63, v9;
	vm0 =	vlt.u32 v4, $0x64;
	v4 =	vmovc v9;
	vm1 =	vgt.s32 v6, $0x0  }
.LBB2_16:
0x135: {  	v7 =	vmul.u32 $0x5, v8;
	vm2 =	vgt.s32 @p0 v5, $0x0;
	v8 =	vnsel @p0 vm1, $0x0, v6  }
0x136: {  	vm1 =	vlt.u32 @p0 v6, $0x80;
	s15 =	sadd.s32 @p1 $0x10, s15;
	s16 =	simm.s32 $0x3A70;
	v5 =	vnsel @p0 vm2, $0x0, v5;
	v6 =	vmin.u32 @p0 v8, $0x7F  }
0x137: {  	vm0 =	vmand @p0 vm0, vm1;
	s16 =	smov.u32 @p1 s15;
	v5 =	vmin.u32 @p0 v5, $0x7F;
	v6 =	vshll.u32 @p0 v6, $0x7  }
0x138: {  	v8 =	vld @p0 [tilespmem:s16+$0x0];
	v5 =	vor.u32 @p0 v5, v6  }
0x139: {  	v58 =	vadd.s32 $0x2, v7;
	_ =	sdelay $0x3  }
0x13a: {  	[tilespmem:v5+s12+$0x0] =	vst.idx.msk @p0 vm0, v8  }
0x13b: {  	v5 =	vld.idx.msk [tilespmem:v58+s2+$0x0], $0xffff;
	_ =	sdelay $0x4  }
0x13c: {  	v5 =	vmul.f32 $1.280000000e+02, v5  }
0x13d: {  	v59 =	vadd.s32 $0x1, v7  }
0x13e: {  	v60 =	vtrunc.f32 v5  }
0x13f: {  	v7 =	vcvt.f32.s32 v60;
	_ =	sdelay $0x1  }
0x140: {  	vm10 =	vgt.s32 v7, $0x0  }
0x141: {  	v6 =	vld.idx.msk [tilespmem:v59+s2+$0x0], $0xffff;
	v7 =	vnsel vm10, $0x0, v7  }
0x142: {  	v7 =	vmin.u32 v7, $0x7F  }
0x143: {  	v61 =	vcvt.s32.f32 v7;
	_ =	sdelay $0x1  }
0x144: {  	v5 =	vsub.f32 v5, v61  }
0x145: {  	v6 =	vmul.f32 $1.280000000e+02, v6  }
0x146: {  	vm11 =	vge.f32 v5, $5.000000000e-01  }
0x147: {  	v5 =	vtrunc.f32 v6;
	v62 =	vsel vm11, $0x1, v3  }
0x148: {  	v5 =	vcvt.f32.s32 v5;
	v6 =	vadd.s32 v7, v62  }
0x149: {  	vm12 =	vgt.s32 v6, $0x0  }
0x14a: {  	vm13 =	vlt.u32 v4, $0x64;
	vm14 =	vgt.s32 v5, $0x0;
	v4 =	vnsel vm12, $0x0, v6  }
0x14b: {  	s15 =	sadd.s32 @p0 $0x10, s16;
	vm15 =	vlt.u32 v6, $0x80;
	v5 =	vnsel vm14, $0x0, v5;
	v4 =	vmin.u32 v4, $0x7F  }
0x14c: {  	s14 =	smov.u32 @p0 s15;
	vm0 =	vmand vm13, vm15;
	v5 =	vmin.u32 v5, $0x7F;
	v4 =	vshll.u32 v4, $0x7  }
0x14d: {  	v63 =	vld [tilespmem:s14+$0x0];
	v4 =	vor.u32 v5, v4;
	_ =	sdelay $0x3  }
0x14e: {  	s13 =	sadd.s32 $0x1, s13  }
0x14f: {  	p0 =	sne.s32 s13, s6;
	[tilespmem:v4+s12+$0x0] =	vst.idx.msk vm0, v63  }
0x150: {  	[hbm4b:s5+s2] =	stream.linear.scatter [tilespmem:s12], [sflag:$0x2], $0x4000, $0x38;
	[tilespmem:$0x7AE0] =	vst v63  }
.Ltmp8:
0x151: {  	_ = 	snop;
	(pc) =	sbr.rel @p0 .LBB2_1-.Ltmp8, $4  }
.Ltmp9:
0x152: {  	_ = 	snop;
	(pc) =	sbr.rel @!p0 .LBB2_17-.Ltmp9, $4  }
0x153: {  	_ =	swait.ge [sflag:s7], $0x4000  }
0x154: {  	[sflag:s7] =	ssyncset.done $0x0  }
0x155: {  	[sflag:s7] =	ssyncadd.s32 $0xFFFFC000  }
0x156: {  	_ = 	snop  }
.LBB2_10:
.Ltmp10:
0x157: {  	(pc) =	sbr.rel .LBB2_16-.Ltmp10, $2  }
0x158: {  	_ =	sdelay $0x2  }
0x159: {  	s15 =	simm.s32 $0x3A70  }
.LBB2_12:
.Ltmp11:
0x15a: {  	(pc) =	sbr.rel .LBB2_16-.Ltmp11, $2  }
0x15b: {  	_ =	sdelay $0x2  }
0x15c: {  	s15 =	simm.s32 $0x3A70;
	v4 =	vmov v7  }
.LBB2_14:
.Ltmp12:
0x15d: {  	(pc) =	sbr.rel .LBB2_16-.Ltmp12, $2  }
0x15e: {  	_ =	sdelay $0x2  }
0x15f: {  	s15 =	simm.s32 $0x3A70  }
.LBB2_17:
0x160: {  	_ =	sfence.sel $0x180000  }
0x161: {  	[bflag:$0x0] =	sbarrier.arrive $0xFFFF  }
0x162: {  	p0 =	sne.s32 s1, $0x0;
	_ =	strace $0x9000004A  }
0x163: {  	s0 =	sadd.s32 @!p0 $0x100000, s0;
	[bflag:$0x2] =	sbarrier.arrive $0xFFFF  }
0x164: {  	[sflag:s0] =	ssyncadd.tile.s32 @!p0 $0x1;
	_ =	shalt  }
.Lfunc_end2:
_tile_overlayer_lowered:
.L_overlay_start_2:
0x165: {  	(tag) =	ssettag $0x2  }
0x166: {  	s0 =	rddreg [dreg:$0x0];
	s2 =	stileid.u32  }
0x167: {  	s1 =	rddreg [dreg:$0x1];
	p0 =	sne.s32 s2, $0x0  }
0x168: {  	s3 =	rddreg [dreg:$0x2];
	[bflag:$0x3] =	sbarrier.arrive $0xFFFF;
	s2 =	simm.s32 @!p0 $0x1C02  }
0x169: {  	[timem:s3], [sflag:s2] =	dma.local @!p0 [hbm:s0], s1  }
0x16a: {  	s0 =	simm.s32 @!p0 $0x2  }
0x16b: {  	_ =	swait.ge @!p0 [sflag:s0], s1  }
0x16c: {  	s1 =	ssub.s32 @!p0 $0x0, s1;
	[sflag:s0] =	ssyncset.done @!p0 $0x0  }
0x16d: {  	[sflag:s0] =	ssyncadd.s32 @!p0 s1  }
0x16e: {  	[bflag:$0x3] =	sbarrier.arrive $0xFFFF  }
0x16f: {  	_ =	shalt  }

</sc_bundles>
